<compile_context>
chip_gen: v7x
topology: tpu7x:2x2x1
jax: 0.10.2.dev20260603
libtpu: 0.0.44.dev20260713+nightly
codegen_flags: <defaults>
</compile_context>

<pallas_src>
import functools

import jax
import jax.numpy as jnp
from jax import lax
from jax.experimental import pallas as pl
from jax.experimental.pallas import tpu as pltpu
from jax.experimental.pallas import tpu_sc as plsc

N = 10000
E = 320000
D = 128
NC = 2
NS = 16
NW = NC * NS
EPT = E // NW
CH = 128
NF = EPT // CH
TAIL = EPT - NF * CH
CHD = 80
NCHD = EPT // CHD
RPT = 640
RPT_LAST = N - RPT * (NS - 1)

_MESH = plsc.VectorSubcoreMesh(core_axis_name="c", subcore_axis_name="s")


@functools.partial(
    pl.kernel,
    out_type=jax.ShapeDtypeStruct((NC * N,), jnp.float32),
    mesh=_MESH,
    scratch_types=[
        pltpu.VMEM((EPT,), jnp.int32),
        pltpu.VMEM((CHD,), jnp.float32),
        pltpu.VMEM((RPT,), jnp.float32),
        pltpu.VMEM_SHARED((N,), jnp.float32),
        pltpu.SemaphoreType.DMA,
        pltpu.SemaphoreType.DMA,
    ],
)
def _sc_deg(dst_hbm, out_hbm, idx1_v, ones_v, zrow_v, acc_sh, dsem, ssem):
    c = lax.axis_index("c")
    s = lax.axis_index("s")
    wid = s * NC + c
    zeros16 = jnp.zeros((16,), jnp.float32)
    ones16 = jnp.ones((16,), jnp.float32)
    pltpu.async_copy(dst_hbm.at[pl.ds(wid * EPT, EPT)], idx1_v, dsem)

    def fill_body(i, _):
        ones_v[pl.ds(i * 16, 16)] = ones16
        return 0

    lax.fori_loop(0, CHD // 16, fill_body, 0)

    def zfill_body(i, _):
        zrow_v[pl.ds(i * 16, 16)] = zeros16
        return 0

    lax.fori_loop(0, RPT // 16, zfill_body, 0)

    @pl.when(s < NS - 1)
    def _():
        pltpu.sync_copy(zrow_v, acc_sh.at[pl.ds(s * RPT, RPT)])

    @pl.when(s == NS - 1)
    def _():
        pltpu.sync_copy(zrow_v.at[pl.ds(0, RPT_LAST)],
                        acc_sh.at[pl.ds((NS - 1) * RPT, RPT_LAST)])

    plsc.subcore_barrier()
    pltpu.make_async_copy(dst_hbm.at[pl.ds(wid * EPT, EPT)], idx1_v,
                          dsem).wait()

    def fire(g, _):
        pltpu.async_copy(ones_v, acc_sh.at[idx1_v.at[pl.ds(g * CHD, CHD)]],
                         ssem, add=True)
        return 0

    lax.fori_loop(0, NCHD, fire, 0)

    def drain(g, _):
        pltpu.make_async_copy(ones_v,
                              acc_sh.at[idx1_v.at[pl.ds(g * CHD, CHD)]],
                              ssem).wait()
        return 0

    lax.fori_loop(0, NCHD, drain, 0)
    plsc.subcore_barrier()

    @pl.when(s < NS - 1)
    def _():
        pltpu.sync_copy(acc_sh.at[pl.ds(s * RPT, RPT)], zrow_v)
        pltpu.sync_copy(zrow_v, out_hbm.at[pl.ds(c * N + s * RPT, RPT)])

    @pl.when(s == NS - 1)
    def _():
        pltpu.sync_copy(acc_sh.at[pl.ds((NS - 1) * RPT, RPT_LAST)],
                        zrow_v.at[pl.ds(0, RPT_LAST)])
        pltpu.sync_copy(zrow_v.at[pl.ds(0, RPT_LAST)],
                        out_hbm.at[pl.ds(c * N + (NS - 1) * RPT, RPT_LAST)])


@functools.partial(
    pl.kernel,
    out_type=jax.ShapeDtypeStruct((NC, N, D), jnp.float32),
    mesh=_MESH,
    scratch_types=[
        pltpu.VMEM((EPT,), jnp.int32),
        [pltpu.VMEM((CH,), jnp.int32) for _ in range(2)],
        pltpu.VMEM((TAIL,), jnp.int32),
        [pltpu.VMEM((CH, D), jnp.float32) for _ in range(2)],
        pltpu.VMEM((TAIL, D), jnp.float32),
        pltpu.VMEM((32, D), jnp.float32),
        pltpu.VMEM_SHARED((N, D), jnp.float32),
        [pltpu.SemaphoreType.DMA for _ in range(2)],
        [pltpu.SemaphoreType.DMA for _ in range(2)],
        [pltpu.SemaphoreType.DMA for _ in range(2)],
    ],
)
def _sc_hop(src_hbm, dst_hbm, y_hbm, out_hbm,
            sidx1, didx, tidx_v, bufs, tbuf, zbuf, acc_sh, gsem, dsem, ssem):
    c = lax.axis_index("c")
    s = lax.axis_index("s")
    wid = s * NC + c
    ebase = wid * EPT
    pltpu.sync_copy(src_hbm.at[pl.ds(ebase, EPT)], sidx1)

    def load_idx(g, slot):
        pltpu.async_copy(dst_hbm.at[pl.ds(ebase + g * CH, CH)],
                         didx[slot], dsem[slot])

    def fire_gather(g, slot):
        pltpu.async_copy(y_hbm.at[sidx1.at[pl.ds(g * CH, CH)]],
                         bufs[slot], gsem[slot])

    def wait_idx(g, slot):
        pltpu.make_async_copy(dst_hbm.at[pl.ds(ebase + g * CH, CH)],
                              didx[slot], dsem[slot]).wait()

    def wait_gather(g, slot):
        pltpu.make_async_copy(y_hbm.at[sidx1.at[pl.ds(g * CH, CH)]],
                              bufs[slot], gsem[slot]).wait()

    def wait_scatter(slot):
        pltpu.make_async_copy(bufs[slot], acc_sh.at[didx[slot]],
                              ssem[slot]).wait()

    load_idx(0, 0)
    fire_gather(0, 0)

    @pl.when(c == 0)
    def _():
        @pl.when(s < NS - 1)
        def _():
            pltpu.sync_copy(y_hbm.at[pl.ds(s * RPT, RPT)],
                            acc_sh.at[pl.ds(s * RPT, RPT)])

        @pl.when(s == NS - 1)
        def _():
            pltpu.sync_copy(y_hbm.at[pl.ds((NS - 1) * RPT, RPT_LAST)],
                            acc_sh.at[pl.ds((NS - 1) * RPT, RPT_LAST)])

    @pl.when(c == 1)
    def _():
        zeros16 = jnp.zeros((16,), jnp.float32)

        def zfill(k, _):
            zbuf[k // 8, pl.ds((k % 8) * 16, 16)] = zeros16
            return 0

        lax.fori_loop(0, 32 * 8, zfill, 0)

        def zcopy(i, _):
            pltpu.sync_copy(zbuf, acc_sh.at[pl.ds(s * RPT + i * 32, 32)])
            return 0

        @pl.when(s < NS - 1)
        def _():
            lax.fori_loop(0, RPT // 32, zcopy, 0)

        @pl.when(s == NS - 1)
        def _():
            lax.fori_loop(0, RPT_LAST // 32, zcopy, 0)
            pltpu.sync_copy(
                zbuf.at[pl.ds(0, RPT_LAST % 32)],
                acc_sh.at[pl.ds(s * RPT + (RPT_LAST // 32) * 32,
                                RPT_LAST % 32)])

    plsc.subcore_barrier()

    def chunk(g, _):
        def step(slot, other):
            @pl.when(g < NF - 1)
            def _():
                @pl.when(g >= 1)
                def _():
                    wait_scatter(other)

                load_idx(g + 1, other)
                fire_gather(g + 1, other)

            wait_idx(g, slot)
            wait_gather(g, slot)
            pltpu.async_copy(bufs[slot], acc_sh.at[didx[slot]],
                             ssem[slot], add=True)

        @pl.when(g % 2 == 0)
        def _():
            step(0, 1)

        @pl.when(g % 2 == 1)
        def _():
            step(1, 0)

        return 0

    lax.fori_loop(0, NF, chunk, 0)
    wait_scatter(0)
    wait_scatter(1)
    pltpu.sync_copy(dst_hbm.at[pl.ds(ebase + NF * CH, TAIL)], tidx_v)
    pltpu.async_copy(y_hbm.at[sidx1.at[pl.ds(NF * CH, TAIL)]],
                     tbuf, gsem[0]).wait()
    pltpu.sync_copy(tbuf, acc_sh.at[tidx_v], add=True)
    plsc.subcore_barrier()

    @pl.when(s < NS - 1)
    def _():
        pltpu.sync_copy(acc_sh.at[pl.ds(s * RPT, RPT)],
                        out_hbm.at[c, pl.ds(s * RPT, RPT)])

    @pl.when(s == NS - 1)
    def _():
        pltpu.sync_copy(acc_sh.at[pl.ds((NS - 1) * RPT, RPT_LAST)],
                        out_hbm.at[c, pl.ds((NS - 1) * RPT, RPT_LAST)])


_RB = 2000
_GRID = N // _RB


def _tc_split_body(e_ref, s_ref, d_ref):
    s_ref[...] = e_ref[0, :]
    d_ref[...] = e_ref[1, :]


def _tc_split(edge_index):
    cb = 32768
    return pl.pallas_call(
        _tc_split_body,
        grid=(pl.cdiv(E, cb),),
        in_specs=[pl.BlockSpec((2, cb), lambda i: (0, i))],
        out_specs=[
            pl.BlockSpec((cb,), lambda i: (i,)),
            pl.BlockSpec((cb,), lambda i: (i,)),
        ],
        out_shape=[
            jax.ShapeDtypeStruct((E,), jnp.int32),
            jax.ShapeDtypeStruct((E,), jnp.int32),
        ],
    )(edge_index)


def _tc_prep_body(h_ref, x_ref, y_ref, d_ref):
    deg = jnp.transpose(1.0 + h_ref[0:1, :] + h_ref[1:2, :])
    d_ref[...] = deg
    y_ref[...] = x_ref[...] * lax.rsqrt(deg)


def _tc_prep(hist, x):
    rb = 2560
    return pl.pallas_call(
        _tc_prep_body,
        grid=(pl.cdiv(N, rb),),
        in_specs=[
            pl.BlockSpec((NC, rb), lambda i: (0, i)),
            pl.BlockSpec((rb, D), lambda i: (i, 0)),
        ],
        out_specs=[
            pl.BlockSpec((rb, D), lambda i: (i, 0)),
            pl.BlockSpec((rb, 1), lambda i: (i, 0)),
        ],
        out_shape=[
            jax.ShapeDtypeStruct((N, D), jnp.float32),
            jax.ShapeDtypeStruct((N, 1), jnp.float32),
        ],
    )(hist, x)


def _tc_combine_body(p_ref, d_ref, o_ref):
    o_ref[...] = (p_ref[0] + p_ref[1]) / d_ref[...]


def _tc_combine(parts, deg):
    return pl.pallas_call(
        _tc_combine_body,
        grid=(_GRID,),
        in_specs=[
            pl.BlockSpec((NC, _RB, D), lambda i: (0, i, 0)),
            pl.BlockSpec((_RB, 1), lambda i: (i, 0)),
        ],
        out_specs=pl.BlockSpec((_RB, D), lambda i: (i, 0)),
        out_shape=jax.ShapeDtypeStruct((N, D), jnp.float32),
    )(parts, deg)


def _tc_final_body(p_ref, d_ref, wt_ref, b_ref, o_ref):
    h = (p_ref[0] + p_ref[1]) * lax.rsqrt(d_ref[...])
    z = jnp.dot(h, wt_ref[...], preferred_element_type=jnp.float32)
    o_ref[...] = jnp.maximum(z + b_ref[...], 0.0)


def _tc_final(parts, deg, wt, brow):
    return pl.pallas_call(
        _tc_final_body,
        grid=(_GRID,),
        in_specs=[
            pl.BlockSpec((NC, _RB, D), lambda i: (0, i, 0)),
            pl.BlockSpec((_RB, 1), lambda i: (i, 0)),
            pl.BlockSpec((D, D), lambda i: (0, 0)),
            pl.BlockSpec((1, D), lambda i: (0, 0)),
        ],
        out_specs=pl.BlockSpec((_RB, D), lambda i: (i, 0)),
        out_shape=jax.ShapeDtypeStruct((N, D), jnp.float32),
    )(parts, deg, wt, brow)


def kernel(x, edge_index, W, b):
    src, dst = _tc_split(edge_index)
    hist = _sc_deg(dst).reshape(NC, N)
    y0, deg = _tc_prep(hist, x)
    p1 = _sc_hop(src, dst, y0)
    y1 = _tc_combine(p1, deg)
    p2 = _sc_hop(src, dst, y1)
    return _tc_final(p2, deg, W.T, b.reshape(1, D))

# --- scband reference (transcript-rebuilt; emitter-appended) ---
"""Pipeline reference for scband-sgc-57509612093517 (READ-ONLY COPY).

The authoritative reference and input builder live on the scoring server;
editing this copy changes nothing except your own understanding.
"""

import jax, jax.numpy as jnp
import numpy as np

N_NODES = 10000
N_EDGES = 320000
D_IN = 128
D_OUT = 128
K_HOPS = 2


def setup_inputs(seed: int = 0) -> dict:
    key = jax.random.key(seed)
    k1, k2, k3, k4 = jax.random.split(key, 4)
    x = jax.random.normal(k1, (N_NODES, D_IN), dtype=jnp.float32)
    edge_index = jax.random.randint(k2, (2, N_EDGES), 0, N_NODES, dtype=jnp.int32)
    # Linear layer params of SGConv (glorot-ish init)
    W = jax.random.normal(k3, (D_OUT, D_IN), dtype=jnp.float32) * (1.0 / np.sqrt(D_IN))
    b = jnp.zeros((D_OUT,), dtype=jnp.float32)
    return {"x": x, "edge_index": edge_index, "W": W, "b": b}


def reference(x, edge_index, W, b):
    N = x.shape[0]
    src = edge_index[0]
    dst = edge_index[1]
    # gcn_norm with added self-loops (fill_value=1)
    loop = jnp.arange(N, dtype=src.dtype)
    src_full = jnp.concatenate([src, loop], axis=0)
    dst_full = jnp.concatenate([dst, loop], axis=0)
    w = jnp.ones(src_full.shape[0], dtype=x.dtype)
    deg = jnp.zeros((N,), dtype=x.dtype).at[dst_full].add(w)
    deg_inv_sqrt = jnp.where(deg > 0, jax.lax.rsqrt(jnp.where(deg > 0, deg, 1.0)), 0.0)
    norm = deg_inv_sqrt[src_full] * w * deg_inv_sqrt[dst_full]
    # K-hop propagation: h <- A_hat @ h, K times (gather + scatter-add)
    h = x
    for _ in range(K_HOPS):
        msgs = norm[:, None] * jnp.take(h, src_full, axis=0)
        h = jnp.zeros_like(h).at[dst_full].add(msgs)
    # Linear transform + ReLU activation
    z = h @ W.T + b
    return jax.nn.relu(z)

if __name__ == "__main__":
    import jax
    _d = setup_inputs()
    print(jax.jit(kernel)(*tuple(_d.values())))

</pallas_src>

<mosaic_0001>
#map = affine_map<(d0, d1) -> (0)>
#map1 = affine_map<(d0, d1) -> (0, 0)>
#map2 = affine_map<(d0, d1) -> (0, 0, 0)>
module attributes {stable_mosaic.version = 14 : i64} {
  func.func @_sc_hop(%arg0: i32, %arg1: i32, %arg2: memref<320000xi32, #tpu.memory_space<hbm>>, %arg3: memref<320000xi32, #tpu.memory_space<hbm>>, %arg4: memref<10000x128xf32, #tpu.memory_space<hbm>>, %arg5: memref<2x10000x128xf32, #tpu.memory_space<hbm>>, %arg6: memref<10000xi32, #tpu.memory_space<vmem>>, %arg7: memref<128xi32, #tpu.memory_space<vmem>>, %arg8: memref<128xi32, #tpu.memory_space<vmem>>, %arg9: memref<16xi32, #tpu.memory_space<vmem>>, %arg10: memref<128x128xf32, #tpu.memory_space<vmem>>, %arg11: memref<128x128xf32, #tpu.memory_space<vmem>>, %arg12: memref<16x128xf32, #tpu.memory_space<vmem>>, %arg13: memref<32x128xf32, #tpu.memory_space<vmem>>, %arg14: memref<10000x128xf32, #tpu.memory_space<vmem_shared>>, %arg15: memref<!tpu.dma_semaphore, #tpu.memory_space<semaphore_mem>>, %arg16: memref<!tpu.dma_semaphore, #tpu.memory_space<semaphore_mem>>, %arg17: memref<!tpu.dma_semaphore, #tpu.memory_space<semaphore_mem>>, %arg18: memref<!tpu.dma_semaphore, #tpu.memory_space<semaphore_mem>>, %arg19: memref<!tpu.dma_semaphore, #tpu.memory_space<semaphore_mem>>, %arg20: memref<!tpu.dma_semaphore, #tpu.memory_space<semaphore_mem>>) attributes {dimension_semantics = [#tpu.dimension_semantics<core_parallel>, #tpu.dimension_semantics<subcore_parallel>], iteration_bounds = array<i64: 2, 16>, scalar_prefetch = 0 : i64, scratch_operands = 15 : i64, tpu.core_type = #tpu.core_type<sc_vector_subcore>, window_params = [{transform_indices = #map}, {transform_indices = #map}, {transform_indices = #map1}, {transform_indices = #map2}]} {
    %mul3A = arith.constant 2 : i32
    %mul3A_0 = arith.muli %arg1, %mul3A : i32
    %add3A = arith.addi %mul3A_0, %arg0 : i32
    %mul3A_1 = arith.constant 10000 : i32
    %mul3A_2 = arith.muli %add3A, %mul3A_1 : i32
    "tpu.region"() ({
      %run_scoped3A = tpu.sem_alloc : memref<!tpu.dma_semaphore, #tpu.memory_space<semaphore_mem>>
      %dma_start3A_51 = tpu.memref_slice %arg2[%mul3A_2] : memref<320000xi32, #tpu.memory_space<hbm>> -> memref<10000xi32, #tpu.memory_space<hbm>>
      %dma_start3A_52 = tpu.memref_slice %arg2[%mul3A_2] : memref<320000xi32, #tpu.memory_space<hbm>> -> memref<10000xi32, #tpu.memory_space<hbm>>
      tpu.enqueue_dma source(%dma_start3A_52 : memref<10000xi32, #tpu.memory_space<hbm>>) target(%arg6 : memref<10000xi32, #tpu.memory_space<vmem>>) target_semaphore(%run_scoped3A : memref<!tpu.dma_semaphore, #tpu.memory_space<semaphore_mem>>)
      %dma_wait3A_53 = tpu.memref_slice %arg2[%mul3A_2] : memref<320000xi32, #tpu.memory_space<hbm>> -> memref<10000xi32, #tpu.memory_space<hbm>>
      %dma_wait3A_54 = tpu.memref_slice %arg2[%mul3A_2] : memref<320000xi32, #tpu.memory_space<hbm>> -> memref<10000xi32, #tpu.memory_space<hbm>>
      tpu.wait_dma2 semaphore(%run_scoped3A : memref<!tpu.dma_semaphore, #tpu.memory_space<semaphore_mem>>) src(%dma_wait3A_54 : memref<10000xi32, #tpu.memory_space<hbm>>) dst(%arg6 : memref<10000xi32, #tpu.memory_space<vmem>>)
      tpu.yield
    }) : () -> ()
    %add3A_3 = arith.constant 0 : i32
    %add3A_4 = arith.addi %mul3A_2, %add3A_3 : i32
    %dma_start3A = tpu.memref_slice %arg3[%add3A_4] : memref<320000xi32, #tpu.memory_space<hbm>> -> memref<128xi32, #tpu.memory_space<hbm>>
    %dma_start3A_5 = tpu.memref_slice %arg3[%add3A_4] : memref<320000xi32, #tpu.memory_space<hbm>> -> memref<128xi32, #tpu.memory_space<hbm>>
    tpu.enqueue_dma source(%dma_start3A_5 : memref<128xi32, #tpu.memory_space<hbm>>) target(%arg7 : memref<128xi32, #tpu.memory_space<vmem>>) target_semaphore(%arg17 : memref<!tpu.dma_semaphore, #tpu.memory_space<semaphore_mem>>)
    %dma_start3A_6 = arith.constant 0 : i32
    %dma_start3A_7 = tpu.memref_slice %arg6[%dma_start3A_6] : memref<10000xi32, #tpu.memory_space<vmem>> -> memref<128xi32, #tpu.memory_space<vmem>>
    %dma_start3A_8 = arith.constant 0 : i32
    %dma_start3A_9 = arith.constant 0 : i32
    %dma_start3A_10 = tpu.memref_slice %arg4[%dma_start3A_8, %dma_start3A_9] : memref<10000x128xf32, #tpu.memory_space<hbm>> -> memref<10000x128xf32, #tpu.memory_space<hbm>>
    tpu.enqueue_indirect_dma source(%dma_start3A_10 : memref<10000x128xf32, #tpu.memory_space<hbm>>) target(%arg10 : memref<128x128xf32, #tpu.memory_space<vmem>>) offsets(%dma_start3A_7 : memref<128xi32, #tpu.memory_space<vmem>>) semaphore(%arg15 : memref<!tpu.dma_semaphore, #tpu.memory_space<semaphore_mem>>)
    %eq3A = arith.constant 0 : i32
    %eq3A_11 = arith.cmpi eq, %arg0, %eq3A : i32
    %convert_element_type3A = arith.extui %eq3A_11 : i1 to i32
    %cond3A = arith.constant 0 : i32
    %cond3A_12 = arith.cmpi ne, %convert_element_type3A, %cond3A : i32
    scf.if %cond3A_12 {
      %lt3A_51 = arith.constant 15 : i32
      %lt3A_52 = arith.cmpi slt, %arg1, %lt3A_51 : i32
      %convert_element_type3A_53 = arith.extui %lt3A_52 : i1 to i32
      %cond3A_54 = arith.constant 0 : i32
      %cond3A_55 = arith.cmpi ne, %convert_element_type3A_53, %cond3A_54 : i32
      scf.if %cond3A_55 {
        %mul3A_61 = arith.constant 640 : i32
        %mul3A_62 = arith.muli %arg1, %mul3A_61 : i32
        %mul3A_63 = arith.constant 640 : i32
        %mul3A_64 = arith.muli %arg1, %mul3A_63 : i32
        "tpu.region"() ({
          %run_scoped3A = tpu.sem_alloc : memref<!tpu.dma_semaphore, #tpu.memory_space<semaphore_mem>>
          %dma_start3A_65 = arith.constant 0 : i32
          %dma_start3A_66 = tpu.memref_slice %arg14[%mul3A_64, %dma_start3A_65] : memref<10000x128xf32, #tpu.memory_space<vmem_shared>> -> memref<640x128xf32, #tpu.memory_space<vmem_shared>>
          %dma_start3A_67 = arith.constant 0 : i32
          %dma_start3A_68 = tpu.memref_slice %arg4[%mul3A_62, %dma_start3A_67] : memref<10000x128xf32, #tpu.memory_space<hbm>> -> memref<640x128xf32, #tpu.memory_space<hbm>>
          tpu.enqueue_dma source(%dma_start3A_68 : memref<640x128xf32, #tpu.memory_space<hbm>>) target(%dma_start3A_66 : memref<640x128xf32, #tpu.memory_space<vmem_shared>>) target_semaphore(%run_scoped3A : memref<!tpu.dma_semaphore, #tpu.memory_space<semaphore_mem>>)
          %dma_wait3A_69 = arith.constant 0 : i32
          %dma_wait3A_70 = tpu.memref_slice %arg14[%mul3A_64, %dma_wait3A_69] : memref<10000x128xf32, #tpu.memory_space<vmem_shared>> -> memref<640x128xf32, #tpu.memory_space<vmem_shared>>
          %dma_wait3A_71 = arith.constant 0 : i32
          %dma_wait3A_72 = tpu.memref_slice %arg4[%mul3A_62, %dma_wait3A_71] : memref<10000x128xf32, #tpu.memory_space<hbm>> -> memref<640x128xf32, #tpu.memory_space<hbm>>
          tpu.wait_dma2 semaphore(%run_scoped3A : memref<!tpu.dma_semaphore, #tpu.memory_space<semaphore_mem>>) src(%dma_wait3A_72 : memref<640x128xf32, #tpu.memory_space<hbm>>) dst(%dma_wait3A_70 : memref<640x128xf32, #tpu.memory_space<vmem_shared>>)
          tpu.yield
        }) : () -> ()
      } else {
      }
      %eq3A_56 = arith.constant 15 : i32
      %eq3A_57 = arith.cmpi eq, %arg1, %eq3A_56 : i32
      %convert_element_type3A_58 = arith.extui %eq3A_57 : i1 to i32
      %cond3A_59 = arith.constant 0 : i32
      %cond3A_60 = arith.cmpi ne, %convert_element_type3A_58, %cond3A_59 : i32
      scf.if %cond3A_60 {
        "tpu.region"() ({
          %run_scoped3A = tpu.sem_alloc : memref<!tpu.dma_semaphore, #tpu.memory_space<semaphore_mem>>
          %dma_start3A_61 = arith.constant 9600 : i32
          %dma_start3A_62 = arith.constant 0 : i32
          %dma_start3A_63 = tpu.memref_slice %arg14[%dma_start3A_61, %dma_start3A_62] : memref<10000x128xf32, #tpu.memory_space<vmem_shared>> -> memref<400x128xf32, #tpu.memory_space<vmem_shared>>
          %dma_start3A_64 = arith.constant 9600 : i32
          %dma_start3A_65 = arith.constant 0 : i32
          %dma_start3A_66 = tpu.memref_slice %arg4[%dma_start3A_64, %dma_start3A_65] : memref<10000x128xf32, #tpu.memory_space<hbm>> -> memref<400x128xf32, #tpu.memory_space<hbm>>
          tpu.enqueue_dma source(%dma_start3A_66 : memref<400x128xf32, #tpu.memory_space<hbm>>) target(%dma_start3A_63 : memref<400x128xf32, #tpu.memory_space<vmem_shared>>) target_semaphore(%run_scoped3A : memref<!tpu.dma_semaphore, #tpu.memory_space<semaphore_mem>>)
          %dma_wait3A_67 = arith.constant 9600 : i32
          %dma_wait3A_68 = arith.constant 0 : i32
          %dma_wait3A_69 = tpu.memref_slice %arg14[%dma_wait3A_67, %dma_wait3A_68] : memref<10000x128xf32, #tpu.memory_space<vmem_shared>> -> memref<400x128xf32, #tpu.memory_space<vmem_shared>>
          %dma_wait3A_70 = arith.constant 9600 : i32
          %dma_wait3A_71 = arith.constant 0 : i32
          %dma_wait3A_72 = tpu.memref_slice %arg4[%dma_wait3A_70, %dma_wait3A_71] : memref<10000x128xf32, #tpu.memory_space<hbm>> -> memref<400x128xf32, #tpu.memory_space<hbm>>
          tpu.wait_dma2 semaphore(%run_scoped3A : memref<!tpu.dma_semaphore, #tpu.memory_space<semaphore_mem>>) src(%dma_wait3A_72 : memref<400x128xf32, #tpu.memory_space<hbm>>) dst(%dma_wait3A_69 : memref<400x128xf32, #tpu.memory_space<vmem_shared>>)
          tpu.yield
        }) : () -> ()
      } else {
      }
    } else {
    }
    %eq3A_13 = arith.constant 1 : i32
    %eq3A_14 = arith.cmpi eq, %arg0, %eq3A_13 : i32
    %convert_element_type3A_15 = arith.extui %eq3A_14 : i1 to i32
    %cond3A_16 = arith.constant 0 : i32
    %cond3A_17 = arith.cmpi ne, %convert_element_type3A_15, %cond3A_16 : i32
    scf.if %cond3A_17 {
      %broadcast_in_dim3A = arith.constant 0.000000e+00 : f32
      %broadcast_in_dim3A_51 = vector.broadcast %broadcast_in_dim3A : f32 to vector<16xf32>
      %scan3A_52 = arith.constant 0 : i32
      %scan3A_53 = arith.constant 0 : i32
      %scan3A_54 = arith.constant 256 : i32
      %scan3A_55 = arith.addi %scan3A_53, %scan3A_54 : i32
      %scan3A_56 = arith.constant 1 : i32
      %scan3A_57 = scf.for %scan3A_69 = %scan3A_53 to %scan3A_55 step %scan3A_56 iter_args(%scan3A_70 = %scan3A_52) -> (i32)  : i32 {
        %jit3A = arith.constant 8 : i32
        %div3A = arith.divsi %scan3A_69, %jit3A : i32
        %sign3A = arith.constant 0 : i32
        %sign3A_71 = arith.cmpi sgt, %scan3A_69, %sign3A : i32
        %sign3A_72 = arith.extui %sign3A_71 : i1 to i32
        %sign3A_73 = arith.constant 0 : i32
        %sign3A_74 = arith.cmpi slt, %scan3A_69, %sign3A_73 : i32
        %sign3A_75 = arith.extui %sign3A_74 : i1 to i32
        %sign3A_76 = arith.subi %sign3A_72, %sign3A_75 : i32
        %sign3A_77 = arith.constant 0 : i32
        %sign3A_78 = arith.cmpi sgt, %jit3A, %sign3A_77 : i32
        %sign3A_79 = arith.extui %sign3A_78 : i1 to i32
        %sign3A_80 = arith.constant 0 : i32
        %sign3A_81 = arith.cmpi slt, %jit3A, %sign3A_80 : i32
        %sign3A_82 = arith.extui %sign3A_81 : i1 to i32
        %sign3A_83 = arith.subi %sign3A_79, %sign3A_82 : i32
        %ne3A = arith.cmpi ne, %sign3A_76, %sign3A_83 : i32
        %rem3A = arith.remsi %scan3A_69, %jit3A : i32
        %ne3A_84 = arith.constant 0 : i32
        %ne3A_85 = arith.cmpi ne, %rem3A, %ne3A_84 : i32
        %and3A = arith.andi %ne3A, %ne3A_85 : i1
        %sub3A = arith.constant 1 : i32
        %sub3A_86 = arith.subi %div3A, %sub3A : i32
        %select_n3A = arith.select %and3A, %sub3A_86, %div3A : i32
        %jit3A_87 = arith.constant 8 : i32
        %eq3A_88 = arith.constant 0 : i32
        %eq3A_89 = arith.cmpi eq, %jit3A_87, %eq3A_88 : i32
        %jit3A_90 = arith.constant 1 : i32
        %select_n3A_91 = arith.select %eq3A_89, %jit3A_90, %jit3A_87 : i32
        %rem3A_92 = arith.remsi %scan3A_69, %select_n3A_91 : i32
        %ne3A_93 = arith.constant 0 : i32
        %ne3A_94 = arith.cmpi ne, %rem3A_92, %ne3A_93 : i32
        %lt3A_95 = arith.constant 0 : i32
        %lt3A_96 = arith.cmpi slt, %rem3A_92, %lt3A_95 : i32
        %lt3A_97 = arith.constant 0 : i32
        %lt3A_98 = arith.cmpi slt, %select_n3A_91, %lt3A_97 : i32
        %ne3A_99 = arith.xori %lt3A_96, %lt3A_98 : i1
        %and3A_100 = arith.andi %ne3A_99, %ne3A_94 : i1
        %add3A_101 = arith.addi %rem3A_92, %select_n3A_91 : i32
        %select_n3A_102 = arith.select %and3A_100, %add3A_101, %rem3A_92 : i32
        %mul3A_103 = arith.constant 16 : i32
        %mul3A_104 = arith.muli %select_n3A_102, %mul3A_103 : i32
        %swap3A = arith.index_cast %select_n3A : i32 to index
        %swap3A_105 = arith.index_cast %mul3A_104 : i32 to index
        %swap3A_106 = tpu.vector_load %arg13[%swap3A, %swap3A_105] {strides = array<i32>} : memref<32x128xf32, #tpu.memory_space<vmem>>, vector<1x16xf32>,
        %swap3A_107 = vector.shape_cast %swap3A_106 : vector<1x16xf32> to vector<16xf32>
        %swap3A_108 = vector.shape_cast %broadcast_in_dim3A_51 : vector<16xf32> to vector<1x16xf32>
        tpu.vector_store %arg13[%swap3A, %swap3A_105], %swap3A_108 {strides = array<i32>} : memref<32x128xf32, #tpu.memory_space<vmem>>, vector<1x16xf32>,
        %scan3A_109 = arith.constant 0 : i32
        scf.yield %scan3A_109 : i32
      }
      %scan3A_58 = arith.constant 256 : i32
      %lt3A_59 = arith.constant 15 : i32
      %lt3A_60 = arith.cmpi slt, %arg1, %lt3A_59 : i32
      %convert_element_type3A_61 = arith.extui %lt3A_60 : i1 to i32
      %cond3A_62 = arith.constant 0 : i32
      %cond3A_63 = arith.cmpi ne, %convert_element_type3A_61, %cond3A_62 : i32
      scf.if %cond3A_63 {
        %scan3A_69 = arith.constant 0 : i32
        %scan3A_70 = arith.constant 0 : i32
        %scan3A_71 = arith.constant 20 : i32
        %scan3A_72 = arith.addi %scan3A_70, %scan3A_71 : i32
        %scan3A_73 = arith.constant 1 : i32
        %scan3A_74 = scf.for %scan3A_76 = %scan3A_70 to %scan3A_72 step %scan3A_73 iter_args(%scan3A_77 = %scan3A_69) -> (i32)  : i32 {
          %mul3A_78 = arith.constant 640 : i32
          %mul3A_79 = arith.muli %arg1, %mul3A_78 : i32
          %mul3A_80 = arith.constant 32 : i32
          %mul3A_81 = arith.muli %scan3A_76, %mul3A_80 : i32
          %add3A_82 = arith.addi %mul3A_79, %mul3A_81 : i32
          "tpu.region"() ({
            %run_scoped3A = tpu.sem_alloc : memref<!tpu.dma_semaphore, #tpu.memory_space<semaphore_mem>>
            %dma_start3A_84 = arith.constant 0 : i32
            %dma_start3A_85 = tpu.memref_slice %arg14[%add3A_82, %dma_start3A_84] : memref<10000x128xf32, #tpu.memory_space<vmem_shared>> -> memref<32x128xf32, #tpu.memory_space<vmem_shared>>
            %dma_start3A_86 = arith.constant 0 : i32
            %dma_start3A_87 = tpu.memref_slice %arg14[%add3A_82, %dma_start3A_86] : memref<10000x128xf32, #tpu.memory_space<vmem_shared>> -> memref<32x128xf32, #tpu.memory_space<vmem_shared>>
            tpu.enqueue_dma source(%arg13 : memref<32x128xf32, #tpu.memory_space<vmem>>) target(%dma_start3A_87 : memref<32x128xf32, #tpu.memory_space<vmem_shared>>) target_semaphore(%run_scoped3A : memref<!tpu.dma_semaphore, #tpu.memory_space<semaphore_mem>>)
            %dma_wait3A_88 = arith.constant 0 : i32
            %dma_wait3A_89 = tpu.memref_slice %arg14[%add3A_82, %dma_wait3A_88] : memref<10000x128xf32, #tpu.memory_space<vmem_shared>> -> memref<32x128xf32, #tpu.memory_space<vmem_shared>>
            %dma_wait3A_90 = arith.constant 0 : i32
            %dma_wait3A_91 = tpu.memref_slice %arg14[%add3A_82, %dma_wait3A_90] : memref<10000x128xf32, #tpu.memory_space<vmem_shared>> -> memref<32x128xf32, #tpu.memory_space<vmem_shared>>
            tpu.wait_dma2 semaphore(%run_scoped3A : memref<!tpu.dma_semaphore, #tpu.memory_space<semaphore_mem>>) src(%arg13 : memref<32x128xf32, #tpu.memory_space<vmem>>) dst(%dma_wait3A_91 : memref<32x128xf32, #tpu.memory_space<vmem_shared>>)
            tpu.yield
          }) : () -> ()
          %scan3A_83 = arith.constant 0 : i32
          scf.yield %scan3A_83 : i32
        }
        %scan3A_75 = arith.constant 20 : i32
      } else {
      }
      %eq3A_64 = arith.constant 15 : i32
      %eq3A_65 = arith.cmpi eq, %arg1, %eq3A_64 : i32
      %convert_element_type3A_66 = arith.extui %eq3A_65 : i1 to i32
      %cond3A_67 = arith.constant 0 : i32
      %cond3A_68 = arith.cmpi ne, %convert_element_type3A_66, %cond3A_67 : i32
      scf.if %cond3A_68 {
        %scan3A_69 = arith.constant 0 : i32
        %scan3A_70 = arith.constant 0 : i32
        %scan3A_71 = arith.constant 12 : i32
        %scan3A_72 = arith.addi %scan3A_70, %scan3A_71 : i32
        %scan3A_73 = arith.constant 1 : i32
        %scan3A_74 = scf.for %scan3A_80 = %scan3A_70 to %scan3A_72 step %scan3A_73 iter_args(%scan3A_81 = %scan3A_69) -> (i32)  : i32 {
          %mul3A_82 = arith.constant 640 : i32
          %mul3A_83 = arith.muli %arg1, %mul3A_82 : i32
          %mul3A_84 = arith.constant 32 : i32
          %mul3A_85 = arith.muli %scan3A_80, %mul3A_84 : i32
          %add3A_86 = arith.addi %mul3A_83, %mul3A_85 : i32
          "tpu.region"() ({
            %run_scoped3A = tpu.sem_alloc : memref<!tpu.dma_semaphore, #tpu.memory_space<semaphore_mem>>
            %dma_start3A_88 = arith.constant 0 : i32
            %dma_start3A_89 = tpu.memref_slice %arg14[%add3A_86, %dma_start3A_88] : memref<10000x128xf32, #tpu.memory_space<vmem_shared>> -> memref<32x128xf32, #tpu.memory_space<vmem_shared>>
            %dma_start3A_90 = arith.constant 0 : i32
            %dma_start3A_91 = tpu.memref_slice %arg14[%add3A_86, %dma_start3A_90] : memref<10000x128xf32, #tpu.memory_space<vmem_shared>> -> memref<32x128xf32, #tpu.memory_space<vmem_shared>>
            tpu.enqueue_dma source(%arg13 : memref<32x128xf32, #tpu.memory_space<vmem>>) target(%dma_start3A_91 : memref<32x128xf32, #tpu.memory_space<vmem_shared>>) target_semaphore(%run_scoped3A : memref<!tpu.dma_semaphore, #tpu.memory_space<semaphore_mem>>)
            %dma_wait3A_92 = arith.constant 0 : i32
            %dma_wait3A_93 = tpu.memref_slice %arg14[%add3A_86, %dma_wait3A_92] : memref<10000x128xf32, #tpu.memory_space<vmem_shared>> -> memref<32x128xf32, #tpu.memory_space<vmem_shared>>
            %dma_wait3A_94 = arith.constant 0 : i32
            %dma_wait3A_95 = tpu.memref_slice %arg14[%add3A_86, %dma_wait3A_94] : memref<10000x128xf32, #tpu.memory_space<vmem_shared>> -> memref<32x128xf32, #tpu.memory_space<vmem_shared>>
            tpu.wait_dma2 semaphore(%run_scoped3A : memref<!tpu.dma_semaphore, #tpu.memory_space<semaphore_mem>>) src(%arg13 : memref<32x128xf32, #tpu.memory_space<vmem>>) dst(%dma_wait3A_95 : memref<32x128xf32, #tpu.memory_space<vmem_shared>>)
            tpu.yield
          }) : () -> ()
          %scan3A_87 = arith.constant 0 : i32
          scf.yield %scan3A_87 : i32
        }
        %scan3A_75 = arith.constant 12 : i32
        %mul3A_76 = arith.constant 640 : i32
        %mul3A_77 = arith.muli %arg1, %mul3A_76 : i32
        %add3A_78 = arith.constant 384 : i32
        %add3A_79 = arith.addi %mul3A_77, %add3A_78 : i32
        "tpu.region"() ({
          %run_scoped3A = tpu.sem_alloc : memref<!tpu.dma_semaphore, #tpu.memory_space<semaphore_mem>>
          %dma_start3A_80 = arith.constant 0 : i32
          %dma_start3A_81 = arith.constant 0 : i32
          %dma_start3A_82 = tpu.memref_slice %arg13[%dma_start3A_80, %dma_start3A_81] : memref<32x128xf32, #tpu.memory_space<vmem>> -> memref<16x128xf32, #tpu.memory_space<vmem>>
          %dma_start3A_83 = arith.constant 0 : i32
          %dma_start3A_84 = tpu.memref_slice %arg14[%add3A_79, %dma_start3A_83] : memref<10000x128xf32, #tpu.memory_space<vmem_shared>> -> memref<16x128xf32, #tpu.memory_space<vmem_shared>>
          %dma_start3A_85 = arith.constant 0 : i32
          %dma_start3A_86 = tpu.memref_slice %arg14[%add3A_79, %dma_start3A_85] : memref<10000x128xf32, #tpu.memory_space<vmem_shared>> -> memref<16x128xf32, #tpu.memory_space<vmem_shared>>
          %dma_start3A_87 = arith.constant 0 : i32
          %dma_start3A_88 = arith.constant 0 : i32
          %dma_start3A_89 = tpu.memref_slice %arg13[%dma_start3A_87, %dma_start3A_88] : memref<32x128xf32, #tpu.memory_space<vmem>> -> memref<16x128xf32, #tpu.memory_space<vmem>>
          tpu.enqueue_dma source(%dma_start3A_89 : memref<16x128xf32, #tpu.memory_space<vmem>>) target(%dma_start3A_86 : memref<16x128xf32, #tpu.memory_space<vmem_shared>>) target_semaphore(%run_scoped3A : memref<!tpu.dma_semaphore, #tpu.memory_space<semaphore_mem>>)
          %dma_wait3A_90 = arith.constant 0 : i32
          %dma_wait3A_91 = arith.constant 0 : i32
          %dma_wait3A_92 = tpu.memref_slice %arg13[%dma_wait3A_90, %dma_wait3A_91] : memref<32x128xf32, #tpu.memory_space<vmem>> -> memref<16x128xf32, #tpu.memory_space<vmem>>
          %dma_wait3A_93 = arith.constant 0 : i32
          %dma_wait3A_94 = tpu.memref_slice %arg14[%add3A_79, %dma_wait3A_93] : memref<10000x128xf32, #tpu.memory_space<vmem_shared>> -> memref<16x128xf32, #tpu.memory_space<vmem_shared>>
          %dma_wait3A_95 = arith.constant 0 : i32
          %dma_wait3A_96 = tpu.memref_slice %arg14[%add3A_79, %dma_wait3A_95] : memref<10000x128xf32, #tpu.memory_space<vmem_shared>> -> memref<16x128xf32, #tpu.memory_space<vmem_shared>>
          %dma_wait3A_97 = arith.constant 0 : i32
          %dma_wait3A_98 = arith.constant 0 : i32
          %dma_wait3A_99 = tpu.memref_slice %arg13[%dma_wait3A_97, %dma_wait3A_98] : memref<32x128xf32, #tpu.memory_space<vmem>> -> memref<16x128xf32, #tpu.memory_space<vmem>>
          tpu.wait_dma2 semaphore(%run_scoped3A : memref<!tpu.dma_semaphore, #tpu.memory_space<semaphore_mem>>) src(%dma_wait3A_99 : memref<16x128xf32, #tpu.memory_space<vmem>>) dst(%dma_wait3A_96 : memref<16x128xf32, #tpu.memory_space<vmem_shared>>)
          tpu.yield
        }) : () -> ()
      } else {
      }
    } else {
    }
    %barrier3A = arith.constant 0 : index
    tpu.barrier barrier_id(%barrier3A)
    %scan3A = arith.constant 0 : i32
    %scan3A_18 = arith.constant 0 : i32
    %scan3A_19 = arith.constant 78 : i32
    %scan3A_20 = arith.addi %scan3A_18, %scan3A_19 : i32
    %scan3A_21 = arith.constant 1 : i32
    %scan3A_22 = scf.for %scan3A_51 = %scan3A_18 to %scan3A_20 step %scan3A_21 iter_args(%scan3A_52 = %scan3A) -> (i32)  : i32 {
      %jit3A = arith.constant 2 : i32
      %eq3A_53 = arith.constant 0 : i32
      %eq3A_54 = arith.cmpi eq, %jit3A, %eq3A_53 : i32
      %jit3A_55 = arith.constant 1 : i32
      %select_n3A = arith.select %eq3A_54, %jit3A_55, %jit3A : i32
      %rem3A = arith.remsi %scan3A_51, %select_n3A : i32
      %ne3A = arith.constant 0 : i32
      %ne3A_56 = arith.cmpi ne, %rem3A, %ne3A : i32
      %lt3A_57 = arith.constant 0 : i32
      %lt3A_58 = arith.cmpi slt, %rem3A, %lt3A_57 : i32
      %lt3A_59 = arith.constant 0 : i32
      %lt3A_60 = arith.cmpi slt, %select_n3A, %lt3A_59 : i32
      %ne3A_61 = arith.xori %lt3A_58, %lt3A_60 : i1
      %and3A = arith.andi %ne3A_61, %ne3A_56 : i1
      %add3A_62 = arith.addi %rem3A, %select_n3A : i32
      %select_n3A_63 = arith.select %and3A, %add3A_62, %rem3A : i32
      %eq3A_64 = arith.constant 0 : i32
      %eq3A_65 = arith.cmpi eq, %select_n3A_63, %eq3A_64 : i32
      %convert_element_type3A_66 = arith.extui %eq3A_65 : i1 to i32
      %cond3A_67 = arith.constant 0 : i32
      %cond3A_68 = arith.cmpi ne, %convert_element_type3A_66, %cond3A_67 : i32
      scf.if %cond3A_68 {
        %lt3A_91 = arith.constant 77 : i32
        %lt3A_92 = arith.cmpi slt, %scan3A_51, %lt3A_91 : i32
        %convert_element_type3A_93 = arith.extui %lt3A_92 : i1 to i32
        %cond3A_94 = arith.constant 0 : i32
        %cond3A_95 = arith.cmpi ne, %convert_element_type3A_93, %cond3A_94 : i32
        scf.if %cond3A_95 {
          %ge3A = arith.constant 1 : i32
          %ge3A_110 = arith.cmpi sge, %scan3A_51, %ge3A : i32
          %convert_element_type3A_111 = arith.extui %ge3A_110 : i1 to i32
          %cond3A_112 = arith.constant 0 : i32
          %cond3A_113 = arith.cmpi ne, %convert_element_type3A_111, %cond3A_112 : i32
          scf.if %cond3A_113 {
            %dma_wait3A_129 = arith.constant 0 : i32
            %dma_wait3A_130 = arith.constant 0 : i32
            %dma_wait3A_131 = tpu.memref_slice %arg14[%dma_wait3A_129, %dma_wait3A_130] : memref<10000x128xf32, #tpu.memory_space<vmem_shared>> -> memref<10000x128xf32, #tpu.memory_space<vmem_shared>>
            tpu.wait_indirect_dma semaphore(%arg20 : memref<!tpu.dma_semaphore, #tpu.memory_space<semaphore_mem>>) src(%arg11 : memref<128x128xf32, #tpu.memory_space<vmem>>) dst(%dma_wait3A_131 : memref<10000x128xf32, #tpu.memory_space<vmem_shared>>)
          } else {
          }
          %add3A_114 = arith.constant 1 : i32
          %add3A_115 = arith.addi %scan3A_51, %add3A_114 : i32
          %mul3A_116 = arith.constant 128 : i32
          %mul3A_117 = arith.muli %add3A_115, %mul3A_116 : i32
          %add3A_118 = arith.addi %mul3A_2, %mul3A_117 : i32
          %dma_start3A_119 = tpu.memref_slice %arg3[%add3A_118] : memref<320000xi32, #tpu.memory_space<hbm>> -> memref<128xi32, #tpu.memory_space<hbm>>
          %dma_start3A_120 = tpu.memref_slice %arg3[%add3A_118] : memref<320000xi32, #tpu.memory_space<hbm>> -> memref<128xi32, #tpu.memory_space<hbm>>
          tpu.enqueue_dma source(%dma_start3A_120 : memref<128xi32, #tpu.memory_space<hbm>>) target(%arg8 : memref<128xi32, #tpu.memory_space<vmem>>) target_semaphore(%arg18 : memref<!tpu.dma_semaphore, #tpu.memory_space<semaphore_mem>>)
          %add3A_121 = arith.constant 1 : i32
          %add3A_122 = arith.addi %scan3A_51, %add3A_121 : i32
          %mul3A_123 = arith.constant 128 : i32
          %mul3A_124 = arith.muli %add3A_122, %mul3A_123 : i32
          %dma_start3A_125 = tpu.memref_slice %arg6[%mul3A_124] : memref<10000xi32, #tpu.memory_space<vmem>> -> memref<128xi32, #tpu.memory_space<vmem>>
          %dma_start3A_126 = arith.constant 0 : i32
          %dma_start3A_127 = arith.constant 0 : i32
          %dma_start3A_128 = tpu.memref_slice %arg4[%dma_start3A_126, %dma_start3A_127] : memref<10000x128xf32, #tpu.memory_space<hbm>> -> memref<10000x128xf32, #tpu.memory_space<hbm>>
          tpu.enqueue_indirect_dma source(%dma_start3A_128 : memref<10000x128xf32, #tpu.memory_space<hbm>>) target(%arg11 : memref<128x128xf32, #tpu.memory_space<vmem>>) offsets(%dma_start3A_125 : memref<128xi32, #tpu.memory_space<vmem>>) semaphore(%arg16 : memref<!tpu.dma_semaphore, #tpu.memory_space<semaphore_mem>>)
        } else {
        }
        %mul3A_96 = arith.constant 128 : i32
        %mul3A_97 = arith.muli %scan3A_51, %mul3A_96 : i32
        %add3A_98 = arith.addi %mul3A_2, %mul3A_97 : i32
        %dma_wait3A_99 = tpu.memref_slice %arg3[%add3A_98] : memref<320000xi32, #tpu.memory_space<hbm>> -> memref<128xi32, #tpu.memory_space<hbm>>
        %dma_wait3A_100 = tpu.memref_slice %arg3[%add3A_98] : memref<320000xi32, #tpu.memory_space<hbm>> -> memref<128xi32, #tpu.memory_space<hbm>>
        tpu.wait_dma2 semaphore(%arg17 : memref<!tpu.dma_semaphore, #tpu.memory_space<semaphore_mem>>) src(%dma_wait3A_100 : memref<128xi32, #tpu.memory_space<hbm>>) dst(%arg7 : memref<128xi32, #tpu.memory_space<vmem>>)
        %mul3A_101 = arith.constant 128 : i32
        %mul3A_102 = arith.muli %scan3A_51, %mul3A_101 : i32
        %dma_wait3A_103 = tpu.memref_slice %arg6[%mul3A_102] : memref<10000xi32, #tpu.memory_space<vmem>> -> memref<128xi32, #tpu.memory_space<vmem>>
        %dma_wait3A_104 = arith.constant 0 : i32
        %dma_wait3A_105 = arith.constant 0 : i32
        %dma_wait3A_106 = tpu.memref_slice %arg4[%dma_wait3A_104, %dma_wait3A_105] : memref<10000x128xf32, #tpu.memory_space<hbm>> -> memref<10000x128xf32, #tpu.memory_space<hbm>>
        tpu.wait_indirect_dma semaphore(%arg15 : memref<!tpu.dma_semaphore, #tpu.memory_space<semaphore_mem>>) src(%dma_wait3A_106 : memref<10000x128xf32, #tpu.memory_space<hbm>>) dst(%arg10 : memref<128x128xf32, #tpu.memory_space<vmem>>)
        %dma_start3A_107 = arith.constant 0 : i32
        %dma_start3A_108 = arith.constant 0 : i32
        %dma_start3A_109 = tpu.memref_slice %arg14[%dma_start3A_107, %dma_start3A_108] : memref<10000x128xf32, #tpu.memory_space<vmem_shared>> -> memref<10000x128xf32, #tpu.memory_space<vmem_shared>>
        tpu.enqueue_indirect_dma source(%arg10 : memref<128x128xf32, #tpu.memory_space<vmem>>) target(%dma_start3A_109 : memref<10000x128xf32, #tpu.memory_space<vmem_shared>>) offsets(%arg7 : memref<128xi32, #tpu.memory_space<vmem>>) semaphore(%arg19 : memref<!tpu.dma_semaphore, #tpu.memory_space<semaphore_mem>>) {add = true}
      } else {
      }
      %jit3A_69 = arith.constant 2 : i32
      %eq3A_70 = arith.constant 0 : i32
      %eq3A_71 = arith.cmpi eq, %jit3A_69, %eq3A_70 : i32
      %jit3A_72 = arith.constant 1 : i32
      %select_n3A_73 = arith.select %eq3A_71, %jit3A_72, %jit3A_69 : i32
      %rem3A_74 = arith.remsi %scan3A_51, %select_n3A_73 : i32
      %ne3A_75 = arith.constant 0 : i32
      %ne3A_76 = arith.cmpi ne, %rem3A_74, %ne3A_75 : i32
      %lt3A_77 = arith.constant 0 : i32
      %lt3A_78 = arith.cmpi slt, %rem3A_74, %lt3A_77 : i32
      %lt3A_79 = arith.constant 0 : i32
      %lt3A_80 = arith.cmpi slt, %select_n3A_73, %lt3A_79 : i32
      %ne3A_81 = arith.xori %lt3A_78, %lt3A_80 : i1
      %and3A_82 = arith.andi %ne3A_81, %ne3A_76 : i1
      %add3A_83 = arith.addi %rem3A_74, %select_n3A_73 : i32
      %select_n3A_84 = arith.select %and3A_82, %add3A_83, %rem3A_74 : i32
      %eq3A_85 = arith.constant 1 : i32
      %eq3A_86 = arith.cmpi eq, %select_n3A_84, %eq3A_85 : i32
      %convert_element_type3A_87 = arith.extui %eq3A_86 : i1 to i32
      %cond3A_88 = arith.constant 0 : i32
      %cond3A_89 = arith.cmpi ne, %convert_element_type3A_87, %cond3A_88 : i32
      scf.if %cond3A_89 {
        %lt3A_91 = arith.constant 77 : i32
        %lt3A_92 = arith.cmpi slt, %scan3A_51, %lt3A_91 : i32
        %convert_element_type3A_93 = arith.extui %lt3A_92 : i1 to i32
        %cond3A_94 = arith.constant 0 : i32
        %cond3A_95 = arith.cmpi ne, %convert_element_type3A_93, %cond3A_94 : i32
        scf.if %cond3A_95 {
          %ge3A = arith.constant 1 : i32
          %ge3A_110 = arith.cmpi sge, %scan3A_51, %ge3A : i32
          %convert_element_type3A_111 = arith.extui %ge3A_110 : i1 to i32
          %cond3A_112 = arith.constant 0 : i32
          %cond3A_113 = arith.cmpi ne, %convert_element_type3A_111, %cond3A_112 : i32
          scf.if %cond3A_113 {
            %dma_wait3A_129 = arith.constant 0 : i32
            %dma_wait3A_130 = arith.constant 0 : i32
            %dma_wait3A_131 = tpu.memref_slice %arg14[%dma_wait3A_129, %dma_wait3A_130] : memref<10000x128xf32, #tpu.memory_space<vmem_shared>> -> memref<10000x128xf32, #tpu.memory_space<vmem_shared>>
            tpu.wait_indirect_dma semaphore(%arg19 : memref<!tpu.dma_semaphore, #tpu.memory_space<semaphore_mem>>) src(%arg10 : memref<128x128xf32, #tpu.memory_space<vmem>>) dst(%dma_wait3A_131 : memref<10000x128xf32, #tpu.memory_space<vmem_shared>>)
          } else {
          }
          %add3A_114 = arith.constant 1 : i32
          %add3A_115 = arith.addi %scan3A_51, %add3A_114 : i32
          %mul3A_116 = arith.constant 128 : i32
          %mul3A_117 = arith.muli %add3A_115, %mul3A_116 : i32
          %add3A_118 = arith.addi %mul3A_2, %mul3A_117 : i32
          %dma_start3A_119 = tpu.memref_slice %arg3[%add3A_118] : memref<320000xi32, #tpu.memory_space<hbm>> -> memref<128xi32, #tpu.memory_space<hbm>>
          %dma_start3A_120 = tpu.memref_slice %arg3[%add3A_118] : memref<320000xi32, #tpu.memory_space<hbm>> -> memref<128xi32, #tpu.memory_space<hbm>>
          tpu.enqueue_dma source(%dma_start3A_120 : memref<128xi32, #tpu.memory_space<hbm>>) target(%arg7 : memref<128xi32, #tpu.memory_space<vmem>>) target_semaphore(%arg17 : memref<!tpu.dma_semaphore, #tpu.memory_space<semaphore_mem>>)
          %add3A_121 = arith.constant 1 : i32
          %add3A_122 = arith.addi %scan3A_51, %add3A_121 : i32
          %mul3A_123 = arith.constant 128 : i32
          %mul3A_124 = arith.muli %add3A_122, %mul3A_123 : i32
          %dma_start3A_125 = tpu.memref_slice %arg6[%mul3A_124] : memref<10000xi32, #tpu.memory_space<vmem>> -> memref<128xi32, #tpu.memory_space<vmem>>
          %dma_start3A_126 = arith.constant 0 : i32
          %dma_start3A_127 = arith.constant 0 : i32
          %dma_start3A_128 = tpu.memref_slice %arg4[%dma_start3A_126, %dma_start3A_127] : memref<10000x128xf32, #tpu.memory_space<hbm>> -> memref<10000x128xf32, #tpu.memory_space<hbm>>
          tpu.enqueue_indirect_dma source(%dma_start3A_128 : memref<10000x128xf32, #tpu.memory_space<hbm>>) target(%arg10 : memref<128x128xf32, #tpu.memory_space<vmem>>) offsets(%dma_start3A_125 : memref<128xi32, #tpu.memory_space<vmem>>) semaphore(%arg15 : memref<!tpu.dma_semaphore, #tpu.memory_space<semaphore_mem>>)
        } else {
        }
        %mul3A_96 = arith.constant 128 : i32
        %mul3A_97 = arith.muli %scan3A_51, %mul3A_96 : i32
        %add3A_98 = arith.addi %mul3A_2, %mul3A_97 : i32
        %dma_wait3A_99 = tpu.memref_slice %arg3[%add3A_98] : memref<320000xi32, #tpu.memory_space<hbm>> -> memref<128xi32, #tpu.memory_space<hbm>>
        %dma_wait3A_100 = tpu.memref_slice %arg3[%add3A_98] : memref<320000xi32, #tpu.memory_space<hbm>> -> memref<128xi32, #tpu.memory_space<hbm>>
        tpu.wait_dma2 semaphore(%arg18 : memref<!tpu.dma_semaphore, #tpu.memory_space<semaphore_mem>>) src(%dma_wait3A_100 : memref<128xi32, #tpu.memory_space<hbm>>) dst(%arg8 : memref<128xi32, #tpu.memory_space<vmem>>)
        %mul3A_101 = arith.constant 128 : i32
        %mul3A_102 = arith.muli %scan3A_51, %mul3A_101 : i32
        %dma_wait3A_103 = tpu.memref_slice %arg6[%mul3A_102] : memref<10000xi32, #tpu.memory_space<vmem>> -> memref<128xi32, #tpu.memory_space<vmem>>
        %dma_wait3A_104 = arith.constant 0 : i32
        %dma_wait3A_105 = arith.constant 0 : i32
        %dma_wait3A_106 = tpu.memref_slice %arg4[%dma_wait3A_104, %dma_wait3A_105] : memref<10000x128xf32, #tpu.memory_space<hbm>> -> memref<10000x128xf32, #tpu.memory_space<hbm>>
        tpu.wait_indirect_dma semaphore(%arg16 : memref<!tpu.dma_semaphore, #tpu.memory_space<semaphore_mem>>) src(%dma_wait3A_106 : memref<10000x128xf32, #tpu.memory_space<hbm>>) dst(%arg11 : memref<128x128xf32, #tpu.memory_space<vmem>>)
        %dma_start3A_107 = arith.constant 0 : i32
        %dma_start3A_108 = arith.constant 0 : i32
        %dma_start3A_109 = tpu.memref_slice %arg14[%dma_start3A_107, %dma_start3A_108] : memref<10000x128xf32, #tpu.memory_space<vmem_shared>> -> memref<10000x128xf32, #tpu.memory_space<vmem_shared>>
        tpu.enqueue_indirect_dma source(%arg11 : memref<128x128xf32, #tpu.memory_space<vmem>>) target(%dma_start3A_109 : memref<10000x128xf32, #tpu.memory_space<vmem_shared>>) offsets(%arg8 : memref<128xi32, #tpu.memory_space<vmem>>) semaphore(%arg20 : memref<!tpu.dma_semaphore, #tpu.memory_space<semaphore_mem>>) {add = true}
      } else {
      }
      %scan3A_90 = arith.constant 0 : i32
      scf.yield %scan3A_90 : i32
    }
    %scan3A_23 = arith.constant 78 : i32
    %dma_wait3A = arith.constant 0 : i32
    %dma_wait3A_24 = arith.constant 0 : i32
    %dma_wait3A_25 = tpu.memref_slice %arg14[%dma_wait3A, %dma_wait3A_24] : memref<10000x128xf32, #tpu.memory_space<vmem_shared>> -> memref<10000x128xf32, #tpu.memory_space<vmem_shared>>
    tpu.wait_indirect_dma semaphore(%arg19 : memref<!tpu.dma_semaphore, #tpu.memory_space<semaphore_mem>>) src(%arg10 : memref<128x128xf32, #tpu.memory_space<vmem>>) dst(%dma_wait3A_25 : memref<10000x128xf32, #tpu.memory_space<vmem_shared>>)
    %dma_wait3A_26 = arith.constant 0 : i32
    %dma_wait3A_27 = arith.constant 0 : i32
    %dma_wait3A_28 = tpu.memref_slice %arg14[%dma_wait3A_26, %dma_wait3A_27] : memref<10000x128xf32, #tpu.memory_space<vmem_shared>> -> memref<10000x128xf32, #tpu.memory_space<vmem_shared>>
    tpu.wait_indirect_dma semaphore(%arg20 : memref<!tpu.dma_semaphore, #tpu.memory_space<semaphore_mem>>) src(%arg11 : memref<128x128xf32, #tpu.memory_space<vmem>>) dst(%dma_wait3A_28 : memref<10000x128xf32, #tpu.memory_space<vmem_shared>>)
    %add3A_29 = arith.constant 9984 : i32
    %add3A_30 = arith.addi %mul3A_2, %add3A_29 : i32
    "tpu.region"() ({
      %run_scoped3A = tpu.sem_alloc : memref<!tpu.dma_semaphore, #tpu.memory_space<semaphore_mem>>
      %dma_start3A_51 = tpu.memref_slice %arg3[%add3A_30] : memref<320000xi32, #tpu.memory_space<hbm>> -> memref<16xi32, #tpu.memory_space<hbm>>
      %dma_start3A_52 = tpu.memref_slice %arg3[%add3A_30] : memref<320000xi32, #tpu.memory_space<hbm>> -> memref<16xi32, #tpu.memory_space<hbm>>
      tpu.enqueue_dma source(%dma_start3A_52 : memref<16xi32, #tpu.memory_space<hbm>>) target(%arg9 : memref<16xi32, #tpu.memory_space<vmem>>) target_semaphore(%run_scoped3A : memref<!tpu.dma_semaphore, #tpu.memory_space<semaphore_mem>>)
      %dma_wait3A_53 = tpu.memref_slice %arg3[%add3A_30] : memref<320000xi32, #tpu.memory_space<hbm>> -> memref<16xi32, #tpu.memory_space<hbm>>
      %dma_wait3A_54 = tpu.memref_slice %arg3[%add3A_30] : memref<320000xi32, #tpu.memory_space<hbm>> -> memref<16xi32, #tpu.memory_space<hbm>>
      tpu.wait_dma2 semaphore(%run_scoped3A : memref<!tpu.dma_semaphore, #tpu.memory_space<semaphore_mem>>) src(%dma_wait3A_54 : memref<16xi32, #tpu.memory_space<hbm>>) dst(%arg9 : memref<16xi32, #tpu.memory_space<vmem>>)
      tpu.yield
    }) : () -> ()
    %dma_start3A_31 = arith.constant 9984 : i32
    %dma_start3A_32 = tpu.memref_slice %arg6[%dma_start3A_31] : memref<10000xi32, #tpu.memory_space<vmem>> -> memref<16xi32, #tpu.memory_space<vmem>>
    %dma_start3A_33 = arith.constant 0 : i32
    %dma_start3A_34 = arith.constant 0 : i32
    %dma_start3A_35 = tpu.memref_slice %arg4[%dma_start3A_33, %dma_start3A_34] : memref<10000x128xf32, #tpu.memory_space<hbm>> -> memref<10000x128xf32, #tpu.memory_space<hbm>>
    tpu.enqueue_indirect_dma source(%dma_start3A_35 : memref<10000x128xf32, #tpu.memory_space<hbm>>) target(%arg12 : memref<16x128xf32, #tpu.memory_space<vmem>>) offsets(%dma_start3A_32 : memref<16xi32, #tpu.memory_space<vmem>>) semaphore(%arg15 : memref<!tpu.dma_semaphore, #tpu.memory_space<semaphore_mem>>)
    %dma_wait3A_36 = arith.constant 9984 : i32
    %dma_wait3A_37 = tpu.memref_slice %arg6[%dma_wait3A_36] : memref<10000xi32, #tpu.memory_space<vmem>> -> memref<16xi32, #tpu.memory_space<vmem>>
    %dma_wait3A_38 = arith.constant 0 : i32
    %dma_wait3A_39 = arith.constant 0 : i32
    %dma_wait3A_40 = tpu.memref_slice %arg4[%dma_wait3A_38, %dma_wait3A_39] : memref<10000x128xf32, #tpu.memory_space<hbm>> -> memref<10000x128xf32, #tpu.memory_space<hbm>>
    tpu.wait_indirect_dma semaphore(%arg15 : memref<!tpu.dma_semaphore, #tpu.memory_space<semaphore_mem>>) src(%dma_wait3A_40 : memref<10000x128xf32, #tpu.memory_space<hbm>>) dst(%arg12 : memref<16x128xf32, #tpu.memory_space<vmem>>)
    "tpu.region"() ({
      %run_scoped3A = tpu.sem_alloc : memref<!tpu.dma_semaphore, #tpu.memory_space<semaphore_mem>>
      %dma_start3A_51 = arith.constant 0 : i32
      %dma_start3A_52 = arith.constant 0 : i32
      %dma_start3A_53 = tpu.memref_slice %arg14[%dma_start3A_51, %dma_start3A_52] : memref<10000x128xf32, #tpu.memory_space<vmem_shared>> -> memref<10000x128xf32, #tpu.memory_space<vmem_shared>>
      tpu.enqueue_indirect_dma source(%arg12 : memref<16x128xf32, #tpu.memory_space<vmem>>) target(%dma_start3A_53 : memref<10000x128xf32, #tpu.memory_space<vmem_shared>>) offsets(%arg9 : memref<16xi32, #tpu.memory_space<vmem>>) semaphore(%run_scoped3A : memref<!tpu.dma_semaphore, #tpu.memory_space<semaphore_mem>>) {add = true}
      %dma_wait3A_54 = arith.constant 0 : i32
      %dma_wait3A_55 = arith.constant 0 : i32
      %dma_wait3A_56 = tpu.memref_slice %arg14[%dma_wait3A_54, %dma_wait3A_55] : memref<10000x128xf32, #tpu.memory_space<vmem_shared>> -> memref<10000x128xf32, #tpu.memory_space<vmem_shared>>
      tpu.wait_indirect_dma semaphore(%run_scoped3A : memref<!tpu.dma_semaphore, #tpu.memory_space<semaphore_mem>>) src(%arg12 : memref<16x128xf32, #tpu.memory_space<vmem>>) dst(%dma_wait3A_56 : memref<10000x128xf32, #tpu.memory_space<vmem_shared>>)
      tpu.yield
    }) : () -> ()
    %barrier3A_41 = arith.constant 0 : index
    tpu.barrier barrier_id(%barrier3A_41)
    %lt3A = arith.constant 15 : i32
    %lt3A_42 = arith.cmpi slt, %arg1, %lt3A : i32
    %convert_element_type3A_43 = arith.extui %lt3A_42 : i1 to i32
    %cond3A_44 = arith.constant 0 : i32
    %cond3A_45 = arith.cmpi ne, %convert_element_type3A_43, %cond3A_44 : i32
    scf.if %cond3A_45 {
      %mul3A_51 = arith.constant 640 : i32
      %mul3A_52 = arith.muli %arg1, %mul3A_51 : i32
      %mul3A_53 = arith.constant 640 : i32
      %mul3A_54 = arith.muli %arg1, %mul3A_53 : i32
      "tpu.region"() ({
        %run_scoped3A = tpu.sem_alloc : memref<!tpu.dma_semaphore, #tpu.memory_space<semaphore_mem>>
        %dma_start3A_55 = arith.constant 0 : i32
        %dma_start3A_56 = tpu.memref_slice %arg5[%arg0, %mul3A_54, %dma_start3A_55] : memref<2x10000x128xf32, #tpu.memory_space<hbm>> -> memref<1x640x128xf32, #tpu.memory_space<hbm>>
        %dma_start3A_57 = tpu.memref_squeeze %dma_start3A_56 : memref<1x640x128xf32, #tpu.memory_space<hbm>> -> memref<640x128xf32, #tpu.memory_space<hbm>>
        %dma_start3A_58 = arith.constant 0 : i32
        %dma_start3A_59 = tpu.memref_slice %arg14[%mul3A_52, %dma_start3A_58] : memref<10000x128xf32, #tpu.memory_space<vmem_shared>> -> memref<640x128xf32, #tpu.memory_space<vmem_shared>>
        tpu.enqueue_dma source(%dma_start3A_59 : memref<640x128xf32, #tpu.memory_space<vmem_shared>>) target(%dma_start3A_57 : memref<640x128xf32, #tpu.memory_space<hbm>>) target_semaphore(%run_scoped3A : memref<!tpu.dma_semaphore, #tpu.memory_space<semaphore_mem>>)
        %dma_wait3A_60 = arith.constant 0 : i32
        %dma_wait3A_61 = tpu.memref_slice %arg5[%arg0, %mul3A_54, %dma_wait3A_60] : memref<2x10000x128xf32, #tpu.memory_space<hbm>> -> memref<1x640x128xf32, #tpu.memory_space<hbm>>
        %dma_wait3A_62 = tpu.memref_squeeze %dma_wait3A_61 : memref<1x640x128xf32, #tpu.memory_space<hbm>> -> memref<640x128xf32, #tpu.memory_space<hbm>>
        %dma_wait3A_63 = arith.constant 0 : i32
        %dma_wait3A_64 = tpu.memref_slice %arg14[%mul3A_52, %dma_wait3A_63] : memref<10000x128xf32, #tpu.memory_space<vmem_shared>> -> memref<640x128xf32, #tpu.memory_space<vmem_shared>>
        tpu.wait_dma2 semaphore(%run_scoped3A : memref<!tpu.dma_semaphore, #tpu.memory_space<semaphore_mem>>) src(%dma_wait3A_64 : memref<640x128xf32, #tpu.memory_space<vmem_shared>>) dst(%dma_wait3A_62 : memref<640x128xf32, #tpu.memory_space<hbm>>)
        tpu.yield
      }) : () -> ()
    } else {
    }
    %eq3A_46 = arith.constant 15 : i32
    %eq3A_47 = arith.cmpi eq, %arg1, %eq3A_46 : i32
    %convert_element_type3A_48 = arith.extui %eq3A_47 : i1 to i32
    %cond3A_49 = arith.constant 0 : i32
    %cond3A_50 = arith.cmpi ne, %convert_element_type3A_48, %cond3A_49 : i32
    scf.if %cond3A_50 {
      "tpu.region"() ({
        %run_scoped3A = tpu.sem_alloc : memref<!tpu.dma_semaphore, #tpu.memory_space<semaphore_mem>>
        %dma_start3A_51 = arith.constant 9600 : i32
        %dma_start3A_52 = arith.constant 0 : i32
        %dma_start3A_53 = tpu.memref_slice %arg5[%arg0, %dma_start3A_51, %dma_start3A_52] : memref<2x10000x128xf32, #tpu.memory_space<hbm>> -> memref<1x400x128xf32, #tpu.memory_space<hbm>>
        %dma_start3A_54 = tpu.memref_squeeze %dma_start3A_53 : memref<1x400x128xf32, #tpu.memory_space<hbm>> -> memref<400x128xf32, #tpu.memory_space<hbm>>
        %dma_start3A_55 = arith.constant 9600 : i32
        %dma_start3A_56 = arith.constant 0 : i32
        %dma_start3A_57 = tpu.memref_slice %arg14[%dma_start3A_55, %dma_start3A_56] : memref<10000x128xf32, #tpu.memory_space<vmem_shared>> -> memref<400x128xf32, #tpu.memory_space<vmem_shared>>
        tpu.enqueue_dma source(%dma_start3A_57 : memref<400x128xf32, #tpu.memory_space<vmem_shared>>) target(%dma_start3A_54 : memref<400x128xf32, #tpu.memory_space<hbm>>) target_semaphore(%run_scoped3A : memref<!tpu.dma_semaphore, #tpu.memory_space<semaphore_mem>>)
        %dma_wait3A_58 = arith.constant 9600 : i32
        %dma_wait3A_59 = arith.constant 0 : i32
        %dma_wait3A_60 = tpu.memref_slice %arg5[%arg0, %dma_wait3A_58, %dma_wait3A_59] : memref<2x10000x128xf32, #tpu.memory_space<hbm>> -> memref<1x400x128xf32, #tpu.memory_space<hbm>>
        %dma_wait3A_61 = tpu.memref_squeeze %dma_wait3A_60 : memref<1x400x128xf32, #tpu.memory_space<hbm>> -> memref<400x128xf32, #tpu.memory_space<hbm>>
        %dma_wait3A_62 = arith.constant 9600 : i32
        %dma_wait3A_63 = arith.constant 0 : i32
        %dma_wait3A_64 = tpu.memref_slice %arg14[%dma_wait3A_62, %dma_wait3A_63] : memref<10000x128xf32, #tpu.memory_space<vmem_shared>> -> memref<400x128xf32, #tpu.memory_space<vmem_shared>>
        tpu.wait_dma2 semaphore(%run_scoped3A : memref<!tpu.dma_semaphore, #tpu.memory_space<semaphore_mem>>) src(%dma_wait3A_64 : memref<400x128xf32, #tpu.memory_space<vmem_shared>>) dst(%dma_wait3A_61 : memref<400x128xf32, #tpu.memory_space<hbm>>)
        tpu.yield
      }) : () -> ()
    } else {
    }
    return
  }
}

#map = affine_map<(d0, d1) -> (0)>
#map1 = affine_map<(d0, d1) -> (0, 0)>
#map2 = affine_map<(d0, d1) -> (0, 0, 0)>
module attributes {stable_mosaic.version = 14 : i64} {
  func.func @_sc_hop(%arg0: i32, %arg1: i32, %arg2: memref<320000xi32, #tpu.memory_space<hbm>>, %arg3: memref<320000xi32, #tpu.memory_space<hbm>>, %arg4: memref<10000x128xf32, #tpu.memory_space<hbm>>, %arg5: memref<2x10000x128xf32, #tpu.memory_space<hbm>>, %arg6: memref<10000xi32, #tpu.memory_space<vmem>>, %arg7: memref<128xi32, #tpu.memory_space<vmem>>, %arg8: memref<128xi32, #tpu.memory_space<vmem>>, %arg9: memref<16xi32, #tpu.memory_space<vmem>>, %arg10: memref<128x128xf32, #tpu.memory_space<vmem>>, %arg11: memref<128x128xf32, #tpu.memory_space<vmem>>, %arg12: memref<16x128xf32, #tpu.memory_space<vmem>>, %arg13: memref<32x128xf32, #tpu.memory_space<vmem>>, %arg14: memref<10000x128xf32, #tpu.memory_space<vmem_shared>>, %arg15: memref<!tpu.dma_semaphore, #tpu.memory_space<semaphore_mem>>, %arg16: memref<!tpu.dma_semaphore, #tpu.memory_space<semaphore_mem>>, %arg17: memref<!tpu.dma_semaphore, #tpu.memory_space<semaphore_mem>>, %arg18: memref<!tpu.dma_semaphore, #tpu.memory_space<semaphore_mem>>, %arg19: memref<!tpu.dma_semaphore, #tpu.memory_space<semaphore_mem>>, %arg20: memref<!tpu.dma_semaphore, #tpu.memory_space<semaphore_mem>>) attributes {dimension_semantics = [#tpu.dimension_semantics<core_parallel>, #tpu.dimension_semantics<subcore_parallel>], iteration_bounds = array<i64: 2, 16>, scalar_prefetch = 0 : i64, scratch_operands = 15 : i64, tpu.core_type = #tpu.core_type<sc_vector_subcore>, window_params = [{transform_indices = #map}, {transform_indices = #map}, {transform_indices = #map1}, {transform_indices = #map2}]} {
    %mul3A = arith.constant 2 : i32
    %mul3A_0 = arith.muli %arg1, %mul3A : i32
    %add3A = arith.addi %mul3A_0, %arg0 : i32
    %mul3A_1 = arith.constant 10000 : i32
    %mul3A_2 = arith.muli %add3A, %mul3A_1 : i32
    "tpu.region"() ({
      %run_scoped3A = tpu.sem_alloc : memref<!tpu.dma_semaphore, #tpu.memory_space<semaphore_mem>>
      %dma_start3A_51 = tpu.memref_slice %arg2[%mul3A_2] : memref<320000xi32, #tpu.memory_space<hbm>> -> memref<10000xi32, #tpu.memory_space<hbm>>
      %dma_start3A_52 = tpu.memref_slice %arg2[%mul3A_2] : memref<320000xi32, #tpu.memory_space<hbm>> -> memref<10000xi32, #tpu.memory_space<hbm>>
      tpu.enqueue_dma source(%dma_start3A_52 : memref<10000xi32, #tpu.memory_space<hbm>>) target(%arg6 : memref<10000xi32, #tpu.memory_space<vmem>>) target_semaphore(%run_scoped3A : memref<!tpu.dma_semaphore, #tpu.memory_space<semaphore_mem>>)
      %dma_wait3A_53 = tpu.memref_slice %arg2[%mul3A_2] : memref<320000xi32, #tpu.memory_space<hbm>> -> memref<10000xi32, #tpu.memory_space<hbm>>
      %dma_wait3A_54 = tpu.memref_slice %arg2[%mul3A_2] : memref<320000xi32, #tpu.memory_space<hbm>> -> memref<10000xi32, #tpu.memory_space<hbm>>
      tpu.wait_dma2 semaphore(%run_scoped3A : memref<!tpu.dma_semaphore, #tpu.memory_space<semaphore_mem>>) src(%dma_wait3A_54 : memref<10000xi32, #tpu.memory_space<hbm>>) dst(%arg6 : memref<10000xi32, #tpu.memory_space<vmem>>)
      tpu.yield
    }) : () -> ()
    %add3A_3 = arith.constant 0 : i32
    %add3A_4 = arith.addi %mul3A_2, %add3A_3 : i32
    %dma_start3A = tpu.memref_slice %arg3[%add3A_4] : memref<320000xi32, #tpu.memory_space<hbm>> -> memref<128xi32, #tpu.memory_space<hbm>>
    %dma_start3A_5 = tpu.memref_slice %arg3[%add3A_4] : memref<320000xi32, #tpu.memory_space<hbm>> -> memref<128xi32, #tpu.memory_space<hbm>>
    tpu.enqueue_dma source(%dma_start3A_5 : memref<128xi32, #tpu.memory_space<hbm>>) target(%arg7 : memref<128xi32, #tpu.memory_space<vmem>>) target_semaphore(%arg17 : memref<!tpu.dma_semaphore, #tpu.memory_space<semaphore_mem>>)
    %dma_start3A_6 = arith.constant 0 : i32
    %dma_start3A_7 = tpu.memref_slice %arg6[%dma_start3A_6] : memref<10000xi32, #tpu.memory_space<vmem>> -> memref<128xi32, #tpu.memory_space<vmem>>
    %dma_start3A_8 = arith.constant 0 : i32
    %dma_start3A_9 = arith.constant 0 : i32
    %dma_start3A_10 = tpu.memref_slice %arg4[%dma_start3A_8, %dma_start3A_9] : memref<10000x128xf32, #tpu.memory_space<hbm>> -> memref<10000x128xf32, #tpu.memory_space<hbm>>
    tpu.enqueue_indirect_dma source(%dma_start3A_10 : memref<10000x128xf32, #tpu.memory_space<hbm>>) target(%arg10 : memref<128x128xf32, #tpu.memory_space<vmem>>) offsets(%dma_start3A_7 : memref<128xi32, #tpu.memory_space<vmem>>) semaphore(%arg15 : memref<!tpu.dma_semaphore, #tpu.memory_space<semaphore_mem>>)
    %eq3A = arith.constant 0 : i32
    %eq3A_11 = arith.cmpi eq, %arg0, %eq3A : i32
    %convert_element_type3A = arith.extui %eq3A_11 : i1 to i32
    %cond3A = arith.constant 0 : i32
    %cond3A_12 = arith.cmpi ne, %convert_element_type3A, %cond3A : i32
    scf.if %cond3A_12 {
      %lt3A_51 = arith.constant 15 : i32
      %lt3A_52 = arith.cmpi slt, %arg1, %lt3A_51 : i32
      %convert_element_type3A_53 = arith.extui %lt3A_52 : i1 to i32
      %cond3A_54 = arith.constant 0 : i32
      %cond3A_55 = arith.cmpi ne, %convert_element_type3A_53, %cond3A_54 : i32
      scf.if %cond3A_55 {
        %mul3A_61 = arith.constant 640 : i32
        %mul3A_62 = arith.muli %arg1, %mul3A_61 : i32
        %mul3A_63 = arith.constant 640 : i32
        %mul3A_64 = arith.muli %arg1, %mul3A_63 : i32
        "tpu.region"() ({
          %run_scoped3A = tpu.sem_alloc : memref<!tpu.dma_semaphore, #tpu.memory_space<semaphore_mem>>
          %dma_start3A_65 = arith.constant 0 : i32
          %dma_start3A_66 = tpu.memref_slice %arg14[%mul3A_64, %dma_start3A_65] : memref<10000x128xf32, #tpu.memory_space<vmem_shared>> -> memref<640x128xf32, #tpu.memory_space<vmem_shared>>
          %dma_start3A_67 = arith.constant 0 : i32
          %dma_start3A_68 = tpu.memref_slice %arg4[%mul3A_62, %dma_start3A_67] : memref<10000x128xf32, #tpu.memory_space<hbm>> -> memref<640x128xf32, #tpu.memory_space<hbm>>
          tpu.enqueue_dma source(%dma_start3A_68 : memref<640x128xf32, #tpu.memory_space<hbm>>) target(%dma_start3A_66 : memref<640x128xf32, #tpu.memory_space<vmem_shared>>) target_semaphore(%run_scoped3A : memref<!tpu.dma_semaphore, #tpu.memory_space<semaphore_mem>>)
          %dma_wait3A_69 = arith.constant 0 : i32
          %dma_wait3A_70 = tpu.memref_slice %arg14[%mul3A_64, %dma_wait3A_69] : memref<10000x128xf32, #tpu.memory_space<vmem_shared>> -> memref<640x128xf32, #tpu.memory_space<vmem_shared>>
          %dma_wait3A_71 = arith.constant 0 : i32
          %dma_wait3A_72 = tpu.memref_slice %arg4[%mul3A_62, %dma_wait3A_71] : memref<10000x128xf32, #tpu.memory_space<hbm>> -> memref<640x128xf32, #tpu.memory_space<hbm>>
          tpu.wait_dma2 semaphore(%run_scoped3A : memref<!tpu.dma_semaphore, #tpu.memory_space<semaphore_mem>>) src(%dma_wait3A_72 : memref<640x128xf32, #tpu.memory_space<hbm>>) dst(%dma_wait3A_70 : memref<640x128xf32, #tpu.memory_space<vmem_shared>>)
          tpu.yield
        }) : () -> ()
      } else {
      }
      %eq3A_56 = arith.constant 15 : i32
      %eq3A_57 = arith.cmpi eq, %arg1, %eq3A_56 : i32
      %convert_element_type3A_58 = arith.extui %eq3A_57 : i1 to i32
      %cond3A_59 = arith.constant 0 : i32
      %cond3A_60 = arith.cmpi ne, %convert_element_type3A_58, %cond3A_59 : i32
      scf.if %cond3A_60 {
        "tpu.region"() ({
          %run_scoped3A = tpu.sem_alloc : memref<!tpu.dma_semaphore, #tpu.memory_space<semaphore_mem>>
          %dma_start3A_61 = arith.constant 9600 : i32
          %dma_start3A_62 = arith.constant 0 : i32
          %dma_start3A_63 = tpu.memref_slice %arg14[%dma_start3A_61, %dma_start3A_62] : memref<10000x128xf32, #tpu.memory_space<vmem_shared>> -> memref<400x128xf32, #tpu.memory_space<vmem_shared>>
          %dma_start3A_64 = arith.constant 9600 : i32
          %dma_start3A_65 = arith.constant 0 : i32
          %dma_start3A_66 = tpu.memref_slice %arg4[%dma_start3A_64, %dma_start3A_65] : memref<10000x128xf32, #tpu.memory_space<hbm>> -> memref<400x128xf32, #tpu.memory_space<hbm>>
          tpu.enqueue_dma source(%dma_start3A_66 : memref<400x128xf32, #tpu.memory_space<hbm>>) target(%dma_start3A_63 : memref<400x128xf32, #tpu.memory_space<vmem_shared>>) target_semaphore(%run_scoped3A : memref<!tpu.dma_semaphore, #tpu.memory_space<semaphore_mem>>)
          %dma_wait3A_67 = arith.constant 9600 : i32
          %dma_wait3A_68 = arith.constant 0 : i32
          %dma_wait3A_69 = tpu.memref_slice %arg14[%dma_wait3A_67, %dma_wait3A_68] : memref<10000x128xf32, #tpu.memory_space<vmem_shared>> -> memref<400x128xf32, #tpu.memory_space<vmem_shared>>
          %dma_wait3A_70 = arith.constant 9600 : i32
          %dma_wait3A_71 = arith.constant 0 : i32
          %dma_wait3A_72 = tpu.memref_slice %arg4[%dma_wait3A_70, %dma_wait3A_71] : memref<10000x128xf32, #tpu.memory_space<hbm>> -> memref<400x128xf32, #tpu.memory_space<hbm>>
          tpu.wait_dma2 semaphore(%run_scoped3A : memref<!tpu.dma_semaphore, #tpu.memory_space<semaphore_mem>>) src(%dma_wait3A_72 : memref<400x128xf32, #tpu.memory_space<hbm>>) dst(%dma_wait3A_69 : memref<400x128xf32, #tpu.memory_space<vmem_shared>>)
          tpu.yield
        }) : () -> ()
      } else {
      }
    } else {
    }
    %eq3A_13 = arith.constant 1 : i32
    %eq3A_14 = arith.cmpi eq, %arg0, %eq3A_13 : i32
    %convert_element_type3A_15 = arith.extui %eq3A_14 : i1 to i32
    %cond3A_16 = arith.constant 0 : i32
    %cond3A_17 = arith.cmpi ne, %convert_element_type3A_15, %cond3A_16 : i32
    scf.if %cond3A_17 {
      %broadcast_in_dim3A = arith.constant 0.000000e+00 : f32
      %broadcast_in_dim3A_51 = vector.broadcast %broadcast_in_dim3A : f32 to vector<16xf32>
      %scan3A_52 = arith.constant 0 : i32
      %scan3A_53 = arith.constant 0 : i32
      %scan3A_54 = arith.constant 256 : i32
      %scan3A_55 = arith.addi %scan3A_53, %scan3A_54 : i32
      %scan3A_56 = arith.constant 1 : i32
      %scan3A_57 = scf.for %scan3A_69 = %scan3A_53 to %scan3A_55 step %scan3A_56 iter_args(%scan3A_70 = %scan3A_52) -> (i32)  : i32 {
        %jit3A = arith.constant 8 : i32
        %div3A = arith.divsi %scan3A_69, %jit3A : i32
        %sign3A = arith.constant 0 : i32
        %sign3A_71 = arith.cmpi sgt, %scan3A_69, %sign3A : i32
        %sign3A_72 = arith.extui %sign3A_71 : i1 to i32
        %sign3A_73 = arith.constant 0 : i32
        %sign3A_74 = arith.cmpi slt, %scan3A_69, %sign3A_73 : i32
        %sign3A_75 = arith.extui %sign3A_74 : i1 to i32
        %sign3A_76 = arith.subi %sign3A_72, %sign3A_75 : i32
        %sign3A_77 = arith.constant 0 : i32
        %sign3A_78 = arith.cmpi sgt, %jit3A, %sign3A_77 : i32
        %sign3A_79 = arith.extui %sign3A_78 : i1 to i32
        %sign3A_80 = arith.constant 0 : i32
        %sign3A_81 = arith.cmpi slt, %jit3A, %sign3A_80 : i32
        %sign3A_82 = arith.extui %sign3A_81 : i1 to i32
        %sign3A_83 = arith.subi %sign3A_79, %sign3A_82 : i32
        %ne3A = arith.cmpi ne, %sign3A_76, %sign3A_83 : i32
        %rem3A = arith.remsi %scan3A_69, %jit3A : i32
        %ne3A_84 = arith.constant 0 : i32
        %ne3A_85 = arith.cmpi ne, %rem3A, %ne3A_84 : i32
        %and3A = arith.andi %ne3A, %ne3A_85 : i1
        %sub3A = arith.constant 1 : i32
        %sub3A_86 = arith.subi %div3A, %sub3A : i32
        %select_n3A = arith.select %and3A, %sub3A_86, %div3A : i32
        %jit3A_87 = arith.constant 8 : i32
        %eq3A_88 = arith.constant 0 : i32
        %eq3A_89 = arith.cmpi eq, %jit3A_87, %eq3A_88 : i32
        %jit3A_90 = arith.constant 1 : i32
        %select_n3A_91 = arith.select %eq3A_89, %jit3A_90, %jit3A_87 : i32
        %rem3A_92 = arith.remsi %scan3A_69, %select_n3A_91 : i32
        %ne3A_93 = arith.constant 0 : i32
        %ne3A_94 = arith.cmpi ne, %rem3A_92, %ne3A_93 : i32
        %lt3A_95 = arith.constant 0 : i32
        %lt3A_96 = arith.cmpi slt, %rem3A_92, %lt3A_95 : i32
        %lt3A_97 = arith.constant 0 : i32
        %lt3A_98 = arith.cmpi slt, %select_n3A_91, %lt3A_97 : i32
        %ne3A_99 = arith.xori %lt3A_96, %lt3A_98 : i1
        %and3A_100 = arith.andi %ne3A_99, %ne3A_94 : i1
        %add3A_101 = arith.addi %rem3A_92, %select_n3A_91 : i32
        %select_n3A_102 = arith.select %and3A_100, %add3A_101, %rem3A_92 : i32
        %mul3A_103 = arith.constant 16 : i32
        %mul3A_104 = arith.muli %select_n3A_102, %mul3A_103 : i32
        %swap3A = arith.index_cast %select_n3A : i32 to index
        %swap3A_105 = arith.index_cast %mul3A_104 : i32 to index
        %swap3A_106 = tpu.vector_load %arg13[%swap3A, %swap3A_105] {strides = array<i32>} : memref<32x128xf32, #tpu.memory_space<vmem>>, vector<1x16xf32>,
        %swap3A_107 = vector.shape_cast %swap3A_106 : vector<1x16xf32> to vector<16xf32>
        %swap3A_108 = vector.shape_cast %broadcast_in_dim3A_51 : vector<16xf32> to vector<1x16xf32>
        tpu.vector_store %arg13[%swap3A, %swap3A_105], %swap3A_108 {strides = array<i32>} : memref<32x128xf32, #tpu.memory_space<vmem>>, vector<1x16xf32>,
        %scan3A_109 = arith.constant 0 : i32
        scf.yield %scan3A_109 : i32
      }
      %scan3A_58 = arith.constant 256 : i32
      %lt3A_59 = arith.constant 15 : i32
      %lt3A_60 = arith.cmpi slt, %arg1, %lt3A_59 : i32
      %convert_element_type3A_61 = arith.extui %lt3A_60 : i1 to i32
      %cond3A_62 = arith.constant 0 : i32
      %cond3A_63 = arith.cmpi ne, %convert_element_type3A_61, %cond3A_62 : i32
      scf.if %cond3A_63 {
        %scan3A_69 = arith.constant 0 : i32
        %scan3A_70 = arith.constant 0 : i32
        %scan3A_71 = arith.constant 20 : i32
        %scan3A_72 = arith.addi %scan3A_70, %scan3A_71 : i32
        %scan3A_73 = arith.constant 1 : i32
        %scan3A_74 = scf.for %scan3A_76 = %scan3A_70 to %scan3A_72 step %scan3A_73 iter_args(%scan3A_77 = %scan3A_69) -> (i32)  : i32 {
          %mul3A_78 = arith.constant 640 : i32
          %mul3A_79 = arith.muli %arg1, %mul3A_78 : i32
          %mul3A_80 = arith.constant 32 : i32
          %mul3A_81 = arith.muli %scan3A_76, %mul3A_80 : i32
          %add3A_82 = arith.addi %mul3A_79, %mul3A_81 : i32
          "tpu.region"() ({
            %run_scoped3A = tpu.sem_alloc : memref<!tpu.dma_semaphore, #tpu.memory_space<semaphore_mem>>
            %dma_start3A_84 = arith.constant 0 : i32
            %dma_start3A_85 = tpu.memref_slice %arg14[%add3A_82, %dma_start3A_84] : memref<10000x128xf32, #tpu.memory_space<vmem_shared>> -> memref<32x128xf32, #tpu.memory_space<vmem_shared>>
            %dma_start3A_86 = arith.constant 0 : i32
            %dma_start3A_87 = tpu.memref_slice %arg14[%add3A_82, %dma_start3A_86] : memref<10000x128xf32, #tpu.memory_space<vmem_shared>> -> memref<32x128xf32, #tpu.memory_space<vmem_shared>>
            tpu.enqueue_dma source(%arg13 : memref<32x128xf32, #tpu.memory_space<vmem>>) target(%dma_start3A_87 : memref<32x128xf32, #tpu.memory_space<vmem_shared>>) target_semaphore(%run_scoped3A : memref<!tpu.dma_semaphore, #tpu.memory_space<semaphore_mem>>)
            %dma_wait3A_88 = arith.constant 0 : i32
            %dma_wait3A_89 = tpu.memref_slice %arg14[%add3A_82, %dma_wait3A_88] : memref<10000x128xf32, #tpu.memory_space<vmem_shared>> -> memref<32x128xf32, #tpu.memory_space<vmem_shared>>
            %dma_wait3A_90 = arith.constant 0 : i32
            %dma_wait3A_91 = tpu.memref_slice %arg14[%add3A_82, %dma_wait3A_90] : memref<10000x128xf32, #tpu.memory_space<vmem_shared>> -> memref<32x128xf32, #tpu.memory_space<vmem_shared>>
            tpu.wait_dma2 semaphore(%run_scoped3A : memref<!tpu.dma_semaphore, #tpu.memory_space<semaphore_mem>>) src(%arg13 : memref<32x128xf32, #tpu.memory_space<vmem>>) dst(%dma_wait3A_91 : memref<32x128xf32, #tpu.memory_space<vmem_shared>>)
            tpu.yield
          }) : () -> ()
          %scan3A_83 = arith.constant 0 : i32
          scf.yield %scan3A_83 : i32
        }
        %scan3A_75 = arith.constant 20 : i32
      } else {
      }
      %eq3A_64 = arith.constant 15 : i32
      %eq3A_65 = arith.cmpi eq, %arg1, %eq3A_64 : i32
      %convert_element_type3A_66 = arith.extui %eq3A_65 : i1 to i32
      %cond3A_67 = arith.constant 0 : i32
      %cond3A_68 = arith.cmpi ne, %convert_element_type3A_66, %cond3A_67 : i32
      scf.if %cond3A_68 {
        %scan3A_69 = arith.constant 0 : i32
        %scan3A_70 = arith.constant 0 : i32
        %scan3A_71 = arith.constant 12 : i32
        %scan3A_72 = arith.addi %scan3A_70, %scan3A_71 : i32
        %scan3A_73 = arith.constant 1 : i32
        %scan3A_74 = scf.for %scan3A_80 = %scan3A_70 to %scan3A_72 step %scan3A_73 iter_args(%scan3A_81 = %scan3A_69) -> (i32)  : i32 {
          %mul3A_82 = arith.constant 640 : i32
          %mul3A_83 = arith.muli %arg1, %mul3A_82 : i32
          %mul3A_84 = arith.constant 32 : i32
          %mul3A_85 = arith.muli %scan3A_80, %mul3A_84 : i32
          %add3A_86 = arith.addi %mul3A_83, %mul3A_85 : i32
          "tpu.region"() ({
            %run_scoped3A = tpu.sem_alloc : memref<!tpu.dma_semaphore, #tpu.memory_space<semaphore_mem>>
            %dma_start3A_88 = arith.constant 0 : i32
            %dma_start3A_89 = tpu.memref_slice %arg14[%add3A_86, %dma_start3A_88] : memref<10000x128xf32, #tpu.memory_space<vmem_shared>> -> memref<32x128xf32, #tpu.memory_space<vmem_shared>>
            %dma_start3A_90 = arith.constant 0 : i32
            %dma_start3A_91 = tpu.memref_slice %arg14[%add3A_86, %dma_start3A_90] : memref<10000x128xf32, #tpu.memory_space<vmem_shared>> -> memref<32x128xf32, #tpu.memory_space<vmem_shared>>
            tpu.enqueue_dma source(%arg13 : memref<32x128xf32, #tpu.memory_space<vmem>>) target(%dma_start3A_91 : memref<32x128xf32, #tpu.memory_space<vmem_shared>>) target_semaphore(%run_scoped3A : memref<!tpu.dma_semaphore, #tpu.memory_space<semaphore_mem>>)
            %dma_wait3A_92 = arith.constant 0 : i32
            %dma_wait3A_93 = tpu.memref_slice %arg14[%add3A_86, %dma_wait3A_92] : memref<10000x128xf32, #tpu.memory_space<vmem_shared>> -> memref<32x128xf32, #tpu.memory_space<vmem_shared>>
            %dma_wait3A_94 = arith.constant 0 : i32
            %dma_wait3A_95 = tpu.memref_slice %arg14[%add3A_86, %dma_wait3A_94] : memref<10000x128xf32, #tpu.memory_space<vmem_shared>> -> memref<32x128xf32, #tpu.memory_space<vmem_shared>>
            tpu.wait_dma2 semaphore(%run_scoped3A : memref<!tpu.dma_semaphore, #tpu.memory_space<semaphore_mem>>) src(%arg13 : memref<32x128xf32, #tpu.memory_space<vmem>>) dst(%dma_wait3A_95 : memref<32x128xf32, #tpu.memory_space<vmem_shared>>)
            tpu.yield
          }) : () -> ()
          %scan3A_87 = arith.constant 0 : i32
          scf.yield %scan3A_87 : i32
        }
        %scan3A_75 = arith.constant 12 : i32
        %mul3A_76 = arith.constant 640 : i32
        %mul3A_77 = arith.muli %arg1, %mul3A_76 : i32
        %add3A_78 = arith.constant 384 : i32
        %add3A_79 = arith.addi %mul3A_77, %add3A_78 : i32
        "tpu.region"() ({
          %run_scoped3A = tpu.sem_alloc : memref<!tpu.dma_semaphore, #tpu.memory_space<semaphore_mem>>
          %dma_start3A_80 = arith.constant 0 : i32
          %dma_start3A_81 = arith.constant 0 : i32
          %dma_start3A_82 = tpu.memref_slice %arg13[%dma_start3A_80, %dma_start3A_81] : memref<32x128xf32, #tpu.memory_space<vmem>> -> memref<16x128xf32, #tpu.memory_space<vmem>>
          %dma_start3A_83 = arith.constant 0 : i32
          %dma_start3A_84 = tpu.memref_slice %arg14[%add3A_79, %dma_start3A_83] : memref<10000x128xf32, #tpu.memory_space<vmem_shared>> -> memref<16x128xf32, #tpu.memory_space<vmem_shared>>
          %dma_start3A_85 = arith.constant 0 : i32
          %dma_start3A_86 = tpu.memref_slice %arg14[%add3A_79, %dma_start3A_85] : memref<10000x128xf32, #tpu.memory_space<vmem_shared>> -> memref<16x128xf32, #tpu.memory_space<vmem_shared>>
          %dma_start3A_87 = arith.constant 0 : i32
          %dma_start3A_88 = arith.constant 0 : i32
          %dma_start3A_89 = tpu.memref_slice %arg13[%dma_start3A_87, %dma_start3A_88] : memref<32x128xf32, #tpu.memory_space<vmem>> -> memref<16x128xf32, #tpu.memory_space<vmem>>
          tpu.enqueue_dma source(%dma_start3A_89 : memref<16x128xf32, #tpu.memory_space<vmem>>) target(%dma_start3A_86 : memref<16x128xf32, #tpu.memory_space<vmem_shared>>) target_semaphore(%run_scoped3A : memref<!tpu.dma_semaphore, #tpu.memory_space<semaphore_mem>>)
          %dma_wait3A_90 = arith.constant 0 : i32
          %dma_wait3A_91 = arith.constant 0 : i32
          %dma_wait3A_92 = tpu.memref_slice %arg13[%dma_wait3A_90, %dma_wait3A_91] : memref<32x128xf32, #tpu.memory_space<vmem>> -> memref<16x128xf32, #tpu.memory_space<vmem>>
          %dma_wait3A_93 = arith.constant 0 : i32
          %dma_wait3A_94 = tpu.memref_slice %arg14[%add3A_79, %dma_wait3A_93] : memref<10000x128xf32, #tpu.memory_space<vmem_shared>> -> memref<16x128xf32, #tpu.memory_space<vmem_shared>>
          %dma_wait3A_95 = arith.constant 0 : i32
          %dma_wait3A_96 = tpu.memref_slice %arg14[%add3A_79, %dma_wait3A_95] : memref<10000x128xf32, #tpu.memory_space<vmem_shared>> -> memref<16x128xf32, #tpu.memory_space<vmem_shared>>
          %dma_wait3A_97 = arith.constant 0 : i32
          %dma_wait3A_98 = arith.constant 0 : i32
          %dma_wait3A_99 = tpu.memref_slice %arg13[%dma_wait3A_97, %dma_wait3A_98] : memref<32x128xf32, #tpu.memory_space<vmem>> -> memref<16x128xf32, #tpu.memory_space<vmem>>
          tpu.wait_dma2 semaphore(%run_scoped3A : memref<!tpu.dma_semaphore, #tpu.memory_space<semaphore_mem>>) src(%dma_wait3A_99 : memref<16x128xf32, #tpu.memory_space<vmem>>) dst(%dma_wait3A_96 : memref<16x128xf32, #tpu.memory_space<vmem_shared>>)
          tpu.yield
        }) : () -> ()
      } else {
      }
    } else {
    }
    %barrier3A = arith.constant 0 : index
    tpu.barrier barrier_id(%barrier3A)
    %scan3A = arith.constant 0 : i32
    %scan3A_18 = arith.constant 0 : i32
    %scan3A_19 = arith.constant 78 : i32
    %scan3A_20 = arith.addi %scan3A_18, %scan3A_19 : i32
    %scan3A_21 = arith.constant 1 : i32
    %scan3A_22 = scf.for %scan3A_51 = %scan3A_18 to %scan3A_20 step %scan3A_21 iter_args(%scan3A_52 = %scan3A) -> (i32)  : i32 {
      %jit3A = arith.constant 2 : i32
      %eq3A_53 = arith.constant 0 : i32
      %eq3A_54 = arith.cmpi eq, %jit3A, %eq3A_53 : i32
      %jit3A_55 = arith.constant 1 : i32
      %select_n3A = arith.select %eq3A_54, %jit3A_55, %jit3A : i32
      %rem3A = arith.remsi %scan3A_51, %select_n3A : i32
      %ne3A = arith.constant 0 : i32
      %ne3A_56 = arith.cmpi ne, %rem3A, %ne3A : i32
      %lt3A_57 = arith.constant 0 : i32
      %lt3A_58 = arith.cmpi slt, %rem3A, %lt3A_57 : i32
      %lt3A_59 = arith.constant 0 : i32
      %lt3A_60 = arith.cmpi slt, %select_n3A, %lt3A_59 : i32
      %ne3A_61 = arith.xori %lt3A_58, %lt3A_60 : i1
      %and3A = arith.andi %ne3A_61, %ne3A_56 : i1
      %add3A_62 = arith.addi %rem3A, %select_n3A : i32
      %select_n3A_63 = arith.select %and3A, %add3A_62, %rem3A : i32
      %eq3A_64 = arith.constant 0 : i32
      %eq3A_65 = arith.cmpi eq, %select_n3A_63, %eq3A_64 : i32
      %convert_element_type3A_66 = arith.extui %eq3A_65 : i1 to i32
      %cond3A_67 = arith.constant 0 : i32
      %cond3A_68 = arith.cmpi ne, %convert_element_type3A_66, %cond3A_67 : i32
      scf.if %cond3A_68 {
        %lt3A_91 = arith.constant 77 : i32
        %lt3A_92 = arith.cmpi slt, %scan3A_51, %lt3A_91 : i32
        %convert_element_type3A_93 = arith.extui %lt3A_92 : i1 to i32
        %cond3A_94 = arith.constant 0 : i32
        %cond3A_95 = arith.cmpi ne, %convert_element_type3A_93, %cond3A_94 : i32
        scf.if %cond3A_95 {
          %ge3A = arith.constant 1 : i32
          %ge3A_110 = arith.cmpi sge, %scan3A_51, %ge3A : i32
          %convert_element_type3A_111 = arith.extui %ge3A_110 : i1 to i32
          %cond3A_112 = arith.constant 0 : i32
          %cond3A_113 = arith.cmpi ne, %convert_element_type3A_111, %cond3A_112 : i32
          scf.if %cond3A_113 {
            %dma_wait3A_129 = arith.constant 0 : i32
            %dma_wait3A_130 = arith.constant 0 : i32
            %dma_wait3A_131 = tpu.memref_slice %arg14[%dma_wait3A_129, %dma_wait3A_130] : memref<10000x128xf32, #tpu.memory_space<vmem_shared>> -> memref<10000x128xf32, #tpu.memory_space<vmem_shared>>
            tpu.wait_indirect_dma semaphore(%arg20 : memref<!tpu.dma_semaphore, #tpu.memory_space<semaphore_mem>>) src(%arg11 : memref<128x128xf32, #tpu.memory_space<vmem>>) dst(%dma_wait3A_131 : memref<10000x128xf32, #tpu.memory_space<vmem_shared>>)
          } else {
          }
          %add3A_114 = arith.constant 1 : i32
          %add3A_115 = arith.addi %scan3A_51, %add3A_114 : i32
          %mul3A_116 = arith.constant 128 : i32
          %mul3A_117 = arith.muli %add3A_115, %mul3A_116 : i32
          %add3A_118 = arith.addi %mul3A_2, %mul3A_117 : i32
          %dma_start3A_119 = tpu.memref_slice %arg3[%add3A_118] : memref<320000xi32, #tpu.memory_space<hbm>> -> memref<128xi32, #tpu.memory_space<hbm>>
          %dma_start3A_120 = tpu.memref_slice %arg3[%add3A_118] : memref<320000xi32, #tpu.memory_space<hbm>> -> memref<128xi32, #tpu.memory_space<hbm>>
          tpu.enqueue_dma source(%dma_start3A_120 : memref<128xi32, #tpu.memory_space<hbm>>) target(%arg8 : memref<128xi32, #tpu.memory_space<vmem>>) target_semaphore(%arg18 : memref<!tpu.dma_semaphore, #tpu.memory_space<semaphore_mem>>)
          %add3A_121 = arith.constant 1 : i32
          %add3A_122 = arith.addi %scan3A_51, %add3A_121 : i32
          %mul3A_123 = arith.constant 128 : i32
          %mul3A_124 = arith.muli %add3A_122, %mul3A_123 : i32
          %dma_start3A_125 = tpu.memref_slice %arg6[%mul3A_124] : memref<10000xi32, #tpu.memory_space<vmem>> -> memref<128xi32, #tpu.memory_space<vmem>>
          %dma_start3A_126 = arith.constant 0 : i32
          %dma_start3A_127 = arith.constant 0 : i32
          %dma_start3A_128 = tpu.memref_slice %arg4[%dma_start3A_126, %dma_start3A_127] : memref<10000x128xf32, #tpu.memory_space<hbm>> -> memref<10000x128xf32, #tpu.memory_space<hbm>>
          tpu.enqueue_indirect_dma source(%dma_start3A_128 : memref<10000x128xf32, #tpu.memory_space<hbm>>) target(%arg11 : memref<128x128xf32, #tpu.memory_space<vmem>>) offsets(%dma_start3A_125 : memref<128xi32, #tpu.memory_space<vmem>>) semaphore(%arg16 : memref<!tpu.dma_semaphore, #tpu.memory_space<semaphore_mem>>)
        } else {
        }
        %mul3A_96 = arith.constant 128 : i32
        %mul3A_97 = arith.muli %scan3A_51, %mul3A_96 : i32
        %add3A_98 = arith.addi %mul3A_2, %mul3A_97 : i32
        %dma_wait3A_99 = tpu.memref_slice %arg3[%add3A_98] : memref<320000xi32, #tpu.memory_space<hbm>> -> memref<128xi32, #tpu.memory_space<hbm>>
        %dma_wait3A_100 = tpu.memref_slice %arg3[%add3A_98] : memref<320000xi32, #tpu.memory_space<hbm>> -> memref<128xi32, #tpu.memory_space<hbm>>
        tpu.wait_dma2 semaphore(%arg17 : memref<!tpu.dma_semaphore, #tpu.memory_space<semaphore_mem>>) src(%dma_wait3A_100 : memref<128xi32, #tpu.memory_space<hbm>>) dst(%arg7 : memref<128xi32, #tpu.memory_space<vmem>>)
        %mul3A_101 = arith.constant 128 : i32
        %mul3A_102 = arith.muli %scan3A_51, %mul3A_101 : i32
        %dma_wait3A_103 = tpu.memref_slice %arg6[%mul3A_102] : memref<10000xi32, #tpu.memory_space<vmem>> -> memref<128xi32, #tpu.memory_space<vmem>>
        %dma_wait3A_104 = arith.constant 0 : i32
        %dma_wait3A_105 = arith.constant 0 : i32
        %dma_wait3A_106 = tpu.memref_slice %arg4[%dma_wait3A_104, %dma_wait3A_105] : memref<10000x128xf32, #tpu.memory_space<hbm>> -> memref<10000x128xf32, #tpu.memory_space<hbm>>
        tpu.wait_indirect_dma semaphore(%arg15 : memref<!tpu.dma_semaphore, #tpu.memory_space<semaphore_mem>>) src(%dma_wait3A_106 : memref<10000x128xf32, #tpu.memory_space<hbm>>) dst(%arg10 : memref<128x128xf32, #tpu.memory_space<vmem>>)
        %dma_start3A_107 = arith.constant 0 : i32
        %dma_start3A_108 = arith.constant 0 : i32
        %dma_start3A_109 = tpu.memref_slice %arg14[%dma_start3A_107, %dma_start3A_108] : memref<10000x128xf32, #tpu.memory_space<vmem_shared>> -> memref<10000x128xf32, #tpu.memory_space<vmem_shared>>
        tpu.enqueue_indirect_dma source(%arg10 : memref<128x128xf32, #tpu.memory_space<vmem>>) target(%dma_start3A_109 : memref<10000x128xf32, #tpu.memory_space<vmem_shared>>) offsets(%arg7 : memref<128xi32, #tpu.memory_space<vmem>>) semaphore(%arg19 : memref<!tpu.dma_semaphore, #tpu.memory_space<semaphore_mem>>) {add = true}
      } else {
      }
      %jit3A_69 = arith.constant 2 : i32
      %eq3A_70 = arith.constant 0 : i32
      %eq3A_71 = arith.cmpi eq, %jit3A_69, %eq3A_70 : i32
      %jit3A_72 = arith.constant 1 : i32
      %select_n3A_73 = arith.select %eq3A_71, %jit3A_72, %jit3A_69 : i32
      %rem3A_74 = arith.remsi %scan3A_51, %select_n3A_73 : i32
      %ne3A_75 = arith.constant 0 : i32
      %ne3A_76 = arith.cmpi ne, %rem3A_74, %ne3A_75 : i32
      %lt3A_77 = arith.constant 0 : i32
      %lt3A_78 = arith.cmpi slt, %rem3A_74, %lt3A_77 : i32
      %lt3A_79 = arith.constant 0 : i32
      %lt3A_80 = arith.cmpi slt, %select_n3A_73, %lt3A_79 : i32
      %ne3A_81 = arith.xori %lt3A_78, %lt3A_80 : i1
      %and3A_82 = arith.andi %ne3A_81, %ne3A_76 : i1
      %add3A_83 = arith.addi %rem3A_74, %select_n3A_73 : i32
      %select_n3A_84 = arith.select %and3A_82, %add3A_83, %rem3A_74 : i32
      %eq3A_85 = arith.constant 1 : i32
      %eq3A_86 = arith.cmpi eq, %select_n3A_84, %eq3A_85 : i32
      %convert_element_type3A_87 = arith.extui %eq3A_86 : i1 to i32
      %cond3A_88 = arith.constant 0 : i32
      %cond3A_89 = arith.cmpi ne, %convert_element_type3A_87, %cond3A_88 : i32
      scf.if %cond3A_89 {
        %lt3A_91 = arith.constant 77 : i32
        %lt3A_92 = arith.cmpi slt, %scan3A_51, %lt3A_91 : i32
        %convert_element_type3A_93 = arith.extui %lt3A_92 : i1 to i32
        %cond3A_94 = arith.constant 0 : i32
        %cond3A_95 = arith.cmpi ne, %convert_element_type3A_93, %cond3A_94 : i32
        scf.if %cond3A_95 {
          %ge3A = arith.constant 1 : i32
          %ge3A_110 = arith.cmpi sge, %scan3A_51, %ge3A : i32
          %convert_element_type3A_111 = arith.extui %ge3A_110 : i1 to i32
          %cond3A_112 = arith.constant 0 : i32
          %cond3A_113 = arith.cmpi ne, %convert_element_type3A_111, %cond3A_112 : i32
          scf.if %cond3A_113 {
            %dma_wait3A_129 = arith.constant 0 : i32
            %dma_wait3A_130 = arith.constant 0 : i32
            %dma_wait3A_131 = tpu.memref_slice %arg14[%dma_wait3A_129, %dma_wait3A_130] : memref<10000x128xf32, #tpu.memory_space<vmem_shared>> -> memref<10000x128xf32, #tpu.memory_space<vmem_shared>>
            tpu.wait_indirect_dma semaphore(%arg19 : memref<!tpu.dma_semaphore, #tpu.memory_space<semaphore_mem>>) src(%arg10 : memref<128x128xf32, #tpu.memory_space<vmem>>) dst(%dma_wait3A_131 : memref<10000x128xf32, #tpu.memory_space<vmem_shared>>)
          } else {
          }
          %add3A_114 = arith.constant 1 : i32
          %add3A_115 = arith.addi %scan3A_51, %add3A_114 : i32
          %mul3A_116 = arith.constant 128 : i32
          %mul3A_117 = arith.muli %add3A_115, %mul3A_116 : i32
          %add3A_118 = arith.addi %mul3A_2, %mul3A_117 : i32
          %dma_start3A_119 = tpu.memref_slice %arg3[%add3A_118] : memref<320000xi32, #tpu.memory_space<hbm>> -> memref<128xi32, #tpu.memory_space<hbm>>
          %dma_start3A_120 = tpu.memref_slice %arg3[%add3A_118] : memref<320000xi32, #tpu.memory_space<hbm>> -> memref<128xi32, #tpu.memory_space<hbm>>
          tpu.enqueue_dma source(%dma_start3A_120 : memref<128xi32, #tpu.memory_space<hbm>>) target(%arg7 : memref<128xi32, #tpu.memory_space<vmem>>) target_semaphore(%arg17 : memref<!tpu.dma_semaphore, #tpu.memory_space<semaphore_mem>>)
          %add3A_121 = arith.constant 1 : i32
          %add3A_122 = arith.addi %scan3A_51, %add3A_121 : i32
          %mul3A_123 = arith.constant 128 : i32
          %mul3A_124 = arith.muli %add3A_122, %mul3A_123 : i32
          %dma_start3A_125 = tpu.memref_slice %arg6[%mul3A_124] : memref<10000xi32, #tpu.memory_space<vmem>> -> memref<128xi32, #tpu.memory_space<vmem>>
          %dma_start3A_126 = arith.constant 0 : i32
          %dma_start3A_127 = arith.constant 0 : i32
          %dma_start3A_128 = tpu.memref_slice %arg4[%dma_start3A_126, %dma_start3A_127] : memref<10000x128xf32, #tpu.memory_space<hbm>> -> memref<10000x128xf32, #tpu.memory_space<hbm>>
          tpu.enqueue_indirect_dma source(%dma_start3A_128 : memref<10000x128xf32, #tpu.memory_space<hbm>>) target(%arg10 : memref<128x128xf32, #tpu.memory_space<vmem>>) offsets(%dma_start3A_125 : memref<128xi32, #tpu.memory_space<vmem>>) semaphore(%arg15 : memref<!tpu.dma_semaphore, #tpu.memory_space<semaphore_mem>>)
        } else {
        }
        %mul3A_96 = arith.constant 128 : i32
        %mul3A_97 = arith.muli %scan3A_51, %mul3A_96 : i32
        %add3A_98 = arith.addi %mul3A_2, %mul3A_97 : i32
        %dma_wait3A_99 = tpu.memref_slice %arg3[%add3A_98] : memref<320000xi32, #tpu.memory_space<hbm>> -> memref<128xi32, #tpu.memory_space<hbm>>
        %dma_wait3A_100 = tpu.memref_slice %arg3[%add3A_98] : memref<320000xi32, #tpu.memory_space<hbm>> -> memref<128xi32, #tpu.memory_space<hbm>>
        tpu.wait_dma2 semaphore(%arg18 : memref<!tpu.dma_semaphore, #tpu.memory_space<semaphore_mem>>) src(%dma_wait3A_100 : memref<128xi32, #tpu.memory_space<hbm>>) dst(%arg8 : memref<128xi32, #tpu.memory_space<vmem>>)
        %mul3A_101 = arith.constant 128 : i32
        %mul3A_102 = arith.muli %scan3A_51, %mul3A_101 : i32
        %dma_wait3A_103 = tpu.memref_slice %arg6[%mul3A_102] : memref<10000xi32, #tpu.memory_space<vmem>> -> memref<128xi32, #tpu.memory_space<vmem>>
        %dma_wait3A_104 = arith.constant 0 : i32
        %dma_wait3A_105 = arith.constant 0 : i32
        %dma_wait3A_106 = tpu.memref_slice %arg4[%dma_wait3A_104, %dma_wait3A_105] : memref<10000x128xf32, #tpu.memory_space<hbm>> -> memref<10000x128xf32, #tpu.memory_space<hbm>>
        tpu.wait_indirect_dma semaphore(%arg16 : memref<!tpu.dma_semaphore, #tpu.memory_space<semaphore_mem>>) src(%dma_wait3A_106 : memref<10000x128xf32, #tpu.memory_space<hbm>>) dst(%arg11 : memref<128x128xf32, #tpu.memory_space<vmem>>)
        %dma_start3A_107 = arith.constant 0 : i32
        %dma_start3A_108 = arith.constant 0 : i32
        %dma_start3A_109 = tpu.memref_slice %arg14[%dma_start3A_107, %dma_start3A_108] : memref<10000x128xf32, #tpu.memory_space<vmem_shared>> -> memref<10000x128xf32, #tpu.memory_space<vmem_shared>>
        tpu.enqueue_indirect_dma source(%arg11 : memref<128x128xf32, #tpu.memory_space<vmem>>) target(%dma_start3A_109 : memref<10000x128xf32, #tpu.memory_space<vmem_shared>>) offsets(%arg8 : memref<128xi32, #tpu.memory_space<vmem>>) semaphore(%arg20 : memref<!tpu.dma_semaphore, #tpu.memory_space<semaphore_mem>>) {add = true}
      } else {
      }
      %scan3A_90 = arith.constant 0 : i32
      scf.yield %scan3A_90 : i32
    }
    %scan3A_23 = arith.constant 78 : i32
    %dma_wait3A = arith.constant 0 : i32
    %dma_wait3A_24 = arith.constant 0 : i32
    %dma_wait3A_25 = tpu.memref_slice %arg14[%dma_wait3A, %dma_wait3A_24] : memref<10000x128xf32, #tpu.memory_space<vmem_shared>> -> memref<10000x128xf32, #tpu.memory_space<vmem_shared>>
    tpu.wait_indirect_dma semaphore(%arg19 : memref<!tpu.dma_semaphore, #tpu.memory_space<semaphore_mem>>) src(%arg10 : memref<128x128xf32, #tpu.memory_space<vmem>>) dst(%dma_wait3A_25 : memref<10000x128xf32, #tpu.memory_space<vmem_shared>>)
    %dma_wait3A_26 = arith.constant 0 : i32
    %dma_wait3A_27 = arith.constant 0 : i32
    %dma_wait3A_28 = tpu.memref_slice %arg14[%dma_wait3A_26, %dma_wait3A_27] : memref<10000x128xf32, #tpu.memory_space<vmem_shared>> -> memref<10000x128xf32, #tpu.memory_space<vmem_shared>>
    tpu.wait_indirect_dma semaphore(%arg20 : memref<!tpu.dma_semaphore, #tpu.memory_space<semaphore_mem>>) src(%arg11 : memref<128x128xf32, #tpu.memory_space<vmem>>) dst(%dma_wait3A_28 : memref<10000x128xf32, #tpu.memory_space<vmem_shared>>)
    %add3A_29 = arith.constant 9984 : i32
    %add3A_30 = arith.addi %mul3A_2, %add3A_29 : i32
    "tpu.region"() ({
      %run_scoped3A = tpu.sem_alloc : memref<!tpu.dma_semaphore, #tpu.memory_space<semaphore_mem>>
      %dma_start3A_51 = tpu.memref_slice %arg3[%add3A_30] : memref<320000xi32, #tpu.memory_space<hbm>> -> memref<16xi32, #tpu.memory_space<hbm>>
      %dma_start3A_52 = tpu.memref_slice %arg3[%add3A_30] : memref<320000xi32, #tpu.memory_space<hbm>> -> memref<16xi32, #tpu.memory_space<hbm>>
      tpu.enqueue_dma source(%dma_start3A_52 : memref<16xi32, #tpu.memory_space<hbm>>) target(%arg9 : memref<16xi32, #tpu.memory_space<vmem>>) target_semaphore(%run_scoped3A : memref<!tpu.dma_semaphore, #tpu.memory_space<semaphore_mem>>)
      %dma_wait3A_53 = tpu.memref_slice %arg3[%add3A_30] : memref<320000xi32, #tpu.memory_space<hbm>> -> memref<16xi32, #tpu.memory_space<hbm>>
      %dma_wait3A_54 = tpu.memref_slice %arg3[%add3A_30] : memref<320000xi32, #tpu.memory_space<hbm>> -> memref<16xi32, #tpu.memory_space<hbm>>
      tpu.wait_dma2 semaphore(%run_scoped3A : memref<!tpu.dma_semaphore, #tpu.memory_space<semaphore_mem>>) src(%dma_wait3A_54 : memref<16xi32, #tpu.memory_space<hbm>>) dst(%arg9 : memref<16xi32, #tpu.memory_space<vmem>>)
      tpu.yield
    }) : () -> ()
    %dma_start3A_31 = arith.constant 9984 : i32
    %dma_start3A_32 = tpu.memref_slice %arg6[%dma_start3A_31] : memref<10000xi32, #tpu.memory_space<vmem>> -> memref<16xi32, #tpu.memory_space<vmem>>
    %dma_start3A_33 = arith.constant 0 : i32
    %dma_start3A_34 = arith.constant 0 : i32
    %dma_start3A_35 = tpu.memref_slice %arg4[%dma_start3A_33, %dma_start3A_34] : memref<10000x128xf32, #tpu.memory_space<hbm>> -> memref<10000x128xf32, #tpu.memory_space<hbm>>
    tpu.enqueue_indirect_dma source(%dma_start3A_35 : memref<10000x128xf32, #tpu.memory_space<hbm>>) target(%arg12 : memref<16x128xf32, #tpu.memory_space<vmem>>) offsets(%dma_start3A_32 : memref<16xi32, #tpu.memory_space<vmem>>) semaphore(%arg15 : memref<!tpu.dma_semaphore, #tpu.memory_space<semaphore_mem>>)
    %dma_wait3A_36 = arith.constant 9984 : i32
    %dma_wait3A_37 = tpu.memref_slice %arg6[%dma_wait3A_36] : memref<10000xi32, #tpu.memory_space<vmem>> -> memref<16xi32, #tpu.memory_space<vmem>>
    %dma_wait3A_38 = arith.constant 0 : i32
    %dma_wait3A_39 = arith.constant 0 : i32
    %dma_wait3A_40 = tpu.memref_slice %arg4[%dma_wait3A_38, %dma_wait3A_39] : memref<10000x128xf32, #tpu.memory_space<hbm>> -> memref<10000x128xf32, #tpu.memory_space<hbm>>
    tpu.wait_indirect_dma semaphore(%arg15 : memref<!tpu.dma_semaphore, #tpu.memory_space<semaphore_mem>>) src(%dma_wait3A_40 : memref<10000x128xf32, #tpu.memory_space<hbm>>) dst(%arg12 : memref<16x128xf32, #tpu.memory_space<vmem>>)
    "tpu.region"() ({
      %run_scoped3A = tpu.sem_alloc : memref<!tpu.dma_semaphore, #tpu.memory_space<semaphore_mem>>
      %dma_start3A_51 = arith.constant 0 : i32
      %dma_start3A_52 = arith.constant 0 : i32
      %dma_start3A_53 = tpu.memref_slice %arg14[%dma_start3A_51, %dma_start3A_52] : memref<10000x128xf32, #tpu.memory_space<vmem_shared>> -> memref<10000x128xf32, #tpu.memory_space<vmem_shared>>
      tpu.enqueue_indirect_dma source(%arg12 : memref<16x128xf32, #tpu.memory_space<vmem>>) target(%dma_start3A_53 : memref<10000x128xf32, #tpu.memory_space<vmem_shared>>) offsets(%arg9 : memref<16xi32, #tpu.memory_space<vmem>>) semaphore(%run_scoped3A : memref<!tpu.dma_semaphore, #tpu.memory_space<semaphore_mem>>) {add = true}
      %dma_wait3A_54 = arith.constant 0 : i32
      %dma_wait3A_55 = arith.constant 0 : i32
      %dma_wait3A_56 = tpu.memref_slice %arg14[%dma_wait3A_54, %dma_wait3A_55] : memref<10000x128xf32, #tpu.memory_space<vmem_shared>> -> memref<10000x128xf32, #tpu.memory_space<vmem_shared>>
      tpu.wait_indirect_dma semaphore(%run_scoped3A : memref<!tpu.dma_semaphore, #tpu.memory_space<semaphore_mem>>) src(%arg12 : memref<16x128xf32, #tpu.memory_space<vmem>>) dst(%dma_wait3A_56 : memref<10000x128xf32, #tpu.memory_space<vmem_shared>>)
      tpu.yield
    }) : () -> ()
    %barrier3A_41 = arith.constant 0 : index
    tpu.barrier barrier_id(%barrier3A_41)
    %lt3A = arith.constant 15 : i32
    %lt3A_42 = arith.cmpi slt, %arg1, %lt3A : i32
    %convert_element_type3A_43 = arith.extui %lt3A_42 : i1 to i32
    %cond3A_44 = arith.constant 0 : i32
    %cond3A_45 = arith.cmpi ne, %convert_element_type3A_43, %cond3A_44 : i32
    scf.if %cond3A_45 {
      %mul3A_51 = arith.constant 640 : i32
      %mul3A_52 = arith.muli %arg1, %mul3A_51 : i32
      %mul3A_53 = arith.constant 640 : i32
      %mul3A_54 = arith.muli %arg1, %mul3A_53 : i32
      "tpu.region"() ({
        %run_scoped3A = tpu.sem_alloc : memref<!tpu.dma_semaphore, #tpu.memory_space<semaphore_mem>>
        %dma_start3A_55 = arith.constant 0 : i32
        %dma_start3A_56 = tpu.memref_slice %arg5[%arg0, %mul3A_54, %dma_start3A_55] : memref<2x10000x128xf32, #tpu.memory_space<hbm>> -> memref<1x640x128xf32, #tpu.memory_space<hbm>>
        %dma_start3A_57 = tpu.memref_squeeze %dma_start3A_56 : memref<1x640x128xf32, #tpu.memory_space<hbm>> -> memref<640x128xf32, #tpu.memory_space<hbm>>
        %dma_start3A_58 = arith.constant 0 : i32
        %dma_start3A_59 = tpu.memref_slice %arg14[%mul3A_52, %dma_start3A_58] : memref<10000x128xf32, #tpu.memory_space<vmem_shared>> -> memref<640x128xf32, #tpu.memory_space<vmem_shared>>
        tpu.enqueue_dma source(%dma_start3A_59 : memref<640x128xf32, #tpu.memory_space<vmem_shared>>) target(%dma_start3A_57 : memref<640x128xf32, #tpu.memory_space<hbm>>) target_semaphore(%run_scoped3A : memref<!tpu.dma_semaphore, #tpu.memory_space<semaphore_mem>>)
        %dma_wait3A_60 = arith.constant 0 : i32
        %dma_wait3A_61 = tpu.memref_slice %arg5[%arg0, %mul3A_54, %dma_wait3A_60] : memref<2x10000x128xf32, #tpu.memory_space<hbm>> -> memref<1x640x128xf32, #tpu.memory_space<hbm>>
        %dma_wait3A_62 = tpu.memref_squeeze %dma_wait3A_61 : memref<1x640x128xf32, #tpu.memory_space<hbm>> -> memref<640x128xf32, #tpu.memory_space<hbm>>
        %dma_wait3A_63 = arith.constant 0 : i32
        %dma_wait3A_64 = tpu.memref_slice %arg14[%mul3A_52, %dma_wait3A_63] : memref<10000x128xf32, #tpu.memory_space<vmem_shared>> -> memref<640x128xf32, #tpu.memory_space<vmem_shared>>
        tpu.wait_dma2 semaphore(%run_scoped3A : memref<!tpu.dma_semaphore, #tpu.memory_space<semaphore_mem>>) src(%dma_wait3A_64 : memref<640x128xf32, #tpu.memory_space<vmem_shared>>) dst(%dma_wait3A_62 : memref<640x128xf32, #tpu.memory_space<hbm>>)
        tpu.yield
      }) : () -> ()
    } else {
    }
    %eq3A_46 = arith.constant 15 : i32
    %eq3A_47 = arith.cmpi eq, %arg1, %eq3A_46 : i32
    %convert_element_type3A_48 = arith.extui %eq3A_47 : i1 to i32
    %cond3A_49 = arith.constant 0 : i32
    %cond3A_50 = arith.cmpi ne, %convert_element_type3A_48, %cond3A_49 : i32
    scf.if %cond3A_50 {
      "tpu.region"() ({
        %run_scoped3A = tpu.sem_alloc : memref<!tpu.dma_semaphore, #tpu.memory_space<semaphore_mem>>
        %dma_start3A_51 = arith.constant 9600 : i32
        %dma_start3A_52 = arith.constant 0 : i32
        %dma_start3A_53 = tpu.memref_slice %arg5[%arg0, %dma_start3A_51, %dma_start3A_52] : memref<2x10000x128xf32, #tpu.memory_space<hbm>> -> memref<1x400x128xf32, #tpu.memory_space<hbm>>
        %dma_start3A_54 = tpu.memref_squeeze %dma_start3A_53 : memref<1x400x128xf32, #tpu.memory_space<hbm>> -> memref<400x128xf32, #tpu.memory_space<hbm>>
        %dma_start3A_55 = arith.constant 9600 : i32
        %dma_start3A_56 = arith.constant 0 : i32
        %dma_start3A_57 = tpu.memref_slice %arg14[%dma_start3A_55, %dma_start3A_56] : memref<10000x128xf32, #tpu.memory_space<vmem_shared>> -> memref<400x128xf32, #tpu.memory_space<vmem_shared>>
        tpu.enqueue_dma source(%dma_start3A_57 : memref<400x128xf32, #tpu.memory_space<vmem_shared>>) target(%dma_start3A_54 : memref<400x128xf32, #tpu.memory_space<hbm>>) target_semaphore(%run_scoped3A : memref<!tpu.dma_semaphore, #tpu.memory_space<semaphore_mem>>)
        %dma_wait3A_58 = arith.constant 9600 : i32
        %dma_wait3A_59 = arith.constant 0 : i32
        %dma_wait3A_60 = tpu.memref_slice %arg5[%arg0, %dma_wait3A_58, %dma_wait3A_59] : memref<2x10000x128xf32, #tpu.memory_space<hbm>> -> memref<1x400x128xf32, #tpu.memory_space<hbm>>
        %dma_wait3A_61 = tpu.memref_squeeze %dma_wait3A_60 : memref<1x400x128xf32, #tpu.memory_space<hbm>> -> memref<400x128xf32, #tpu.memory_space<hbm>>
        %dma_wait3A_62 = arith.constant 9600 : i32
        %dma_wait3A_63 = arith.constant 0 : i32
        %dma_wait3A_64 = tpu.memref_slice %arg14[%dma_wait3A_62, %dma_wait3A_63] : memref<10000x128xf32, #tpu.memory_space<vmem_shared>> -> memref<400x128xf32, #tpu.memory_space<vmem_shared>>
        tpu.wait_dma2 semaphore(%run_scoped3A : memref<!tpu.dma_semaphore, #tpu.memory_space<semaphore_mem>>) src(%dma_wait3A_64 : memref<400x128xf32, #tpu.memory_space<vmem_shared>>) dst(%dma_wait3A_61 : memref<400x128xf32, #tpu.memory_space<hbm>>)
        tpu.yield
      }) : () -> ()
    } else {
    }
    return
  }
}

#map = affine_map<(d0, d1) -> (0)>
module attributes {stable_mosaic.version = 14 : i64} {
  func.func @_sc_deg(%arg0: i32, %arg1: i32, %arg2: memref<320000xi32, #tpu.memory_space<hbm>>, %arg3: memref<20000xf32, #tpu.memory_space<hbm>>, %arg4: memref<10000xi32, #tpu.memory_space<vmem>>, %arg5: memref<80xf32, #tpu.memory_space<vmem>>, %arg6: memref<640xf32, #tpu.memory_space<vmem>>, %arg7: memref<10000xf32, #tpu.memory_space<vmem_shared>>, %arg8: memref<!tpu.dma_semaphore, #tpu.memory_space<semaphore_mem>>, %arg9: memref<!tpu.dma_semaphore, #tpu.memory_space<semaphore_mem>>) attributes {dimension_semantics = [#tpu.dimension_semantics<core_parallel>, #tpu.dimension_semantics<subcore_parallel>], iteration_bounds = array<i64: 2, 16>, scalar_prefetch = 0 : i64, scratch_operands = 6 : i64, tpu.core_type = #tpu.core_type<sc_vector_subcore>, window_params = [{transform_indices = #map}, {transform_indices = #map}]} {
    %mul3A = arith.constant 2 : i32
    %mul3A_0 = arith.muli %arg1, %mul3A : i32
    %add3A = arith.addi %mul3A_0, %arg0 : i32
    %broadcast_in_dim3A = arith.constant 0.000000e+00 : f32
    %broadcast_in_dim3A_1 = vector.broadcast %broadcast_in_dim3A : f32 to vector<16xf32>
    %broadcast_in_dim3A_2 = arith.constant 1.000000e+00 : f32
    %broadcast_in_dim3A_3 = vector.broadcast %broadcast_in_dim3A_2 : f32 to vector<16xf32>
    %mul3A_4 = arith.constant 10000 : i32
    %mul3A_5 = arith.muli %add3A, %mul3A_4 : i32
    %dma_start3A = tpu.memref_slice %arg2[%mul3A_5] : memref<320000xi32, #tpu.memory_space<hbm>> -> memref<10000xi32, #tpu.memory_space<hbm>>
    %dma_start3A_6 = tpu.memref_slice %arg2[%mul3A_5] : memref<320000xi32, #tpu.memory_space<hbm>> -> memref<10000xi32, #tpu.memory_space<hbm>>
    tpu.enqueue_dma source(%dma_start3A_6 : memref<10000xi32, #tpu.memory_space<hbm>>) target(%arg4 : memref<10000xi32, #tpu.memory_space<vmem>>) target_semaphore(%arg8 : memref<!tpu.dma_semaphore, #tpu.memory_space<semaphore_mem>>)
    %scan3A = arith.constant 0 : i32
    %scan3A_7 = arith.constant 0 : i32
    %scan3A_8 = arith.constant 5 : i32
    %scan3A_9 = arith.addi %scan3A_7, %scan3A_8 : i32
    %scan3A_10 = arith.constant 1 : i32
    %scan3A_11 = scf.for %scan3A_54 = %scan3A_7 to %scan3A_9 step %scan3A_10 iter_args(%scan3A_55 = %scan3A) -> (i32)  : i32 {
      %mul3A_56 = arith.constant 16 : i32
      %mul3A_57 = arith.muli %scan3A_54, %mul3A_56 : i32
      %swap3A = arith.index_cast %mul3A_57 : i32 to index
      %swap3A_58 = tpu.vector_load %arg5[%swap3A] {strides = array<i32>} : memref<80xf32, #tpu.memory_space<vmem>>, vector<16xf32>,
      %swap3A_59 = vector.shape_cast %swap3A_58 : vector<16xf32> to vector<16xf32>
      %swap3A_60 = vector.shape_cast %broadcast_in_dim3A_3 : vector<16xf32> to vector<16xf32>
      tpu.vector_store %arg5[%swap3A], %swap3A_60 {strides = array<i32>} : memref<80xf32, #tpu.memory_space<vmem>>, vector<16xf32>,
      %scan3A_61 = arith.constant 0 : i32
      scf.yield %scan3A_61 : i32
    }
    %scan3A_12 = arith.constant 5 : i32
    %scan3A_13 = arith.constant 0 : i32
    %scan3A_14 = arith.constant 0 : i32
    %scan3A_15 = arith.constant 40 : i32
    %scan3A_16 = arith.addi %scan3A_14, %scan3A_15 : i32
    %scan3A_17 = arith.constant 1 : i32
    %scan3A_18 = scf.for %scan3A_54 = %scan3A_14 to %scan3A_16 step %scan3A_17 iter_args(%scan3A_55 = %scan3A_13) -> (i32)  : i32 {
      %mul3A_56 = arith.constant 16 : i32
      %mul3A_57 = arith.muli %scan3A_54, %mul3A_56 : i32
      %swap3A = arith.index_cast %mul3A_57 : i32 to index
      %swap3A_58 = tpu.vector_load %arg6[%swap3A] {strides = array<i32>} : memref<640xf32, #tpu.memory_space<vmem>>, vector<16xf32>,
      %swap3A_59 = vector.shape_cast %swap3A_58 : vector<16xf32> to vector<16xf32>
      %swap3A_60 = vector.shape_cast %broadcast_in_dim3A_1 : vector<16xf32> to vector<16xf32>
      tpu.vector_store %arg6[%swap3A], %swap3A_60 {strides = array<i32>} : memref<640xf32, #tpu.memory_space<vmem>>, vector<16xf32>,
      %scan3A_61 = arith.constant 0 : i32
      scf.yield %scan3A_61 : i32
    }
    %scan3A_19 = arith.constant 40 : i32
    %lt3A = arith.constant 15 : i32
    %lt3A_20 = arith.cmpi slt, %arg1, %lt3A : i32
    %convert_element_type3A = arith.extui %lt3A_20 : i1 to i32
    %cond3A = arith.constant 0 : i32
    %cond3A_21 = arith.cmpi ne, %convert_element_type3A, %cond3A : i32
    scf.if %cond3A_21 {
      %mul3A_54 = arith.constant 640 : i32
      %mul3A_55 = arith.muli %arg1, %mul3A_54 : i32
      "tpu.region"() ({
        %run_scoped3A = tpu.sem_alloc : memref<!tpu.dma_semaphore, #tpu.memory_space<semaphore_mem>>
        %dma_start3A_56 = tpu.memref_slice %arg7[%mul3A_55] : memref<10000xf32, #tpu.memory_space<vmem_shared>> -> memref<640xf32, #tpu.memory_space<vmem_shared>>
        %dma_start3A_57 = tpu.memref_slice %arg7[%mul3A_55] : memref<10000xf32, #tpu.memory_space<vmem_shared>> -> memref<640xf32, #tpu.memory_space<vmem_shared>>
        tpu.enqueue_dma source(%arg6 : memref<640xf32, #tpu.memory_space<vmem>>) target(%dma_start3A_57 : memref<640xf32, #tpu.memory_space<vmem_shared>>) target_semaphore(%run_scoped3A : memref<!tpu.dma_semaphore, #tpu.memory_space<semaphore_mem>>)
        %dma_wait3A_58 = tpu.memref_slice %arg7[%mul3A_55] : memref<10000xf32, #tpu.memory_space<vmem_shared>> -> memref<640xf32, #tpu.memory_space<vmem_shared>>
        %dma_wait3A_59 = tpu.memref_slice %arg7[%mul3A_55] : memref<10000xf32, #tpu.memory_space<vmem_shared>> -> memref<640xf32, #tpu.memory_space<vmem_shared>>
        tpu.wait_dma2 semaphore(%run_scoped3A : memref<!tpu.dma_semaphore, #tpu.memory_space<semaphore_mem>>) src(%arg6 : memref<640xf32, #tpu.memory_space<vmem>>) dst(%dma_wait3A_59 : memref<640xf32, #tpu.memory_space<vmem_shared>>)
        tpu.yield
      }) : () -> ()
    } else {
    }
    %eq3A = arith.constant 15 : i32
    %eq3A_22 = arith.cmpi eq, %arg1, %eq3A : i32
    %convert_element_type3A_23 = arith.extui %eq3A_22 : i1 to i32
    %cond3A_24 = arith.constant 0 : i32
    %cond3A_25 = arith.cmpi ne, %convert_element_type3A_23, %cond3A_24 : i32
    scf.if %cond3A_25 {
      "tpu.region"() ({
        %run_scoped3A = tpu.sem_alloc : memref<!tpu.dma_semaphore, #tpu.memory_space<semaphore_mem>>
        %dma_start3A_54 = arith.constant 0 : i32
        %dma_start3A_55 = tpu.memref_slice %arg6[%dma_start3A_54] : memref<640xf32, #tpu.memory_space<vmem>> -> memref<400xf32, #tpu.memory_space<vmem>>
        %dma_start3A_56 = arith.constant 9600 : i32
        %dma_start3A_57 = tpu.memref_slice %arg7[%dma_start3A_56] : memref<10000xf32, #tpu.memory_space<vmem_shared>> -> memref<400xf32, #tpu.memory_space<vmem_shared>>
        %dma_start3A_58 = arith.constant 9600 : i32
        %dma_start3A_59 = tpu.memref_slice %arg7[%dma_start3A_58] : memref<10000xf32, #tpu.memory_space<vmem_shared>> -> memref<400xf32, #tpu.memory_space<vmem_shared>>
        %dma_start3A_60 = arith.constant 0 : i32
        %dma_start3A_61 = tpu.memref_slice %arg6[%dma_start3A_60] : memref<640xf32, #tpu.memory_space<vmem>> -> memref<400xf32, #tpu.memory_space<vmem>>
        tpu.enqueue_dma source(%dma_start3A_61 : memref<400xf32, #tpu.memory_space<vmem>>) target(%dma_start3A_59 : memref<400xf32, #tpu.memory_space<vmem_shared>>) target_semaphore(%run_scoped3A : memref<!tpu.dma_semaphore, #tpu.memory_space<semaphore_mem>>)
        %dma_wait3A_62 = arith.constant 0 : i32
        %dma_wait3A_63 = tpu.memref_slice %arg6[%dma_wait3A_62] : memref<640xf32, #tpu.memory_space<vmem>> -> memref<400xf32, #tpu.memory_space<vmem>>
        %dma_wait3A_64 = arith.constant 9600 : i32
        %dma_wait3A_65 = tpu.memref_slice %arg7[%dma_wait3A_64] : memref<10000xf32, #tpu.memory_space<vmem_shared>> -> memref<400xf32, #tpu.memory_space<vmem_shared>>
        %dma_wait3A_66 = arith.constant 9600 : i32
        %dma_wait3A_67 = tpu.memref_slice %arg7[%dma_wait3A_66] : memref<10000xf32, #tpu.memory_space<vmem_shared>> -> memref<400xf32, #tpu.memory_space<vmem_shared>>
        %dma_wait3A_68 = arith.constant 0 : i32
        %dma_wait3A_69 = tpu.memref_slice %arg6[%dma_wait3A_68] : memref<640xf32, #tpu.memory_space<vmem>> -> memref<400xf32, #tpu.memory_space<vmem>>
        tpu.wait_dma2 semaphore(%run_scoped3A : memref<!tpu.dma_semaphore, #tpu.memory_space<semaphore_mem>>) src(%dma_wait3A_69 : memref<400xf32, #tpu.memory_space<vmem>>) dst(%dma_wait3A_67 : memref<400xf32, #tpu.memory_space<vmem_shared>>)
        tpu.yield
      }) : () -> ()
    } else {
    }
    %barrier3A = arith.constant 0 : index
    tpu.barrier barrier_id(%barrier3A)
    %mul3A_26 = arith.constant 10000 : i32
    %mul3A_27 = arith.muli %add3A, %mul3A_26 : i32
    %dma_wait3A = tpu.memref_slice %arg2[%mul3A_27] : memref<320000xi32, #tpu.memory_space<hbm>> -> memref<10000xi32, #tpu.memory_space<hbm>>
    %dma_wait3A_28 = tpu.memref_slice %arg2[%mul3A_27] : memref<320000xi32, #tpu.memory_space<hbm>> -> memref<10000xi32, #tpu.memory_space<hbm>>
    tpu.wait_dma2 semaphore(%arg8 : memref<!tpu.dma_semaphore, #tpu.memory_space<semaphore_mem>>) src(%dma_wait3A_28 : memref<10000xi32, #tpu.memory_space<hbm>>) dst(%arg4 : memref<10000xi32, #tpu.memory_space<vmem>>)
    %scan3A_29 = arith.constant 0 : i32
    %scan3A_30 = arith.constant 0 : i32
    %scan3A_31 = arith.constant 125 : i32
    %scan3A_32 = arith.addi %scan3A_30, %scan3A_31 : i32
    %scan3A_33 = arith.constant 1 : i32
    %scan3A_34 = scf.for %scan3A_54 = %scan3A_30 to %scan3A_32 step %scan3A_33 iter_args(%scan3A_55 = %scan3A_29) -> (i32)  : i32 {
      %mul3A_56 = arith.constant 80 : i32
      %mul3A_57 = arith.muli %scan3A_54, %mul3A_56 : i32
      %dma_start3A_58 = tpu.memref_slice %arg4[%mul3A_57] : memref<10000xi32, #tpu.memory_space<vmem>> -> memref<80xi32, #tpu.memory_space<vmem>>
      %dma_start3A_59 = arith.constant 0 : i32
      %dma_start3A_60 = tpu.memref_slice %arg7[%dma_start3A_59] : memref<10000xf32, #tpu.memory_space<vmem_shared>> -> memref<10000xf32, #tpu.memory_space<vmem_shared>>
      tpu.enqueue_indirect_dma source(%arg5 : memref<80xf32, #tpu.memory_space<vmem>>) target(%dma_start3A_60 : memref<10000xf32, #tpu.memory_space<vmem_shared>>) offsets(%dma_start3A_58 : memref<80xi32, #tpu.memory_space<vmem>>) semaphore(%arg9 : memref<!tpu.dma_semaphore, #tpu.memory_space<semaphore_mem>>) {add = true}
      %scan3A_61 = arith.constant 0 : i32
      scf.yield %scan3A_61 : i32
    }
    %scan3A_35 = arith.constant 125 : i32
    %scan3A_36 = arith.constant 0 : i32
    %scan3A_37 = arith.constant 0 : i32
    %scan3A_38 = arith.constant 125 : i32
    %scan3A_39 = arith.addi %scan3A_37, %scan3A_38 : i32
    %scan3A_40 = arith.constant 1 : i32
    %scan3A_41 = scf.for %scan3A_54 = %scan3A_37 to %scan3A_39 step %scan3A_40 iter_args(%scan3A_55 = %scan3A_36) -> (i32)  : i32 {
      %mul3A_56 = arith.constant 80 : i32
      %mul3A_57 = arith.muli %scan3A_54, %mul3A_56 : i32
      %dma_wait3A_58 = tpu.memref_slice %arg4[%mul3A_57] : memref<10000xi32, #tpu.memory_space<vmem>> -> memref<80xi32, #tpu.memory_space<vmem>>
      %dma_wait3A_59 = arith.constant 0 : i32
      %dma_wait3A_60 = tpu.memref_slice %arg7[%dma_wait3A_59] : memref<10000xf32, #tpu.memory_space<vmem_shared>> -> memref<10000xf32, #tpu.memory_space<vmem_shared>>
      tpu.wait_indirect_dma semaphore(%arg9 : memref<!tpu.dma_semaphore, #tpu.memory_space<semaphore_mem>>) src(%arg5 : memref<80xf32, #tpu.memory_space<vmem>>) dst(%dma_wait3A_60 : memref<10000xf32, #tpu.memory_space<vmem_shared>>)
      %scan3A_61 = arith.constant 0 : i32
      scf.yield %scan3A_61 : i32
    }
    %scan3A_42 = arith.constant 125 : i32
    %barrier3A_43 = arith.constant 0 : index
    tpu.barrier barrier_id(%barrier3A_43)
    %lt3A_44 = arith.constant 15 : i32
    %lt3A_45 = arith.cmpi slt, %arg1, %lt3A_44 : i32
    %convert_element_type3A_46 = arith.extui %lt3A_45 : i1 to i32
    %cond3A_47 = arith.constant 0 : i32
    %cond3A_48 = arith.cmpi ne, %convert_element_type3A_46, %cond3A_47 : i32
    scf.if %cond3A_48 {
      %mul3A_54 = arith.constant 640 : i32
      %mul3A_55 = arith.muli %arg1, %mul3A_54 : i32
      "tpu.region"() ({
        %run_scoped3A = tpu.sem_alloc : memref<!tpu.dma_semaphore, #tpu.memory_space<semaphore_mem>>
        %dma_start3A_61 = tpu.memref_slice %arg7[%mul3A_55] : memref<10000xf32, #tpu.memory_space<vmem_shared>> -> memref<640xf32, #tpu.memory_space<vmem_shared>>
        %dma_start3A_62 = tpu.memref_slice %arg7[%mul3A_55] : memref<10000xf32, #tpu.memory_space<vmem_shared>> -> memref<640xf32, #tpu.memory_space<vmem_shared>>
        tpu.enqueue_dma source(%dma_start3A_62 : memref<640xf32, #tpu.memory_space<vmem_shared>>) target(%arg6 : memref<640xf32, #tpu.memory_space<vmem>>) target_semaphore(%run_scoped3A : memref<!tpu.dma_semaphore, #tpu.memory_space<semaphore_mem>>)
        %dma_wait3A_63 = tpu.memref_slice %arg7[%mul3A_55] : memref<10000xf32, #tpu.memory_space<vmem_shared>> -> memref<640xf32, #tpu.memory_space<vmem_shared>>
        %dma_wait3A_64 = tpu.memref_slice %arg7[%mul3A_55] : memref<10000xf32, #tpu.memory_space<vmem_shared>> -> memref<640xf32, #tpu.memory_space<vmem_shared>>
        tpu.wait_dma2 semaphore(%run_scoped3A : memref<!tpu.dma_semaphore, #tpu.memory_space<semaphore_mem>>) src(%dma_wait3A_64 : memref<640xf32, #tpu.memory_space<vmem_shared>>) dst(%arg6 : memref<640xf32, #tpu.memory_space<vmem>>)
        tpu.yield
      }) : () -> ()
      %mul3A_56 = arith.constant 10000 : i32
      %mul3A_57 = arith.muli %arg0, %mul3A_56 : i32
      %mul3A_58 = arith.constant 640 : i32
      %mul3A_59 = arith.muli %arg1, %mul3A_58 : i32
      %add3A_60 = arith.addi %mul3A_57, %mul3A_59 : i32
      "tpu.region"() ({
        %run_scoped3A = tpu.sem_alloc : memref<!tpu.dma_semaphore, #tpu.memory_space<semaphore_mem>>
        %dma_start3A_61 = tpu.memref_slice %arg3[%add3A_60] : memref<20000xf32, #tpu.memory_space<hbm>> -> memref<640xf32, #tpu.memory_space<hbm>>
        %dma_start3A_62 = tpu.memref_slice %arg3[%add3A_60] : memref<20000xf32, #tpu.memory_space<hbm>> -> memref<640xf32, #tpu.memory_space<hbm>>
        tpu.enqueue_dma source(%arg6 : memref<640xf32, #tpu.memory_space<vmem>>) target(%dma_start3A_62 : memref<640xf32, #tpu.memory_space<hbm>>) target_semaphore(%run_scoped3A : memref<!tpu.dma_semaphore, #tpu.memory_space<semaphore_mem>>)
        %dma_wait3A_63 = tpu.memref_slice %arg3[%add3A_60] : memref<20000xf32, #tpu.memory_space<hbm>> -> memref<640xf32, #tpu.memory_space<hbm>>
        %dma_wait3A_64 = tpu.memref_slice %arg3[%add3A_60] : memref<20000xf32, #tpu.memory_space<hbm>> -> memref<640xf32, #tpu.memory_space<hbm>>
        tpu.wait_dma2 semaphore(%run_scoped3A : memref<!tpu.dma_semaphore, #tpu.memory_space<semaphore_mem>>) src(%arg6 : memref<640xf32, #tpu.memory_space<vmem>>) dst(%dma_wait3A_64 : memref<640xf32, #tpu.memory_space<hbm>>)
        tpu.yield
      }) : () -> ()
    } else {
    }
    %eq3A_49 = arith.constant 15 : i32
    %eq3A_50 = arith.cmpi eq, %arg1, %eq3A_49 : i32
    %convert_element_type3A_51 = arith.extui %eq3A_50 : i1 to i32
    %cond3A_52 = arith.constant 0 : i32
    %cond3A_53 = arith.cmpi ne, %convert_element_type3A_51, %cond3A_52 : i32
    scf.if %cond3A_53 {
      "tpu.region"() ({
        %run_scoped3A = tpu.sem_alloc : memref<!tpu.dma_semaphore, #tpu.memory_space<semaphore_mem>>
        %dma_start3A_58 = arith.constant 0 : i32
        %dma_start3A_59 = tpu.memref_slice %arg6[%dma_start3A_58] : memref<640xf32, #tpu.memory_space<vmem>> -> memref<400xf32, #tpu.memory_space<vmem>>
        %dma_start3A_60 = arith.constant 9600 : i32
        %dma_start3A_61 = tpu.memref_slice %arg7[%dma_start3A_60] : memref<10000xf32, #tpu.memory_space<vmem_shared>> -> memref<400xf32, #tpu.memory_space<vmem_shared>>
        %dma_start3A_62 = arith.constant 0 : i32
        %dma_start3A_63 = tpu.memref_slice %arg6[%dma_start3A_62] : memref<640xf32, #tpu.memory_space<vmem>> -> memref<400xf32, #tpu.memory_space<vmem>>
        %dma_start3A_64 = arith.constant 9600 : i32
        %dma_start3A_65 = tpu.memref_slice %arg7[%dma_start3A_64] : memref<10000xf32, #tpu.memory_space<vmem_shared>> -> memref<400xf32, #tpu.memory_space<vmem_shared>>
        tpu.enqueue_dma source(%dma_start3A_65 : memref<400xf32, #tpu.memory_space<vmem_shared>>) target(%dma_start3A_63 : memref<400xf32, #tpu.memory_space<vmem>>) target_semaphore(%run_scoped3A : memref<!tpu.dma_semaphore, #tpu.memory_space<semaphore_mem>>)
        %dma_wait3A_66 = arith.constant 0 : i32
        %dma_wait3A_67 = tpu.memref_slice %arg6[%dma_wait3A_66] : memref<640xf32, #tpu.memory_space<vmem>> -> memref<400xf32, #tpu.memory_space<vmem>>
        %dma_wait3A_68 = arith.constant 9600 : i32
        %dma_wait3A_69 = tpu.memref_slice %arg7[%dma_wait3A_68] : memref<10000xf32, #tpu.memory_space<vmem_shared>> -> memref<400xf32, #tpu.memory_space<vmem_shared>>
        %dma_wait3A_70 = arith.constant 0 : i32
        %dma_wait3A_71 = tpu.memref_slice %arg6[%dma_wait3A_70] : memref<640xf32, #tpu.memory_space<vmem>> -> memref<400xf32, #tpu.memory_space<vmem>>
        %dma_wait3A_72 = arith.constant 9600 : i32
        %dma_wait3A_73 = tpu.memref_slice %arg7[%dma_wait3A_72] : memref<10000xf32, #tpu.memory_space<vmem_shared>> -> memref<400xf32, #tpu.memory_space<vmem_shared>>
        tpu.wait_dma2 semaphore(%run_scoped3A : memref<!tpu.dma_semaphore, #tpu.memory_space<semaphore_mem>>) src(%dma_wait3A_73 : memref<400xf32, #tpu.memory_space<vmem_shared>>) dst(%dma_wait3A_71 : memref<400xf32, #tpu.memory_space<vmem>>)
        tpu.yield
      }) : () -> ()
      %mul3A_54 = arith.constant 10000 : i32
      %mul3A_55 = arith.muli %arg0, %mul3A_54 : i32
      %add3A_56 = arith.constant 9600 : i32
      %add3A_57 = arith.addi %mul3A_55, %add3A_56 : i32
      "tpu.region"() ({
        %run_scoped3A = tpu.sem_alloc : memref<!tpu.dma_semaphore, #tpu.memory_space<semaphore_mem>>
        %dma_start3A_58 = arith.constant 0 : i32
        %dma_start3A_59 = tpu.memref_slice %arg6[%dma_start3A_58] : memref<640xf32, #tpu.memory_space<vmem>> -> memref<400xf32, #tpu.memory_space<vmem>>
        %dma_start3A_60 = tpu.memref_slice %arg3[%add3A_57] : memref<20000xf32, #tpu.memory_space<hbm>> -> memref<400xf32, #tpu.memory_space<hbm>>
        %dma_start3A_61 = tpu.memref_slice %arg3[%add3A_57] : memref<20000xf32, #tpu.memory_space<hbm>> -> memref<400xf32, #tpu.memory_space<hbm>>
        %dma_start3A_62 = arith.constant 0 : i32
        %dma_start3A_63 = tpu.memref_slice %arg6[%dma_start3A_62] : memref<640xf32, #tpu.memory_space<vmem>> -> memref<400xf32, #tpu.memory_space<vmem>>
        tpu.enqueue_dma source(%dma_start3A_63 : memref<400xf32, #tpu.memory_space<vmem>>) target(%dma_start3A_61 : memref<400xf32, #tpu.memory_space<hbm>>) target_semaphore(%run_scoped3A : memref<!tpu.dma_semaphore, #tpu.memory_space<semaphore_mem>>)
        %dma_wait3A_64 = arith.constant 0 : i32
        %dma_wait3A_65 = tpu.memref_slice %arg6[%dma_wait3A_64] : memref<640xf32, #tpu.memory_space<vmem>> -> memref<400xf32, #tpu.memory_space<vmem>>
        %dma_wait3A_66 = tpu.memref_slice %arg3[%add3A_57] : memref<20000xf32, #tpu.memory_space<hbm>> -> memref<400xf32, #tpu.memory_space<hbm>>
        %dma_wait3A_67 = tpu.memref_slice %arg3[%add3A_57] : memref<20000xf32, #tpu.memory_space<hbm>> -> memref<400xf32, #tpu.memory_space<hbm>>
        %dma_wait3A_68 = arith.constant 0 : i32
        %dma_wait3A_69 = tpu.memref_slice %arg6[%dma_wait3A_68] : memref<640xf32, #tpu.memory_space<vmem>> -> memref<400xf32, #tpu.memory_space<vmem>>
        tpu.wait_dma2 semaphore(%run_scoped3A : memref<!tpu.dma_semaphore, #tpu.memory_space<semaphore_mem>>) src(%dma_wait3A_69 : memref<400xf32, #tpu.memory_space<vmem>>) dst(%dma_wait3A_67 : memref<400xf32, #tpu.memory_space<hbm>>)
        tpu.yield
      }) : () -> ()
    } else {
    }
    return
  }
}

module attributes {stable_mosaic.version = 14 : i64} {
  func.func @_tc_combine_body(%arg0: i32, %arg1: memref<2x2000x128xf32, #tpu.memory_space<vmem>>, %arg2: memref<2000x1xf32, #tpu.memory_space<vmem>>, %arg3: memref<2000x128xf32, #tpu.memory_space<vmem>>) attributes {dimension_semantics = [#tpu.dimension_semantics<arbitrary>], iteration_bounds = array<i64: 5>, scalar_prefetch = 0 : i64, scratch_operands = 0 : i64, tpu.core_type = #tpu.core_type<tc>, window_params = [{transform_indices = @transform_0, window_bounds = array<i64: 2, 2000, 128>}, {transform_indices = @transform_1, window_bounds = array<i64: 2000, 1>}, {transform_indices = @transform_2, window_bounds = array<i64: 2000, 128>}]} {
    %get3A = arith.constant 0 : index
    %get3A_0 = arith.constant 0 : index
    %get3A_1 = arith.constant 0 : index
    %get3A_2 = vector.load %arg1[%get3A, %get3A_0, %get3A_1] : memref<2x2000x128xf32, #tpu.memory_space<vmem>>, vector<1x2000x128xf32>
    %get3A_3 = vector.shape_cast %get3A_2 : vector<1x2000x128xf32> to vector<2000x128xf32>
    %get3A_4 = arith.constant 1 : index
    %get3A_5 = arith.constant 0 : index
    %get3A_6 = arith.constant 0 : index
    %get3A_7 = vector.load %arg1[%get3A_4, %get3A_5, %get3A_6] : memref<2x2000x128xf32, #tpu.memory_space<vmem>>, vector<1x2000x128xf32>
    %get3A_8 = vector.shape_cast %get3A_7 : vector<1x2000x128xf32> to vector<2000x128xf32>
    %add3A = arith.addf %get3A_3, %get3A_8 : vector<2000x128xf32>
    %get3A_9 = arith.constant 0 : index
    %get3A_10 = arith.constant 0 : index
    %get3A_11 = vector.load %arg2[%get3A_9, %get3A_10] : memref<2000x1xf32, #tpu.memory_space<vmem>>, vector<2000x1xf32>
    %div3A = vector.broadcast %get3A_11 : vector<2000x1xf32> to vector<2000x128xf32>
    %div3A_12 = arith.divf %add3A, %div3A : vector<2000x128xf32>
    %swap3A = arith.constant 0 : index
    %swap3A_13 = arith.constant 0 : index
    %swap3A_14 = vector.load %arg3[%swap3A, %swap3A_13] : memref<2000x128xf32, #tpu.memory_space<vmem>>, vector<2000x128xf32>
    tpu.vector_store %arg3[%swap3A, %swap3A_13], %div3A_12 {strides = array<i32>} : memref<2000x128xf32, #tpu.memory_space<vmem>>, vector<2000x128xf32>,
    return
  }
  func.func @transform_0(%arg0: i32) -> (i32, i32, i32) {
    %c0_i32 = arith.constant 0 : i32
    %c0_i32_0 = arith.constant 0 : i32
    %c0_i32_1 = arith.constant 0 : i32
    return %c0_i32, %arg0, %c0_i32_0 : i32, i32, i32
  }
  func.func @transform_1(%arg0: i32) -> (i32, i32) {
    %c0_i32 = arith.constant 0 : i32
    %c0_i32_0 = arith.constant 0 : i32
    return %arg0, %c0_i32 : i32, i32
  }
  func.func @transform_2(%arg0: i32) -> (i32, i32) {
    %c0_i32 = arith.constant 0 : i32
    %c0_i32_0 = arith.constant 0 : i32
    return %arg0, %c0_i32 : i32, i32
  }
}

module attributes {stable_mosaic.version = 14 : i64} {
  func.func @_tc_prep_body(%arg0: i32, %arg1: memref<2x2560xf32, #tpu.memory_space<vmem>>, %arg2: memref<2560x128xf32, #tpu.memory_space<vmem>>, %arg3: memref<2560x128xf32, #tpu.memory_space<vmem>>, %arg4: memref<2560x1xf32, #tpu.memory_space<vmem>>) attributes {dimension_semantics = [#tpu.dimension_semantics<arbitrary>], iteration_bounds = array<i64: 4>, scalar_prefetch = 0 : i64, scratch_operands = 0 : i64, tpu.core_type = #tpu.core_type<tc>, window_params = [{transform_indices = @transform_0, window_bounds = array<i64: 2, 2560>}, {transform_indices = @transform_1, window_bounds = array<i64: 2560, 128>}, {transform_indices = @transform_2, window_bounds = array<i64: 2560, 128>}, {transform_indices = @transform_3, window_bounds = array<i64: 2560, 1>}]} {
    %get3A = arith.constant 0 : index
    %get3A_0 = arith.constant 0 : index
    %get3A_1 = vector.load %arg1[%get3A, %get3A_0] : memref<2x2560xf32, #tpu.memory_space<vmem>>, vector<1x2560xf32>
    %add3A = arith.constant 1.000000e+00 : f32
    %add3A_2 = vector.broadcast %add3A : f32 to vector<1x2560xf32>
    %add3A_3 = arith.addf %add3A_2, %get3A_1 : vector<1x2560xf32>
    %get3A_4 = arith.constant 1 : index
    %get3A_5 = arith.constant 0 : index
    %get3A_6 = vector.load %arg1[%get3A_4, %get3A_5] : memref<2x2560xf32, #tpu.memory_space<vmem>>, vector<1x2560xf32>
    %add3A_7 = arith.addf %add3A_3, %get3A_6 : vector<1x2560xf32>
    %transpose3A = tpu.transpose %add3A_7, [1, 0] : vector<1x2560xf32> -> vector<2560x1xf32>
    %swap3A = arith.constant 0 : index
    %swap3A_8 = arith.constant 0 : index
    %swap3A_9 = vector.load %arg4[%swap3A, %swap3A_8] : memref<2560x1xf32, #tpu.memory_space<vmem>>, vector<2560x1xf32>
    tpu.vector_store %arg4[%swap3A, %swap3A_8], %transpose3A {strides = array<i32>} : memref<2560x1xf32, #tpu.memory_space<vmem>>, vector<2560x1xf32>,
    %get3A_10 = arith.constant 0 : index
    %get3A_11 = arith.constant 0 : index
    %get3A_12 = vector.load %arg2[%get3A_10, %get3A_11] : memref<2560x128xf32, #tpu.memory_space<vmem>>, vector<2560x128xf32>
    %rsqrt3A = math.rsqrt %transpose3A : vector<2560x1xf32>
    %mul3A = vector.broadcast %rsqrt3A : vector<2560x1xf32> to vector<2560x128xf32>
    %mul3A_13 = arith.mulf %get3A_12, %mul3A : vector<2560x128xf32>
    %swap3A_14 = arith.constant 0 : index
    %swap3A_15 = arith.constant 0 : index
    %swap3A_16 = vector.load %arg3[%swap3A_14, %swap3A_15] : memref<2560x128xf32, #tpu.memory_space<vmem>>, vector<2560x128xf32>
    tpu.vector_store %arg3[%swap3A_14, %swap3A_15], %mul3A_13 {strides = array<i32>} : memref<2560x128xf32, #tpu.memory_space<vmem>>, vector<2560x128xf32>,
    return
  }
  func.func @transform_0(%arg0: i32) -> (i32, i32) {
    %c0_i32 = arith.constant 0 : i32
    %c0_i32_0 = arith.constant 0 : i32
    return %c0_i32, %arg0 : i32, i32
  }
  func.func @transform_1(%arg0: i32) -> (i32, i32) {
    %c0_i32 = arith.constant 0 : i32
    %c0_i32_0 = arith.constant 0 : i32
    return %arg0, %c0_i32 : i32, i32
  }
  func.func @transform_2(%arg0: i32) -> (i32, i32) {
    %c0_i32 = arith.constant 0 : i32
    %c0_i32_0 = arith.constant 0 : i32
    return %arg0, %c0_i32 : i32, i32
  }
  func.func @transform_3(%arg0: i32) -> (i32, i32) {
    %c0_i32 = arith.constant 0 : i32
    %c0_i32_0 = arith.constant 0 : i32
    return %arg0, %c0_i32 : i32, i32
  }
}

module attributes {stable_mosaic.version = 14 : i64} {
  func.func @_tc_split_body(%arg0: i32, %arg1: memref<2x32768xi32, #tpu.memory_space<vmem>>, %arg2: memref<32768xi32, #tpu.memory_space<vmem>>, %arg3: memref<32768xi32, #tpu.memory_space<vmem>>) attributes {dimension_semantics = [#tpu.dimension_semantics<arbitrary>], iteration_bounds = array<i64: 10>, scalar_prefetch = 0 : i64, scratch_operands = 0 : i64, tpu.core_type = #tpu.core_type<tc>, window_params = [{transform_indices = @transform_0, window_bounds = array<i64: 2, 32768>}, {transform_indices = @transform_1, window_bounds = array<i64: 32768>}, {transform_indices = @transform_2, window_bounds = array<i64: 32768>}]} {
    %get3A = arith.constant 0 : index
    %get3A_0 = arith.constant 0 : index
    %get3A_1 = vector.load %arg1[%get3A, %get3A_0] : memref<2x32768xi32, #tpu.memory_space<vmem>>, vector<1x32768xi32>
    %get3A_2 = vector.shape_cast %get3A_1 : vector<1x32768xi32> to vector<32768xi32>
    %swap3A = arith.constant 0 : index
    %swap3A_3 = vector.load %arg2[%swap3A] : memref<32768xi32, #tpu.memory_space<vmem>>, vector<32768xi32>
    tpu.vector_store %arg2[%swap3A], %get3A_2 {strides = array<i32>} : memref<32768xi32, #tpu.memory_space<vmem>>, vector<32768xi32>,
    %get3A_4 = arith.constant 1 : index
    %get3A_5 = arith.constant 0 : index
    %get3A_6 = vector.load %arg1[%get3A_4, %get3A_5] : memref<2x32768xi32, #tpu.memory_space<vmem>>, vector<1x32768xi32>
    %get3A_7 = vector.shape_cast %get3A_6 : vector<1x32768xi32> to vector<32768xi32>
    %swap3A_8 = arith.constant 0 : index
    %swap3A_9 = vector.load %arg3[%swap3A_8] : memref<32768xi32, #tpu.memory_space<vmem>>, vector<32768xi32>
    tpu.vector_store %arg3[%swap3A_8], %get3A_7 {strides = array<i32>} : memref<32768xi32, #tpu.memory_space<vmem>>, vector<32768xi32>,
    return
  }
  func.func @transform_0(%arg0: i32) -> (i32, i32) {
    %c0_i32 = arith.constant 0 : i32
    %c0_i32_0 = arith.constant 0 : i32
    return %c0_i32, %arg0 : i32, i32
  }
  func.func @transform_1(%arg0: i32) -> i32 {
    %c0_i32 = arith.constant 0 : i32
    return %arg0 : i32
  }
  func.func @transform_2(%arg0: i32) -> i32 {
    %c0_i32 = arith.constant 0 : i32
    return %arg0 : i32
  }
}

module attributes {stable_mosaic.version = 14 : i64} {
  func.func @_tc_final_body(%arg0: i32, %arg1: memref<2x2000x128xf32, #tpu.memory_space<vmem>>, %arg2: memref<2000x1xf32, #tpu.memory_space<vmem>>, %arg3: memref<128x128xf32, #tpu.memory_space<vmem>>, %arg4: memref<1x128xf32, #tpu.memory_space<vmem>>, %arg5: memref<2000x128xf32, #tpu.memory_space<vmem>>) attributes {dimension_semantics = [#tpu.dimension_semantics<arbitrary>], iteration_bounds = array<i64: 5>, scalar_prefetch = 0 : i64, scratch_operands = 0 : i64, tpu.core_type = #tpu.core_type<tc>, window_params = [{transform_indices = @transform_0, window_bounds = array<i64: 2, 2000, 128>}, {transform_indices = @transform_1, window_bounds = array<i64: 2000, 1>}, {pipeline_mode = #tpu.pipeline_mode<synchronous>, transform_indices = @transform_2, window_bounds = array<i64: 128, 128>}, {pipeline_mode = #tpu.pipeline_mode<synchronous>, transform_indices = @transform_3, window_bounds = array<i64: 1, 128>}, {transform_indices = @transform_4, window_bounds = array<i64: 2000, 128>}]} {
    %get3A = arith.constant 0 : index
    %get3A_0 = arith.constant 0 : index
    %get3A_1 = arith.constant 0 : index
    %get3A_2 = vector.load %arg1[%get3A, %get3A_0, %get3A_1] : memref<2x2000x128xf32, #tpu.memory_space<vmem>>, vector<1x2000x128xf32>
    %get3A_3 = vector.shape_cast %get3A_2 : vector<1x2000x128xf32> to vector<2000x128xf32>
    %get3A_4 = arith.constant 1 : index
    %get3A_5 = arith.constant 0 : index
    %get3A_6 = arith.constant 0 : index
    %get3A_7 = vector.load %arg1[%get3A_4, %get3A_5, %get3A_6] : memref<2x2000x128xf32, #tpu.memory_space<vmem>>, vector<1x2000x128xf32>
    %get3A_8 = vector.shape_cast %get3A_7 : vector<1x2000x128xf32> to vector<2000x128xf32>
    %add3A = arith.addf %get3A_3, %get3A_8 : vector<2000x128xf32>
    %get3A_9 = arith.constant 0 : index
    %get3A_10 = arith.constant 0 : index
    %get3A_11 = vector.load %arg2[%get3A_9, %get3A_10] : memref<2000x1xf32, #tpu.memory_space<vmem>>, vector<2000x1xf32>
    %rsqrt3A = math.rsqrt %get3A_11 : vector<2000x1xf32>
    %mul3A = vector.broadcast %rsqrt3A : vector<2000x1xf32> to vector<2000x128xf32>
    %mul3A_12 = arith.mulf %add3A, %mul3A : vector<2000x128xf32>
    %get3A_13 = arith.constant 0 : index
    %get3A_14 = arith.constant 0 : index
    %get3A_15 = vector.load %arg3[%get3A_13, %get3A_14] : memref<128x128xf32, #tpu.memory_space<vmem>>, vector<128x128xf32>
    %dot_general3A = arith.constant dense<0.000000e+00> : vector<2000x128xf32>
    %dot_general3A_16 = tpu.matmul %mul3A_12, %get3A_15, %dot_general3A {dimension_numbers = #tpu.dot_dimension_numbers<[1], [0], [0], [1], [0, 0, 1, 1], [], []>, transpose_lhs_hint = false} : vector<2000x128xf32>, vector<128x128xf32>, vector<2000x128xf32> -> vector<2000x128xf32>
    %get3A_17 = arith.constant 0 : index
    %get3A_18 = arith.constant 0 : index
    %get3A_19 = vector.load %arg4[%get3A_17, %get3A_18] : memref<1x128xf32, #tpu.memory_space<vmem>>, vector<1x128xf32>
    %add3A_20 = vector.broadcast %get3A_19 : vector<1x128xf32> to vector<2000x128xf32>
    %add3A_21 = arith.addf %dot_general3A_16, %add3A_20 : vector<2000x128xf32>
    %max3A = arith.constant 0.000000e+00 : f32
    %max3A_22 = vector.broadcast %max3A : f32 to vector<2000x128xf32>
    %max3A_23 = arith.maximumf %add3A_21, %max3A_22 : vector<2000x128xf32>
    %swap3A = arith.constant 0 : index
    %swap3A_24 = arith.constant 0 : index
    %swap3A_25 = vector.load %arg5[%swap3A, %swap3A_24] : memref<2000x128xf32, #tpu.memory_space<vmem>>, vector<2000x128xf32>
    tpu.vector_store %arg5[%swap3A, %swap3A_24], %max3A_23 {strides = array<i32>} : memref<2000x128xf32, #tpu.memory_space<vmem>>, vector<2000x128xf32>,
    return
  }
  func.func @transform_0(%arg0: i32) -> (i32, i32, i32) {
    %c0_i32 = arith.constant 0 : i32
    %c0_i32_0 = arith.constant 0 : i32
    %c0_i32_1 = arith.constant 0 : i32
    return %c0_i32, %arg0, %c0_i32_0 : i32, i32, i32
  }
  func.func @transform_1(%arg0: i32) -> (i32, i32) {
    %c0_i32 = arith.constant 0 : i32
    %c0_i32_0 = arith.constant 0 : i32
    return %arg0, %c0_i32 : i32, i32
  }
  func.func @transform_2(%arg0: i32) -> (i32, i32) {
    %c0_i32 = arith.constant 0 : i32
    %c0_i32_0 = arith.constant 0 : i32
    %c0_i32_1 = arith.constant 0 : i32
    return %c0_i32, %c0_i32_0 : i32, i32
  }
  func.func @transform_3(%arg0: i32) -> (i32, i32) {
    %c0_i32 = arith.constant 0 : i32
    %c0_i32_0 = arith.constant 0 : i32
    %c0_i32_1 = arith.constant 0 : i32
    return %c0_i32, %c0_i32_0 : i32, i32
  }
  func.func @transform_4(%arg0: i32) -> (i32, i32) {
    %c0_i32 = arith.constant 0 : i32
    %c0_i32_0 = arith.constant 0 : i32
    return %arg0, %c0_i32 : i32, i32
  }
}

</mosaic_0001>

<sc_bundles>
// kernel: kernel.12.cloned.1.call-start
scs
__scs_entry_jumppad:
0x0: {  	(pc) =	sbr.rel $0x88, $3  }
0x1: {  	(tag) =	ssettag $0x0;
	lr =	simm.s32 $0x1  }
0x2: {  	[smem:$0x3F9D] =	sst lr;
	_ =	strace $0xD0000000  }
0x3: {  	_ = 	snop  }
0x4: {  	_ = 	snop  }
0x5: {  	_ = 	snop  }
0x6: {  	_ = 	snop  }
0x7: {  	_ = 	snop  }
__scs_overlays_trampoline_lowered:
0x8: {  	[smem:$0x3FAC] =	sst s0  }
0x9: {  	[smem:$0x3FAD] =	sst s1  }
0xa: {  	[smem:$0x3FAE] =	sst s2  }
0xb: {  	[smem:$0x3FAF] =	sst s3  }
0xc: {  	[smem:$0x3FB0] =	sst s4  }
0xd: {  	[smem:$0x3FB1] =	sst s5  }
0xe: {  	[smem:$0x3FB2] =	sst s6  }
0xf: {  	[smem:$0x3FB3] =	sst s7  }
0x10: {  	[smem:$0x3FB4] =	sst s8  }
0x11: {  	[smem:$0x3FB5] =	sst s9;
	s0 =	simm.s32 @!p0 $0x0  }
0x12: {  	s1 =	sld [smem:$0x3F9B];
	s0 =	simm.s32 @p0 $0x1  }
0x13: {  	[smem:$0x3FB6] =	sst s0;
	s0 =	simm.s32 @!p1 $0x0  }
0x14: {  	s2 =	sld [smem:$0x3F9A];
	s0 =	simm.s32 @p1 $0x1  }
0x15: {  	[smem:$0x3FB7] =	sst s0;
	s0 =	simm.s32 @!p2 $0x0  }
0x16: {  	s3 =	sld [smem:$0x3FDB];
	s0 =	simm.s32 @p2 $0x1  }
0x17: {  	s4 =	simm.s32 $0x1BF5;
	[smem:$0x3FB9] =	sst s0  }
0x18: {  	s0 =	sld [smem:$0x3F9C];
	_ =	swait.ge [sflag:s4], $0x0  }
0x19: {  	s7 =	sld [smem:$0x3F9D]  }
0x1a: {  	s8 =	sadd.s32 $0xFFFFE003, lr  }
0x1b: {  	s9 =	sadd.s32 $0xFFFFFEF7, lr;
	s5 =	simm.s32 $0xFFFFFFFF;
	p2 =	slt.u32 s8, $0xFFFFF086  }
0x1c: {  	p1 =	slt.u32 s9, $0xF7A;
	s5 =	simm.s32 @!p2 $0x0  }
0x1d: {  	s5 =	simm.s32 @p1 $0x1;
	p0 =	seq.s32 s7, s2  }
0x1e: {  	s7 =	smul.u32 @!p0 $0xF7A, s2;
	p2 =	seq.s32 @!p0 s5, $0x0  }
0x1f: {  	s9 =	smul.u32 $0xF7A, s1;
	s8 =	simm.s32 @!p0 $0x1BF5;
	p2 =	por !p2, p0  }
0x20: {  	[sflag:s8] =	ssyncset.s32 @!p0 $0xFFFFF086;
	s6 =	sadd.s32 @!p0 s3, s7;
	s7 =	simm.s32 @!p0 $0x108  }
0x21: {  	s3 =	sadd.s32 s3, s9;
	s6 =	sadd.s32 @!p0 $0x88, s6;
	s7 =	simm.s32 @p2 $0x1082  }
0x22: {  	[simem:s7], [sflag:s8] =	dma.local @!p0 [hbm:s6], $0xF7A  }
0x23: {  	s9 =	sor.u32 $0xD0000000, s2;
	s6 =	simm.s32 $0x108;
	_ =	swait.ge @!p0 [sflag:s8], $0x0  }
0x24: {  	s3 =	sadd.s32 $0x88, s3;
	s6 =	simm.s32 @!p1 $0x1082;
	[sflag:s4] =	ssyncset.s32 $0xFFFFF086  }
0x25: {  	[simem:s6], [sflag:s4] =	dma.local [hbm:s3], $0xF7A  }
0x26: {  	[smem:$0x3F9D] =	sst s1;
	(tag) =	ssettag s2;
	_ =	strace s9  }
0x27: {  	s1 =	sld [smem:$0x3FAD]  }
0x28: {  	s2 =	sld [smem:$0x3FAE]  }
0x29: {  	s4 =	sld [smem:$0x3FB0]  }
0x2a: {  	p0 =	seq.s32 s5, $0x0;
	s5 =	sld [smem:$0x3FB1]  }
0x2b: {  	s6 =	sld [smem:$0x3FB2]  }
0x2c: {  	s7 =	sld [smem:$0x3FB3]  }
0x2d: {  	s3 =	simm.s32 $0x108;
	s8 =	sld [smem:$0x3FB4]  }
0x2e: {  	s3 =	simm.s32 @!p0 $0x1082;
	s9 =	sld [smem:$0x3FB5]  }
0x2f: {  	lr =	sadd.s32 s0, s3;
	s0 =	sld [smem:$0x3FAC]  }
0x30: {  	s3 =	sld [smem:$0x3FAF]  }
0x31: {  	[smem:$0x3FB8] =	sst s10  }
0x32: {  	s10 =	sld [smem:$0x3FB6];
	_ =	sdelay $0x3  }
0x33: {  	p0 =	seq.s32 s10, $0x1;
	s10 =	sld [smem:$0x3FB8];
	_ =	sdelay $0x3  }
0x34: {  	[smem:$0x3FB8] =	sst s10  }
0x35: {  	s10 =	sld [smem:$0x3FB7];
	_ =	sdelay $0x3  }
0x36: {  	p1 =	seq.s32 s10, $0x1;
	s10 =	sld [smem:$0x3FB8];
	_ =	sdelay $0x3  }
0x37: {  	[smem:$0x3FB8] =	sst s10  }
0x38: {  	s10 =	sld [smem:$0x3FB9]  }
0x39: {  	_ = 	snop;
	(pc) =	sbr.ind lr, $3  }
0x3a: {  	_ = 	snop  }
0x3b: {  	_ = 	snop  }
0x3c: {  	p2 =	seq.s32 s10, $0x1;
	s10 =	sld [smem:$0x3FB8]  }
0x3d: {  	_ =	shalt  }
0x3e: {  	_ =	shalt  }
0x3f: {  	_ =	shalt  }
0x40: {  	_ =	shalt  }
0x41: {  	_ =	shalt  }
0x42: {  	_ =	shalt  }
0x43: {  	_ =	shalt  }
0x44: {  	_ =	shalt  }
0x45: {  	_ =	shalt  }
0x46: {  	_ =	shalt  }
0x47: {  	_ =	shalt  }
0x48: {  	_ =	shalt  }
0x49: {  	_ =	shalt  }
0x4a: {  	_ =	shalt  }
0x4b: {  	_ =	shalt  }
0x4c: {  	_ =	shalt  }
0x4d: {  	_ =	shalt  }
0x4e: {  	_ =	shalt  }
0x4f: {  	_ =	shalt  }
0x50: {  	_ =	shalt  }
0x51: {  	_ =	shalt  }
0x52: {  	_ =	shalt  }
0x53: {  	_ =	shalt  }
0x54: {  	_ =	shalt  }
0x55: {  	_ =	shalt  }
0x56: {  	_ =	shalt  }
0x57: {  	_ =	shalt  }
0x58: {  	_ =	shalt  }
0x59: {  	_ =	shalt  }
0x5a: {  	_ =	shalt  }
0x5b: {  	_ =	shalt  }
0x5c: {  	_ =	shalt  }
0x5d: {  	_ =	shalt  }
0x5e: {  	_ =	shalt  }
0x5f: {  	_ =	shalt  }
0x60: {  	_ =	shalt  }
0x61: {  	_ =	shalt  }
0x62: {  	_ =	shalt  }
0x63: {  	_ =	shalt  }
0x64: {  	_ =	shalt  }
0x65: {  	_ =	shalt  }
0x66: {  	_ =	shalt  }
0x67: {  	_ =	shalt  }
0x68: {  	_ =	shalt  }
0x69: {  	_ =	shalt  }
0x6a: {  	_ =	shalt  }
0x6b: {  	_ =	shalt  }
0x6c: {  	_ =	shalt  }
0x6d: {  	_ =	shalt  }
0x6e: {  	_ =	shalt  }
0x6f: {  	_ =	shalt  }
0x70: {  	_ =	shalt  }
0x71: {  	_ =	shalt  }
0x72: {  	_ =	shalt  }
0x73: {  	_ =	shalt  }
0x74: {  	_ =	shalt  }
0x75: {  	_ =	shalt  }
0x76: {  	_ =	shalt  }
0x77: {  	_ =	shalt  }
0x78: {  	_ =	shalt  }
0x79: {  	_ =	shalt  }
0x7a: {  	_ =	shalt  }
0x7b: {  	_ =	shalt  }
0x7c: {  	_ =	shalt  }
0x7d: {  	_ =	shalt  }
0x7e: {  	_ =	shalt  }
0x7f: {  	_ =	shalt  }
0x80: {  	_ =	shalt  }
0x81: {  	_ =	shalt  }
0x82: {  	_ =	shalt  }
0x83: {  	_ =	shalt  }
0x84: {  	_ =	shalt  }
0x85: {  	_ =	shalt  }
0x86: {  	_ =	shalt  }
0x87: {  	_ =	shalt  }
.Lfunc_end0:
.L_simem_size_0:
called_computation.1_lowered:
.L_overlay_start_0:
0x88: {  	s2 =	sld [smem:$0x3FD9]  }
0x89: {  	s3 =	sld [smem:$0x3FFE];
	_ =	sdelay $0x1  }
0x8a: {  	s1 =	srdreg.scid  }
0x8b: {  	s0 =	sand.u32 $0x1, s1  }
0x8c: {  	s17 =	sshll.u32 s0, $0xA;
	s2 =	sadd.s32 s3, s2  }
0x8d: {  	s2 =	sadd.s32 s2, s17  }
0x8e: {  	[smem:$0x3FC4] =	sst s2  }
0x8f: {  	_ = 	snop  }
0x90: {  	s2 =	sld [smem:$0x3FD0];
	(tm) =	ssettm $0x1  }
0x91: {  	s18 =	sld [smem:$0x3FFB];
	_ =	sdelay $0x3  }
0x92: {  	_ =	strace s18  }
0x93: {  	s3 =	sld [smem:$0x3FFC];
	_ =	sdelay $0x3  }
0x94: {  	_ =	strace s3  }
0x95: {  	s3 =	sld [smem:$0x3FFD];
	_ =	sdelay $0x3  }
0x96: {  	_ =	strace s3  }
0x97: {  	_ =	strace $0x8FFFFFFF  }
0x98: {  	s19 =	sld [smem:$0x3FDB];
	_ =	sdelay $0x1  }
0x99: {  	s4 =	simm.s32 $_scs_section_size  }
0x9a: {  	s5 =	simm.s32 $_size__tile_overlayer_lowered;
	s6 =	simm.s32 $_tile_overlayer_lowered  }
0x9b: {  	s22 =	simm.s32 $0x1BFF;
	s21 =	sshll.u32 s6, $0x1;
	s3 =	sadd.s32 s4, s19  }
0x9c: {  	s7 =	simm.s32 $0x0;
	s20 =	sshll.u32 s5, $0x1;
	s5 =	sadd.s32 s21, s3  }
0x9d: {  	[timem:s7], [sflag:s22] =	dma.local [hbm:s5], s20  }
0x9e: {  	_ =	swait.ge [sflag:s22], s20  }
0x9f: {  	s4 =	ssub.s32 $0x0, s20;
	[sflag:s22] =	ssyncset.done $0x0  }
0xa0: {  	[sflag:s22] =	ssyncadd.s32 s4;
	_ =	sdelay $0x1  }
0xa1: {  	s23 =	simm.s32 $0x1B8B  }
0xa2: {  	_ =	swait.ge [sflag:s23], $0x1  }
0xa3: {  	[sflag:s23] =	ssyncset.done $0x0  }
0xa4: {  	s25 =	simm.s32 $0x1B8E;
	s24 =	sld [smem:$0x3FFE];
	[sflag:s23] =	ssyncadd.s32 $0xFFFFFFFF  }
0xa5: {  	s26 =	simm.s32 $execute0_lowered;
	[smem:$0x3FD2] =	sst s25  }
0xa6: {  	s5 =	sshll.u32 s26, $0x1;
	_ =	strace $0x80000049;
	[dreg:$0x1] =	wrdreg $0xFFFFFFFF  }
0xa7: {  	s28 =	simm.s32 $_size_execute0_lowered;
	s3 =	sadd.s32 s3, s5;
	[dreg:$0x0] =	wrdreg $0x0  }
0xa8: {  	s5 =	sshll.u32 s28, $0x1;
	[dreg:$0x2] =	wrdreg s3  }
0xa9: {  	[dreg:$0x3] =	wrdreg s5  }
0xaa: {  	[dreg:$0x4] =	wrdreg $0xC0  }
0xab: {  	_ =	task [dreg:s7], $0x5FFFF  }
0xac: {  	[dreg:$0x1] =	wrdreg $0xFFFFFFFF  }
0xad: {  	[dreg:$0x0] =	wrdreg $0x60  }
0xae: {  	[dreg:$0x2] =	wrdreg s24  }
0xaf: {  	[dreg:$0x3] =	wrdreg s2  }
0xb0: {  	[dreg:$0x4] =	wrdreg $0xC1000  }
0xb1: {  	[dreg:$0x5] =	wrdreg $0x9  }
0xb2: {  	_ =	task.clear_ibuf [dreg:s7], $0x6FFFF;
	_ =	strace $0x90000049  }
0xb3: {  	s29 =	simm.s32 $0x9;
	_ =	strace $0x8000004B  }
0xb4: {  	_ =	swait.ge [sflag:s29], $0x1  }
0xb5: {  	[sflag:s29] =	ssyncadd.s32 $0xFFFFFFFF  }
0xb6: {  	_ =	strace $0x9000004B  }
0xb7: {  	_ =	sfence  }
0xb8: {  	s30 =	sld [smem:$0x0];
	_ =	sdelay $0x2  }
0xb9: {  	s31 =	sshll.u32 s1, $0xD;
	s1 =	sshrl.u32 s1, $0x2  }
0xba: {  	s3 =	sand.u32 $0x4000, s31;
	s1 =	sadd.s32 s1, s30  }
0xbb: {  	s0 =	sor.u32 s3, s0;
	s1 =	sshll.u32 s1, $0x11  }
0xbc: {  	s0 =	sor.u32 s1, s0  }
0xbd: {  	s0 =	sadd.s32 $0x8F2B, s0  }
0xbe: {  	[sflag:s0] =	ssyncadd.remote.s32 $0x1  }
0xbf: {  	_ =	sfence.sel $0xFFFF  }
0xc0: {  	[dreg:$0x0] =	wrdreg $0xFFFFFFFF;
	(pc) =	sbr.abs _section_cstart, $3  }
0xc1: {  	[dreg:$0x1] =	wrdreg $0xFFFFFFFF  }
0xc2: {  	_ =	task.clear_ibuf [dreg:s7], $0x2FFFF;
	_ =	strace $0x9FFFFFFF  }
0xc3: {  	(tm) =	ssettm $0x7FFFFFFF  }
tec
execute0_lowered:
.L_overlay_start_1:
0x0: {  	(tag) =	ssettag $0x1  }
0x1: {  	s0 =	srdreg.scid;
	s13 =	stileid.u32  }
0x2: {  	s1 =	rddreg [dreg:$0x0];
	s10 =	smul.u32 $0x50000, s13  }
0x3: {  	s2 =	rddreg [dreg:$0x1];
	s11 =	smul.u32 $0x2800, s13  }
0x4: {  	s0 =	sand.u32 $0x1, s0;
	s3 =	sshll.u32 s13, $0x1;
	s17 =	smul.u32 $0x4E20, s13  }
0x5: {  	s24 =	sadd.s32 $0x25800, s2;
	s4 =	sor.u32 s0, s3;
	s21 =	smul.u32 $0x138800, s0  }
0x6: {  	s8 =	ssub.s32 $0x2, s0;
	p0 =	seq.s32 s0, $0x1;
	s0 =	smul.u32 $0x2710, s0  }
0x7: {  	s3 =	rddreg [dreg:$0x2];
	s5 =	smul.u32 $0x2710, s4;
	s4 =	simm.s32 $0x0  }
0x8: {  	s9 =	sshrl.u32 s8, $0x1;
	s23 =	sadd.s32 s2, s11;
	[smem:$0x7FF] =	sst s4  }
0x9: {  	s22 =	sshrl.u32 s10, $0x2;
	_ =	strace $0x8000004A;
	[dreg:$0x6] =	wrdreg s23  }
0xa: {  	s26 =	sadd.s32 $0x138000, s3;
	s9 =	ssub.s32 s8, s9;
	[dreg:$0x7] =	wrdreg s24  }
0xb: {  	s0 =	sadd.s32 s0, s17;
	s17 =	sadd.s32 $0x12E000, s3;
	[dreg:$0x8] =	wrdreg s26  }
0xc: {  	s8 =	sadd.s32 s22, s3;
	s15 =	smax.u32 s9, $0x1;
	[smem:$0x7F4] =	sst s17  }
0xd: {  	s16 =	sadd.s32 $0x1000, s8;
	[dreg:$0xc] =	wrdreg s15  }
0xe: {  	s18 =	sadd.s32 $0x2000, s8;
	[dreg:$0xd] =	wrdreg s16  }
0xf: {  	s19 =	sadd.s32 $0x3000, s8;
	[dreg:$0xe] =	wrdreg s18  }
0x10: {  	s20 =	sadd.s32 $0x4000, s8;
	[dreg:$0xf] =	wrdreg s19  }
0x11: {  	s22 =	sadd.s32 $0x6000, s8;
	[dreg:$0x10] =	wrdreg s20  }
0x12: {  	s23 =	sadd.s32 $0x7000, s8;
	[dreg:$0x12] =	wrdreg s22  }
0x13: {  	s24 =	sadd.s32 $0x8000, s8;
	[dreg:$0x13] =	wrdreg s23  }
0x14: {  	s12 =	smul.u32 $0x14000, s13;
	s0 =	sadd.s32 $0x80, s0;
	[dreg:$0x14] =	wrdreg s24  }
0x15: {  	p1 =	seq.s32 s13, $0xF;
	s26 =	sadd.s32 $0xA000, s8;
	[dreg:$0x15] =	wrdreg s0  }
0x16: {  	s25 =	sadd.s32 s12, s21;
	s9 =	sadd.s32 $0xE000, s8;
	[dreg:$0x17] =	wrdreg s26  }
0x17: {  	s6 =	sshrl.u32 s5, $0x3;
	s11 =	sadd.s32 $0xF000, s8;
	[dreg:$0x1b] =	wrdreg s9  }
0x18: {  	s5 =	sadd.s32 $0x2400, s1;
	s13 =	sadd.s32 $0x11000, s8;
	[dreg:$0x1c] =	wrdreg s11  }
0x19: {  	s7 =	sadd.s32 s6, s1;
	s14 =	sadd.s32 s5, s6;
	[dreg:$0x1e] =	wrdreg s13  }
0x1a: {  	s6 =	sshrl.u32 s21, $0x3;
	s21 =	sadd.s32 $0x5000, s8;
	[dreg:$0x5] =	wrdreg s14  }
0x1b: {  	s15 =	sadd.s32 $0x13000, s8;
	[dreg:$0x11] =	wrdreg s21  }
0x1c: {  	s28 =	simm.s32 $0x6900;
	s16 =	sadd.s32 $0x12D000, s3;
	[smem:$0x7F2] =	sst s15  }
0x1d: {  	s29 =	simm.s32 $0x6;
	s18 =	sadd.s32 $0x12F000, s3;
	[smem:$0x7F3] =	sst s16  }
0x1e: {  	s30 =	simm.s32 $0x2880;
	s19 =	sadd.s32 $0x130000, s3;
	[smem:$0x7F5] =	sst s18  }
0x1f: {  	s31 =	simm.s32 $0x10;
	s20 =	sadd.s32 $0x131000, s3;
	[smem:$0x7F6] =	sst s19  }
0x20: {  	s10 =	sadd.s32 $0x12C000, s3;
	s22 =	sadd.s32 $0x133000, s3;
	[smem:$0x7F7] =	sst s20  }
0x21: {  	s17 =	simm.s32 $0x7;
	s23 =	sadd.s32 $0x134000, s3;
	[smem:$0x7F9] =	sst s22  }
0x22: {  	s1 =	sadd.s32 $0x16000, s1;
	s24 =	sadd.s32 $0x135000, s3;
	[smem:$0x7FA] =	sst s23  }
0x23: {  	s26 =	sadd.s32 $0x137000, s3;
	s9 =	simm.s32 $0x1;
	[smem:$0x7FB] =	sst s24  }
0x24: {  	s11 =	simm.s32 $0x3;
	s7 =	sadd.s32 $0xC200, s7;
	[smem:$0x7FD] =	sst s26  }
0x25: {  	s0 =	simm.s32 $0x0;
	s12 =	sadd.s32 $0x4E0, s14;
	[dreg:$0x4] =	wrdreg s7  }
0x26: {  	s6 =	sadd.s32 s1, s6;
	s21 =	sadd.s32 $0x132000, s3;
	[dreg:$0x9] =	wrdreg s12  }
0x27: {  	s18 =	simm.s32 $0x2780;
	s14 =	sadd.s32 $0x25800, s6;
	[smem:$0x7F8] =	sst s21  }
0x28: {  	s7 =	sshrl.u32 s25, $0x3;
	s25 =	sadd.s32 $0x9000, s8;
	[dreg:$0xb] =	wrdreg s14  }
0x29: {  	s19 =	simm.s32 $0x80;
	s6 =	sadd.s32 $0xC000, s8;
	[dreg:$0x16] =	wrdreg s25  }
0x2a: {  	s20 =	simm.s32 $0x2900;
	s12 =	sadd.s32 $0x10000, s8;
	[dreg:$0x19] =	wrdreg s6  }
0x2b: {  	s22 =	simm.s32 $0x5;
	s1 =	sadd.s32 s1, s7;
	[dreg:$0x1d] =	wrdreg s12  }
.Ltmp0:
0x2c: {  	s7 =	sadd.s32 $0xD000, s8;
	[dreg:$0xa] =	wrdreg s1;
	(pc) =	sbr.rel .LBB2_1-.Ltmp0, $4  }
0x2d: {  	s23 =	simm.s32 $0x4;
	s14 =	sadd.s32 $0x12000, s8;
	[dreg:$0x1a] =	wrdreg s7  }
0x2e: {  	s24 =	simm.s32 $0x2;
	s25 =	sadd.s32 $0x136000, s3;
	[dreg:$0x1f] =	wrdreg s14  }
0x2f: {  	s26 =	simm.s32 $0x2800;
	s1 =	sadd.s32 $0xB000, s8;
	[smem:$0x7FC] =	sst s25  }
0x30: {  	v0 =	vimm.f32 $0.0e+00;
	s21 =	simm.s32 $0xB100;
	s12 =	simm.s32 $0xA900;
	[dreg:$0x18] =	wrdreg s1  }
.LBB2_17:
0x31: {  	_ =	swait.ge [sflag:s23], $0x80  }
0x32: {  	[sflag:s23] =	ssyncset.done $0x0  }
0x33: {  	[sflag:s23] =	ssyncadd.s32 $0xFFFFFF80  }
0x34: {  	_ =	swait.ge [sflag:s24], $0x4000  }
0x35: {  	[sflag:s24] =	ssyncset.done $0x0  }
0x36: {  	[sflag:s24] =	ssyncadd.s32 $0xFFFFC000  }
0x37: {  	[spmem:s3] =	stream.indirect.scatter.add.f32 [tilespmem:s28], [sflag:$0x6], $0x80, s26, s19, $0xb8;
	[tilespmem:$0x1F980] =	vst v63  }
0x38: {  	_ =	swait.ge [sflag:s22], $0x4000  }
0x39: {  	[sflag:s22] =	ssyncset.done $0x0  }
0x3a: {  	[sflag:s22] =	ssyncadd.s32 $0xFFFFC000  }
0x3b: {  	_ =	swait.ge [sflag:s29], $0x4000  }
0x3c: {  	[sflag:s29] =	ssyncset.done $0x0  }
0x3d: {  	s13 =	rddreg [dreg:$0x9];
	[sflag:s29] =	ssyncadd.s32 $0xFFFFC000  }
0x3e: {  	[tilespmem:s30], [sflag:$0x7] =	stream.linear.gather [hbm4b:s13+s4], $0x10, $0x38;
	[tilespmem:$0x1F980] =	vst v63  }
0x3f: {  	_ =	swait.ge [sflag:s17], $0x10  }
0x40: {  	[sflag:s17] =	ssyncset.done $0x0  }
0x41: {  	s16 =	simm.s32 $0x2700;
	[sflag:s17] =	ssyncadd.s32 $0xFFFFFFF0  }
0x42: {  	[tilespmem:s12], [sflag:$0x1] =	stream.indirect.gather [hbm4b:s2+s31], $0x80, s16, s31, $0xb8;
	[tilespmem:$0x1F980] =	vst v63  }
0x43: {  	_ =	swait.ge [sflag:s9], $0x800  }
0x44: {  	[sflag:s9] =	ssyncset.done $0x0  }
0x45: {  	[sflag:s9] =	ssyncadd.s32 $0xFFFFF800  }
0x46: {  	[spmem:s3] =	stream.indirect.scatter.add.f32 [tilespmem:s12], [sflag:$0x7], $0x80, s30, s31, $0xb8;
	[tilespmem:$0x1F980] =	vst v63  }
0x47: {  	_ =	swait.ge [sflag:s17], $0x800  }
0x48: {  	[sflag:s17] =	ssyncset.done $0x0  }
0x49: {  	[sflag:s17] =	ssyncadd.s32 $0xFFFFF800  }
0x4a: {  	[bflag:$0x0] =	sbarrier.arrive $0xFFFF  }
0x4b: {  	s13 =	simm.s32 @p1 $0x1FC7;
	s14 =	rddreg [dreg:$0xb]  }
0x4c: {  	[hbm:s14], [sflag:s13] =	dma.local @p1 [spmem:s7], $0x1900  }
0x4d: {  	s7 =	simm.s32 @p1 $0x7  }
0x4e: {  	_ =	swait.ge @p1 [sflag:s7], $0x1900  }
0x4f: {  	[sflag:s7] =	ssyncset.done @p1 $0x0  }
0x50: {  	[sflag:s7] =	ssyncadd.s32 @p1 $0xFFFFE700;
	s7 =	rddreg [dreg:$0xa]  }
0x51: {  	[hbm:s7], [sflag:s6] =	dma.local @!p1 [spmem:s1], $0x2800  }
0x52: {  	s1 =	simm.s32 @!p1 $0x7  }
0x53: {  	_ =	swait.ge @!p1 [sflag:s1], $0x2800  }
0x54: {  	s0 =	sadd.s32 $0x1, s0;
	s25 =	rddreg [dreg:$0xc]  }
0x55: {  	p2 =	sne.s32 s0, s25  }
.Ltmp1:
0x56: {  	_ = 	snop;
	(pc) =	sbr.rel @!p2 .LBB2_18-.Ltmp1, $3  }
0x57: {  	_ =	sdelay $0x1  }
0x58: {  	[sflag:s1] =	ssyncset.done @!p1 $0x0  }
0x59: {  	[sflag:s1] =	ssyncadd.s32 @!p1 $0xFFFFD800  }
.LBB2_1:
0x5a: {  	s1 =	rddreg [dreg:$0x4]  }
0x5b: {  	[tilespmem:s4], [sflag:$0x7] =	stream.linear.gather [hbm4b:s1+s4], $0x2710, $0x38;
	[tilespmem:$0x1F980] =	vst v63  }
0x5c: {  	_ =	swait.ge [sflag:s17], $0x2710  }
.Ltmp2:
0x5d: {  	s1 =	stileid.u32;
	[sflag:s17] =	ssyncset.done $0x0;
	(pc) =	sbr.rel @!p0 .LBB2_2-.Ltmp2, $4  }
0x5e: {  	s6 =	sshll.u32 @!p1 s1, $0x6;
	s25 =	rddreg [dreg:$0x5];
	[sflag:s17] =	ssyncadd.s32 $0xFFFFD8F0  }
0x5f: {  	[tilespmem:s18], [sflag:$0x3] =	stream.linear.gather [hbm4b:s25+s4], $0x80, $0x38;
	[tilespmem:$0x1F980] =	vst v63  }
0x60: {  	s7 =	sshrl.u32 @p1 s10, $0x3;
	s1 =	sshrl.u32 @!p1 s8, $0x3;
	s6 =	sor.u32 @!p1 $0x1C07, s6  }
0x61: {  	[tilespmem:s20], [sflag:$0x1] =	stream.indirect.gather [hbm4b:s2+s19], $0x80, s4, s19, $0xb8;
	[tilespmem:$0x1F980] =	vst v63  }
0x62: {  	s13 =	sand.u32 $0x3E00, s4  }
0x63: {  	s14 =	sand.u32 $0x70, s4;
	s16 =	sshrl.u32 s13, $0x2  }
0x64: {  	s13 =	simm.s32 $0x40;
	s16 =	sor.u32 s14, s16;
	s14 =	simm.s32 $0x0  }
.LBB2_4:
0x65: {  	p2 =	sne.s32 s13, $0x3FC0  }
0x66: {  	[tilespmem:s16+$0xB100] =	vst v0;
	s14 =	sadd.s32 $0x10, s14;
	s16 =	smov.u32 s13;
	s13 =	sadd.s32 $0x40, s13  }
.Ltmp3:
0x67: {  	(pc) =	sbr.rel @p2 .LBB2_4-.Ltmp3, $4  }
0x68: {  	_ = 	snop  }
0x69: {  	s16 =	sand.u32 $0x3E00, s16  }
0x6a: {  	s25 =	sand.u32 $0x70, s14;
	s16 =	sshrl.u32 s16, $0x2  }
0x6b: {  	s16 =	sor.u32 s25, s16  }
.Ltmp4:
0x6c: {  	(pc) =	sbr.rel @!p1 .LBB2_6-.Ltmp4, $2  }
0x6d: {  	_ =	sdelay $0x2  }
0x6e: {  	[tilespmem:s16+$0xB100] =	vst v0  }
0x6f: {  	[spmem:s10] =	stream.linear.scatter [tilespmem:s21], [sflag:$0x7], $0x1000, $0x38;
	[tilespmem:$0x1F980] =	vst v63  }
0x70: {  	_ =	swait.ge [sflag:s17], $0x1000  }
0x71: {  	s13 =	sld [smem:$0x7F3]  }
0x72: {  	[sflag:s17] =	ssyncset.done $0x0  }
0x73: {  	[sflag:s17] =	ssyncadd.s32 $0xFFFFF000  }
0x74: {  	[spmem:s13] =	stream.linear.scatter [tilespmem:s21], [sflag:$0x7], $0x1000, $0x38;
	[tilespmem:$0x1F980] =	vst v63  }
0x75: {  	_ =	swait.ge [sflag:s17], $0x1000  }
0x76: {  	s15 =	sld [smem:$0x7F4]  }
0x77: {  	[sflag:s17] =	ssyncset.done $0x0  }
0x78: {  	[sflag:s17] =	ssyncadd.s32 $0xFFFFF000  }
0x79: {  	[spmem:s15] =	stream.linear.scatter [tilespmem:s21], [sflag:$0x7], $0x1000, $0x38;
	[tilespmem:$0x1F980] =	vst v63  }
0x7a: {  	_ =	swait.ge [sflag:s17], $0x1000  }
0x7b: {  	s16 =	sld [smem:$0x7F5]  }
0x7c: {  	[sflag:s17] =	ssyncset.done $0x0  }
0x7d: {  	[sflag:s17] =	ssyncadd.s32 $0xFFFFF000  }
0x7e: {  	[spmem:s16] =	stream.linear.scatter [tilespmem:s21], [sflag:$0x7], $0x1000, $0x38;
	[tilespmem:$0x1F980] =	vst v63  }
0x7f: {  	_ =	swait.ge [sflag:s17], $0x1000  }
0x80: {  	s25 =	sld [smem:$0x7F6]  }
0x81: {  	[sflag:s17] =	ssyncset.done $0x0  }
0x82: {  	[sflag:s17] =	ssyncadd.s32 $0xFFFFF000  }
0x83: {  	[spmem:s25] =	stream.linear.scatter [tilespmem:s21], [sflag:$0x7], $0x1000, $0x38;
	[tilespmem:$0x1F980] =	vst v63  }
0x84: {  	_ =	swait.ge [sflag:s17], $0x1000  }
0x85: {  	s14 =	sld [smem:$0x7F7]  }
0x86: {  	[sflag:s17] =	ssyncset.done $0x0  }
0x87: {  	[sflag:s17] =	ssyncadd.s32 $0xFFFFF000  }
0x88: {  	[spmem:s14] =	stream.linear.scatter [tilespmem:s21], [sflag:$0x7], $0x1000, $0x38;
	[tilespmem:$0x1F980] =	vst v63  }
0x89: {  	_ =	swait.ge [sflag:s17], $0x1000  }
0x8a: {  	s15 =	sld [smem:$0x7F8]  }
0x8b: {  	[sflag:s17] =	ssyncset.done $0x0  }
0x8c: {  	[sflag:s17] =	ssyncadd.s32 $0xFFFFF000  }
0x8d: {  	[spmem:s15] =	stream.linear.scatter [tilespmem:s21], [sflag:$0x7], $0x1000, $0x38;
	[tilespmem:$0x1F980] =	vst v63  }
0x8e: {  	_ =	swait.ge [sflag:s17], $0x1000  }
0x8f: {  	s16 =	sld [smem:$0x7F9]  }
0x90: {  	[sflag:s17] =	ssyncset.done $0x0  }
0x91: {  	[sflag:s17] =	ssyncadd.s32 $0xFFFFF000  }
0x92: {  	[spmem:s16] =	stream.linear.scatter [tilespmem:s21], [sflag:$0x7], $0x1000, $0x38;
	[tilespmem:$0x1F980] =	vst v63  }
0x93: {  	_ =	swait.ge [sflag:s17], $0x1000  }
0x94: {  	s25 =	sld [smem:$0x7FA]  }
0x95: {  	[sflag:s17] =	ssyncset.done $0x0  }
0x96: {  	[sflag:s17] =	ssyncadd.s32 $0xFFFFF000  }
0x97: {  	[spmem:s25] =	stream.linear.scatter [tilespmem:s21], [sflag:$0x7], $0x1000, $0x38;
	[tilespmem:$0x1F980] =	vst v63  }
0x98: {  	_ =	swait.ge [sflag:s17], $0x1000  }
0x99: {  	s14 =	sld [smem:$0x7FB]  }
0x9a: {  	[sflag:s17] =	ssyncset.done $0x0  }
0x9b: {  	[sflag:s17] =	ssyncadd.s32 $0xFFFFF000  }
0x9c: {  	[spmem:s14] =	stream.linear.scatter [tilespmem:s21], [sflag:$0x7], $0x1000, $0x38;
	[tilespmem:$0x1F980] =	vst v63  }
0x9d: {  	_ =	swait.ge [sflag:s17], $0x1000  }
0x9e: {  	s15 =	sld [smem:$0x7FC]  }
0x9f: {  	[sflag:s17] =	ssyncset.done $0x0  }
0xa0: {  	[sflag:s17] =	ssyncadd.s32 $0xFFFFF000  }
0xa1: {  	[spmem:s15] =	stream.linear.scatter [tilespmem:s21], [sflag:$0x7], $0x1000, $0x38;
	[tilespmem:$0x1F980] =	vst v63  }
0xa2: {  	_ =	swait.ge [sflag:s17], $0x1000  }
0xa3: {  	s16 =	sld [smem:$0x7FD]  }
0xa4: {  	[sflag:s17] =	ssyncset.done $0x0  }
0xa5: {  	[sflag:s17] =	ssyncadd.s32 $0xFFFFF000  }
0xa6: {  	[spmem:s16] =	stream.linear.scatter [tilespmem:s21], [sflag:$0x7], $0x1000, $0x38;
	[tilespmem:$0x1F980] =	vst v63  }
0xa7: {  	_ =	swait.ge [sflag:s17], $0x1000  }
0xa8: {  	[sflag:s17] =	ssyncset.done $0x0  }
.Ltmp5:
0xa9: {  	s25 =	rddreg [dreg:$0x8];
	[sflag:s17] =	ssyncadd.s32 $0xFFFFF000;
	(pc) =	sbr.rel .LBB2_8-.Ltmp5, $4  }
0xaa: {  	[spmem:s25] =	stream.linear.scatter [tilespmem:s21], [sflag:$0x7], $0x800, $0x38;
	[tilespmem:$0x1F980] =	vst v63  }
0xab: {  	_ =	swait.ge [sflag:s17], $0x800  }
0xac: {  	[sflag:s17] =	ssyncset.done $0x0  }
0xad: {  	[sflag:s17] =	ssyncadd.s32 $0xFFFFF800  }
.LBB2_2:
0xae: {  	s13 =	simm.s32 @p1 $0x1FC7;
	s14 =	rddreg [dreg:$0x7]  }
0xaf: {  	[spmem:s7], [sflag:s13] =	dma.local @p1 [hbm:s14], $0x1900  }
0xb0: {  	s13 =	simm.s32 @p1 $0x7  }
0xb1: {  	_ =	swait.ge @p1 [sflag:s13], $0x1900  }
0xb2: {  	[sflag:s13] =	ssyncset.done @p1 $0x0  }
0xb3: {  	[sflag:s13] =	ssyncadd.s32 @p1 $0xFFFFE700;
	s13 =	rddreg [dreg:$0x6]  }
0xb4: {  	[spmem:s1], [sflag:s6] =	dma.local @!p1 [hbm:s13], $0x2800  }
.Ltmp6:
0xb5: {  	_ = 	snop;
	(pc) =	sbr.rel .LBB2_8-.Ltmp6, $4  }
0xb6: {  	s13 =	simm.s32 @!p1 $0x7  }
0xb7: {  	_ =	swait.ge @!p1 [sflag:s13], $0x2800  }
0xb8: {  	[sflag:s13] =	ssyncset.done @!p1 $0x0  }
0xb9: {  	[sflag:s13] =	ssyncadd.s32 @!p1 $0xFFFFD800  }
.LBB2_6:
0xba: {  	[spmem:s8] =	stream.linear.scatter [tilespmem:s21], [sflag:$0x7], $0x1000, $0x38;
	[tilespmem:$0x1F980] =	vst v63  }
0xbb: {  	_ =	swait.ge [sflag:s17], $0x1000  }
0xbc: {  	[sflag:s17] =	ssyncset.done $0x0  }
0xbd: {  	s13 =	rddreg [dreg:$0xd];
	[sflag:s17] =	ssyncadd.s32 $0xFFFFF000  }
0xbe: {  	[spmem:s13] =	stream.linear.scatter [tilespmem:s21], [sflag:$0x7], $0x1000, $0x38;
	[tilespmem:$0x1F980] =	vst v63  }
0xbf: {  	_ =	swait.ge [sflag:s17], $0x1000  }
0xc0: {  	[sflag:s17] =	ssyncset.done $0x0  }
0xc1: {  	s16 =	rddreg [dreg:$0xe];
	[sflag:s17] =	ssyncadd.s32 $0xFFFFF000  }
0xc2: {  	[spmem:s16] =	stream.linear.scatter [tilespmem:s21], [sflag:$0x7], $0x1000, $0x38;
	[tilespmem:$0x1F980] =	vst v63  }
0xc3: {  	_ =	swait.ge [sflag:s17], $0x1000  }
0xc4: {  	[sflag:s17] =	ssyncset.done $0x0  }
0xc5: {  	s25 =	rddreg [dreg:$0xf];
	[sflag:s17] =	ssyncadd.s32 $0xFFFFF000  }
0xc6: {  	[spmem:s25] =	stream.linear.scatter [tilespmem:s21], [sflag:$0x7], $0x1000, $0x38;
	[tilespmem:$0x1F980] =	vst v63  }
0xc7: {  	_ =	swait.ge [sflag:s17], $0x1000  }
0xc8: {  	[sflag:s17] =	ssyncset.done $0x0  }
0xc9: {  	s14 =	rddreg [dreg:$0x10];
	[sflag:s17] =	ssyncadd.s32 $0xFFFFF000  }
0xca: {  	[spmem:s14] =	stream.linear.scatter [tilespmem:s21], [sflag:$0x7], $0x1000, $0x38;
	[tilespmem:$0x1F980] =	vst v63  }
0xcb: {  	_ =	swait.ge [sflag:s17], $0x1000  }
0xcc: {  	[sflag:s17] =	ssyncset.done $0x0  }
0xcd: {  	s15 =	rddreg [dreg:$0x11];
	[sflag:s17] =	ssyncadd.s32 $0xFFFFF000  }
0xce: {  	[spmem:s15] =	stream.linear.scatter [tilespmem:s21], [sflag:$0x7], $0x1000, $0x38;
	[tilespmem:$0x1F980] =	vst v63  }
0xcf: {  	_ =	swait.ge [sflag:s17], $0x1000  }
0xd0: {  	[sflag:s17] =	ssyncset.done $0x0  }
0xd1: {  	s16 =	rddreg [dreg:$0x12];
	[sflag:s17] =	ssyncadd.s32 $0xFFFFF000  }
0xd2: {  	[spmem:s16] =	stream.linear.scatter [tilespmem:s21], [sflag:$0x7], $0x1000, $0x38;
	[tilespmem:$0x1F980] =	vst v63  }
0xd3: {  	_ =	swait.ge [sflag:s17], $0x1000  }
0xd4: {  	[sflag:s17] =	ssyncset.done $0x0  }
0xd5: {  	s25 =	rddreg [dreg:$0x13];
	[sflag:s17] =	ssyncadd.s32 $0xFFFFF000  }
0xd6: {  	[spmem:s25] =	stream.linear.scatter [tilespmem:s21], [sflag:$0x7], $0x1000, $0x38;
	[tilespmem:$0x1F980] =	vst v63  }
0xd7: {  	_ =	swait.ge [sflag:s17], $0x1000  }
0xd8: {  	[sflag:s17] =	ssyncset.done $0x0  }
0xd9: {  	s14 =	rddreg [dreg:$0x14];
	[sflag:s17] =	ssyncadd.s32 $0xFFFFF000  }
0xda: {  	[spmem:s14] =	stream.linear.scatter [tilespmem:s21], [sflag:$0x7], $0x1000, $0x38;
	[tilespmem:$0x1F980] =	vst v63  }
0xdb: {  	_ =	swait.ge [sflag:s17], $0x1000  }
0xdc: {  	[sflag:s17] =	ssyncset.done $0x0  }
0xdd: {  	s15 =	rddreg [dreg:$0x16];
	[sflag:s17] =	ssyncadd.s32 $0xFFFFF000  }
0xde: {  	[spmem:s15] =	stream.linear.scatter [tilespmem:s21], [sflag:$0x7], $0x1000, $0x38;
	[tilespmem:$0x1F980] =	vst v63  }
0xdf: {  	_ =	swait.ge [sflag:s17], $0x1000  }
0xe0: {  	[sflag:s17] =	ssyncset.done $0x0  }
0xe1: {  	s16 =	rddreg [dreg:$0x17];
	[sflag:s17] =	ssyncadd.s32 $0xFFFFF000  }
0xe2: {  	[spmem:s16] =	stream.linear.scatter [tilespmem:s21], [sflag:$0x7], $0x1000, $0x38;
	[tilespmem:$0x1F980] =	vst v63  }
0xe3: {  	_ =	swait.ge [sflag:s17], $0x1000  }
0xe4: {  	[sflag:s17] =	ssyncset.done $0x0  }
0xe5: {  	s25 =	rddreg [dreg:$0x18];
	[sflag:s17] =	ssyncadd.s32 $0xFFFFF000  }
0xe6: {  	[spmem:s25] =	stream.linear.scatter [tilespmem:s21], [sflag:$0x7], $0x1000, $0x38;
	[tilespmem:$0x1F980] =	vst v63  }
0xe7: {  	_ =	swait.ge [sflag:s17], $0x1000  }
0xe8: {  	[sflag:s17] =	ssyncset.done $0x0  }
0xe9: {  	s14 =	rddreg [dreg:$0x19];
	[sflag:s17] =	ssyncadd.s32 $0xFFFFF000  }
0xea: {  	[spmem:s14] =	stream.linear.scatter [tilespmem:s21], [sflag:$0x7], $0x1000, $0x38;
	[tilespmem:$0x1F980] =	vst v63  }
0xeb: {  	_ =	swait.ge [sflag:s17], $0x1000  }
0xec: {  	[sflag:s17] =	ssyncset.done $0x0  }
0xed: {  	s15 =	rddreg [dreg:$0x1a];
	[sflag:s17] =	ssyncadd.s32 $0xFFFFF000  }
0xee: {  	[spmem:s15] =	stream.linear.scatter [tilespmem:s21], [sflag:$0x7], $0x1000, $0x38;
	[tilespmem:$0x1F980] =	vst v63  }
0xef: {  	_ =	swait.ge [sflag:s17], $0x1000  }
0xf0: {  	[sflag:s17] =	ssyncset.done $0x0  }
0xf1: {  	s16 =	rddreg [dreg:$0x1b];
	[sflag:s17] =	ssyncadd.s32 $0xFFFFF000  }
0xf2: {  	[spmem:s16] =	stream.linear.scatter [tilespmem:s21], [sflag:$0x7], $0x1000, $0x38;
	[tilespmem:$0x1F980] =	vst v63  }
0xf3: {  	_ =	swait.ge [sflag:s17], $0x1000  }
0xf4: {  	[sflag:s17] =	ssyncset.done $0x0  }
0xf5: {  	s25 =	rddreg [dreg:$0x1c];
	[sflag:s17] =	ssyncadd.s32 $0xFFFFF000  }
0xf6: {  	[spmem:s25] =	stream.linear.scatter [tilespmem:s21], [sflag:$0x7], $0x1000, $0x38;
	[tilespmem:$0x1F980] =	vst v63  }
0xf7: {  	_ =	swait.ge [sflag:s17], $0x1000  }
0xf8: {  	[sflag:s17] =	ssyncset.done $0x0  }
0xf9: {  	s14 =	rddreg [dreg:$0x1d];
	[sflag:s17] =	ssyncadd.s32 $0xFFFFF000  }
0xfa: {  	[spmem:s14] =	stream.linear.scatter [tilespmem:s21], [sflag:$0x7], $0x1000, $0x38;
	[tilespmem:$0x1F980] =	vst v63  }
0xfb: {  	_ =	swait.ge [sflag:s17], $0x1000  }
0xfc: {  	[sflag:s17] =	ssyncset.done $0x0  }
0xfd: {  	s15 =	rddreg [dreg:$0x1e];
	[sflag:s17] =	ssyncadd.s32 $0xFFFFF000  }
0xfe: {  	[spmem:s15] =	stream.linear.scatter [tilespmem:s21], [sflag:$0x7], $0x1000, $0x38;
	[tilespmem:$0x1F980] =	vst v63  }
0xff: {  	_ =	swait.ge [sflag:s17], $0x1000  }
0x100: {  	[sflag:s17] =	ssyncset.done $0x0  }
0x101: {  	s16 =	rddreg [dreg:$0x1f];
	[sflag:s17] =	ssyncadd.s32 $0xFFFFF000  }
0x102: {  	[spmem:s16] =	stream.linear.scatter [tilespmem:s21], [sflag:$0x7], $0x1000, $0x38;
	[tilespmem:$0x1F980] =	vst v63  }
0x103: {  	_ =	swait.ge [sflag:s17], $0x1000  }
0x104: {  	s25 =	sld [smem:$0x7F2]  }
0x105: {  	[sflag:s17] =	ssyncset.done $0x0  }
0x106: {  	[sflag:s17] =	ssyncadd.s32 $0xFFFFF000  }
0x107: {  	[spmem:s25] =	stream.linear.scatter [tilespmem:s21], [sflag:$0x7], $0x1000, $0x38;
	[tilespmem:$0x1F980] =	vst v63  }
0x108: {  	_ =	swait.ge [sflag:s17], $0x1000  }
0x109: {  	[sflag:s17] =	ssyncset.done $0x0  }
0x10a: {  	[sflag:s17] =	ssyncadd.s32 $0xFFFFF000  }
.LBB2_8:
.Ltmp7:
0x10b: {  	(pc) =	sbr.rel .LBB2_9-.Ltmp7, $3  }
0x10c: {  	_ =	sdelay $0x1  }
0x10d: {  	[bflag:$0x0] =	sbarrier.arrive $0xFFFF  }
0x10e: {  	s13 =	simm.s32 $0x0;
	s14 =	simm.s32 $0x80;
	s25 =	rddreg [dreg:$0x15]  }
.LBB2_15:
0x10f: {  	_ =	swait.ge [sflag:s22], $0x4000  }
0x110: {  	s15 =	sshrl.u32 s25, $0x3;
	[sflag:s22] =	ssyncset.done $0x0  }
0x111: {  	s15 =	sadd.s32 s5, s15;
	[sflag:s22] =	ssyncadd.s32 $0xFFFFC000  }
0x112: {  	[tilespmem:s18], [sflag:$0x3] =	stream.linear.gather [hbm4b:s15+s4], $0x80, $0x38;
	[tilespmem:$0x1F980] =	vst v63  }
0x113: {  	_ = 	snop  }
0x114: {  	[tilespmem:s20], [sflag:$0x1] =	stream.indirect.gather [hbm4b:s2+s19], $0x80, s14, s19, $0xb8;
	[tilespmem:$0x1F980] =	vst v63  }
0x115: {  	_ =	swait.ge [sflag:s23], $0x80  }
0x116: {  	[sflag:s23] =	ssyncset.done $0x0  }
0x117: {  	[sflag:s23] =	ssyncadd.s32 $0xFFFFFF80  }
0x118: {  	_ =	swait.ge [sflag:s24], $0x4000  }
0x119: {  	[sflag:s24] =	ssyncset.done $0x0  }
0x11a: {  	[sflag:s24] =	ssyncadd.s32 $0xFFFFC000  }
0x11b: {  	[spmem:s3] =	stream.indirect.scatter.add.f32 [tilespmem:s28], [sflag:$0x6], $0x80, s26, s19, $0xb8;
	[tilespmem:$0x1F980] =	vst v63  }
.LBB2_16:
0x11c: {  	s13 =	sadd.s32 $0x1, s13  }
0x11d: {  	p2 =	sne.s32 s13, $0x4D  }
.Ltmp8:
0x11e: {  	_ = 	snop;
	(pc) =	sbr.rel @!p2 .LBB2_17-.Ltmp8, $2  }
0x11f: {  	_ =	sdelay $0x2  }
0x120: {  	s25 =	sadd.s32 $0x80, s25;
	s14 =	sadd.s32 $0x80, s14  }
.LBB2_9:
0x121: {  	s16 =	sand.u32 $0x1, s13  }
0x122: {  	p2 =	seq.s32 s16, $0x1  }
.Ltmp9:
0x123: {  	_ = 	snop;
	(pc) =	sbr.rel @p2 .LBB2_15-.Ltmp9, $1  }
0x124: {  	_ =	sdelay $0x3  }
0x125: {  	p2 =	seq.s32 s13, $0x0  }
.Ltmp10:
0x126: {  	_ = 	snop;
	(pc) =	sbr.rel @p2 .LBB2_13-.Ltmp10, $1  }
0x127: {  	_ =	sdelay $0x3  }
0x128: {  	p2 =	seq.s32 s13, $0x4D  }
.Ltmp11:
0x129: {  	_ = 	snop;
	(pc) =	sbr.rel @p2 .LBB2_14-.Ltmp11, $1  }
0x12a: {  	_ =	sdelay $0x3  }
0x12b: {  	_ =	swait.ge [sflag:s29], $0x4000  }
0x12c: {  	[sflag:s29] =	ssyncset.done $0x0  }
0x12d: {  	[sflag:s29] =	ssyncadd.s32 $0xFFFFC000  }
.LBB2_13:
0x12e: {  	s15 =	sshrl.u32 s25, $0x3  }
0x12f: {  	s15 =	sadd.s32 s5, s15  }
0x130: {  	[tilespmem:s26], [sflag:$0x4] =	stream.linear.gather [hbm4b:s15+s4], $0x80, $0x38;
	[tilespmem:$0x1F980] =	vst v63  }
0x131: {  	_ = 	snop  }
0x132: {  	[tilespmem:s28], [sflag:$0x2] =	stream.indirect.gather [hbm4b:s2+s19], $0x80, s14, s19, $0xb8;
	[tilespmem:$0x1F980] =	vst v63  }
.LBB2_14:
0x133: {  	_ =	swait.ge [sflag:s11], $0x80  }
0x134: {  	p2 =	seq.s32 s16, $0x0;
	[sflag:s11] =	ssyncset.done $0x0  }
.Ltmp12:
0x135: {  	[sflag:s11] =	ssyncadd.s32 $0xFFFFFF80;
	(pc) =	sbr.rel @p2 .LBB2_16-.Ltmp12, $4  }
.Ltmp13:
0x136: {  	_ =	swait.ge [sflag:s9], $0x4000;
	(pc) =	sbr.rel @!p2 .LBB2_15-.Ltmp13, $4  }
0x137: {  	[sflag:s9] =	ssyncset.done $0x0  }
0x138: {  	[sflag:s9] =	ssyncadd.s32 $0xFFFFC000  }
0x139: {  	[spmem:s3] =	stream.indirect.scatter.add.f32 [tilespmem:s20], [sflag:$0x5], $0x80, s18, s19, $0xb8;
	[tilespmem:$0x1F980] =	vst v63  }
0x13a: {  	_ = 	snop  }
.LBB2_18:
0x13b: {  	_ =	sfence.sel $0x180000  }
0x13c: {  	[bflag:$0x0] =	sbarrier.arrive $0xFFFF  }
0x13d: {  	_ =	strace $0x9000004A  }
0x13e: {  	s0 =	stileid.u32;
	[bflag:$0x2] =	sbarrier.arrive $0xFFFF  }
0x13f: {  	p0 =	sne.s32 s0, $0x0;
	s0 =	rddreg [dreg:$0x3]  }
0x140: {  	s0 =	sadd.s32 @!p0 $0x100000, s0  }
0x141: {  	[sflag:s0] =	ssyncadd.tile.s32 @!p0 $0x1;
	_ =	shalt  }
.Lfunc_end2:
_tile_overlayer_lowered:
.L_overlay_start_2:
0x142: {  	(tag) =	ssettag $0x2  }
0x143: {  	s0 =	rddreg [dreg:$0x0];
	s2 =	stileid.u32  }
0x144: {  	s1 =	rddreg [dreg:$0x1];
	p0 =	sne.s32 s2, $0x0  }
0x145: {  	s3 =	rddreg [dreg:$0x2];
	[bflag:$0x3] =	sbarrier.arrive $0xFFFF;
	s2 =	simm.s32 @!p0 $0x1C07  }
0x146: {  	[timem:s3], [sflag:s2] =	dma.local @!p0 [hbm:s0], s1  }
0x147: {  	s0 =	simm.s32 @!p0 $0x7  }
0x148: {  	_ =	swait.ge @!p0 [sflag:s0], s1  }
0x149: {  	s1 =	ssub.s32 @!p0 $0x0, s1;
	[sflag:s0] =	ssyncset.done @!p0 $0x0  }
0x14a: {  	[sflag:s0] =	ssyncadd.s32 @!p0 s1  }
0x14b: {  	[bflag:$0x3] =	sbarrier.arrive $0xFFFF  }
0x14c: {  	_ =	shalt  }

// kernel: kernel.15.cloned.1.call-start
scs
__scs_entry_jumppad:
0x0: {  	(pc) =	sbr.rel $0x88, $3  }
0x1: {  	(tag) =	ssettag $0x0;
	lr =	simm.s32 $0x1  }
0x2: {  	[smem:$0x3F9D] =	sst lr;
	_ =	strace $0xD0000000  }
0x3: {  	_ = 	snop  }
0x4: {  	_ = 	snop  }
0x5: {  	_ = 	snop  }
0x6: {  	_ = 	snop  }
0x7: {  	_ = 	snop  }
__scs_overlays_trampoline_lowered:
0x8: {  	[smem:$0x3FAC] =	sst s0  }
0x9: {  	[smem:$0x3FAD] =	sst s1  }
0xa: {  	[smem:$0x3FAE] =	sst s2  }
0xb: {  	[smem:$0x3FAF] =	sst s3  }
0xc: {  	[smem:$0x3FB0] =	sst s4  }
0xd: {  	[smem:$0x3FB1] =	sst s5  }
0xe: {  	[smem:$0x3FB2] =	sst s6  }
0xf: {  	[smem:$0x3FB3] =	sst s7  }
0x10: {  	[smem:$0x3FB4] =	sst s8  }
0x11: {  	[smem:$0x3FB5] =	sst s9;
	s0 =	simm.s32 @!p0 $0x0  }
0x12: {  	s1 =	sld [smem:$0x3F9B];
	s0 =	simm.s32 @p0 $0x1  }
0x13: {  	[smem:$0x3FB6] =	sst s0;
	s0 =	simm.s32 @!p1 $0x0  }
0x14: {  	s2 =	sld [smem:$0x3F9A];
	s0 =	simm.s32 @p1 $0x1  }
0x15: {  	[smem:$0x3FB7] =	sst s0;
	s0 =	simm.s32 @!p2 $0x0  }
0x16: {  	s3 =	sld [smem:$0x3FDB];
	s0 =	simm.s32 @p2 $0x1  }
0x17: {  	s4 =	simm.s32 $0x1BF5;
	[smem:$0x3FB9] =	sst s0  }
0x18: {  	s0 =	sld [smem:$0x3F9C];
	_ =	swait.ge [sflag:s4], $0x0  }
0x19: {  	s7 =	sld [smem:$0x3F9D]  }
0x1a: {  	s8 =	sadd.s32 $0xFFFFE003, lr  }
0x1b: {  	s9 =	sadd.s32 $0xFFFFFEF7, lr;
	s5 =	simm.s32 $0xFFFFFFFF;
	p2 =	slt.u32 s8, $0xFFFFF086  }
0x1c: {  	p1 =	slt.u32 s9, $0xF7A;
	s5 =	simm.s32 @!p2 $0x0  }
0x1d: {  	s5 =	simm.s32 @p1 $0x1;
	p0 =	seq.s32 s7, s2  }
0x1e: {  	s7 =	smul.u32 @!p0 $0xF7A, s2;
	p2 =	seq.s32 @!p0 s5, $0x0  }
0x1f: {  	s9 =	smul.u32 $0xF7A, s1;
	s8 =	simm.s32 @!p0 $0x1BF5;
	p2 =	por !p2, p0  }
0x20: {  	[sflag:s8] =	ssyncset.s32 @!p0 $0xFFFFF086;
	s6 =	sadd.s32 @!p0 s3, s7;
	s7 =	simm.s32 @!p0 $0x108  }
0x21: {  	s3 =	sadd.s32 s3, s9;
	s6 =	sadd.s32 @!p0 $0x88, s6;
	s7 =	simm.s32 @p2 $0x1082  }
0x22: {  	[simem:s7], [sflag:s8] =	dma.local @!p0 [hbm:s6], $0xF7A  }
0x23: {  	s9 =	sor.u32 $0xD0000000, s2;
	s6 =	simm.s32 $0x108;
	_ =	swait.ge @!p0 [sflag:s8], $0x0  }
0x24: {  	s3 =	sadd.s32 $0x88, s3;
	s6 =	simm.s32 @!p1 $0x1082;
	[sflag:s4] =	ssyncset.s32 $0xFFFFF086  }
0x25: {  	[simem:s6], [sflag:s4] =	dma.local [hbm:s3], $0xF7A  }
0x26: {  	[smem:$0x3F9D] =	sst s1;
	(tag) =	ssettag s2;
	_ =	strace s9  }
0x27: {  	s1 =	sld [smem:$0x3FAD]  }
0x28: {  	s2 =	sld [smem:$0x3FAE]  }
0x29: {  	s4 =	sld [smem:$0x3FB0]  }
0x2a: {  	p0 =	seq.s32 s5, $0x0;
	s5 =	sld [smem:$0x3FB1]  }
0x2b: {  	s6 =	sld [smem:$0x3FB2]  }
0x2c: {  	s7 =	sld [smem:$0x3FB3]  }
0x2d: {  	s3 =	simm.s32 $0x108;
	s8 =	sld [smem:$0x3FB4]  }
0x2e: {  	s3 =	simm.s32 @!p0 $0x1082;
	s9 =	sld [smem:$0x3FB5]  }
0x2f: {  	lr =	sadd.s32 s0, s3;
	s0 =	sld [smem:$0x3FAC]  }
0x30: {  	s3 =	sld [smem:$0x3FAF]  }
0x31: {  	[smem:$0x3FB8] =	sst s10  }
0x32: {  	s10 =	sld [smem:$0x3FB6];
	_ =	sdelay $0x3  }
0x33: {  	p0 =	seq.s32 s10, $0x1;
	s10 =	sld [smem:$0x3FB8];
	_ =	sdelay $0x3  }
0x34: {  	[smem:$0x3FB8] =	sst s10  }
0x35: {  	s10 =	sld [smem:$0x3FB7];
	_ =	sdelay $0x3  }
0x36: {  	p1 =	seq.s32 s10, $0x1;
	s10 =	sld [smem:$0x3FB8];
	_ =	sdelay $0x3  }
0x37: {  	[smem:$0x3FB8] =	sst s10  }
0x38: {  	s10 =	sld [smem:$0x3FB9]  }
0x39: {  	_ = 	snop;
	(pc) =	sbr.ind lr, $3  }
0x3a: {  	_ = 	snop  }
0x3b: {  	_ = 	snop  }
0x3c: {  	p2 =	seq.s32 s10, $0x1;
	s10 =	sld [smem:$0x3FB8]  }
0x3d: {  	_ =	shalt  }
0x3e: {  	_ =	shalt  }
0x3f: {  	_ =	shalt  }
0x40: {  	_ =	shalt  }
0x41: {  	_ =	shalt  }
0x42: {  	_ =	shalt  }
0x43: {  	_ =	shalt  }
0x44: {  	_ =	shalt  }
0x45: {  	_ =	shalt  }
0x46: {  	_ =	shalt  }
0x47: {  	_ =	shalt  }
0x48: {  	_ =	shalt  }
0x49: {  	_ =	shalt  }
0x4a: {  	_ =	shalt  }
0x4b: {  	_ =	shalt  }
0x4c: {  	_ =	shalt  }
0x4d: {  	_ =	shalt  }
0x4e: {  	_ =	shalt  }
0x4f: {  	_ =	shalt  }
0x50: {  	_ =	shalt  }
0x51: {  	_ =	shalt  }
0x52: {  	_ =	shalt  }
0x53: {  	_ =	shalt  }
0x54: {  	_ =	shalt  }
0x55: {  	_ =	shalt  }
0x56: {  	_ =	shalt  }
0x57: {  	_ =	shalt  }
0x58: {  	_ =	shalt  }
0x59: {  	_ =	shalt  }
0x5a: {  	_ =	shalt  }
0x5b: {  	_ =	shalt  }
0x5c: {  	_ =	shalt  }
0x5d: {  	_ =	shalt  }
0x5e: {  	_ =	shalt  }
0x5f: {  	_ =	shalt  }
0x60: {  	_ =	shalt  }
0x61: {  	_ =	shalt  }
0x62: {  	_ =	shalt  }
0x63: {  	_ =	shalt  }
0x64: {  	_ =	shalt  }
0x65: {  	_ =	shalt  }
0x66: {  	_ =	shalt  }
0x67: {  	_ =	shalt  }
0x68: {  	_ =	shalt  }
0x69: {  	_ =	shalt  }
0x6a: {  	_ =	shalt  }
0x6b: {  	_ =	shalt  }
0x6c: {  	_ =	shalt  }
0x6d: {  	_ =	shalt  }
0x6e: {  	_ =	shalt  }
0x6f: {  	_ =	shalt  }
0x70: {  	_ =	shalt  }
0x71: {  	_ =	shalt  }
0x72: {  	_ =	shalt  }
0x73: {  	_ =	shalt  }
0x74: {  	_ =	shalt  }
0x75: {  	_ =	shalt  }
0x76: {  	_ =	shalt  }
0x77: {  	_ =	shalt  }
0x78: {  	_ =	shalt  }
0x79: {  	_ =	shalt  }
0x7a: {  	_ =	shalt  }
0x7b: {  	_ =	shalt  }
0x7c: {  	_ =	shalt  }
0x7d: {  	_ =	shalt  }
0x7e: {  	_ =	shalt  }
0x7f: {  	_ =	shalt  }
0x80: {  	_ =	shalt  }
0x81: {  	_ =	shalt  }
0x82: {  	_ =	shalt  }
0x83: {  	_ =	shalt  }
0x84: {  	_ =	shalt  }
0x85: {  	_ =	shalt  }
0x86: {  	_ =	shalt  }
0x87: {  	_ =	shalt  }
.Lfunc_end0:
.L_simem_size_0:
called_computation.2_lowered:
.L_overlay_start_0:
0x88: {  	s2 =	sld [smem:$0x3FD9]  }
0x89: {  	s3 =	sld [smem:$0x3FFE];
	_ =	sdelay $0x1  }
0x8a: {  	s1 =	srdreg.scid  }
0x8b: {  	s0 =	sand.u32 $0x1, s1  }
0x8c: {  	s17 =	sshll.u32 s0, $0xA;
	s2 =	sadd.s32 s3, s2  }
0x8d: {  	s2 =	sadd.s32 s2, s17  }
0x8e: {  	[smem:$0x3FC4] =	sst s2  }
0x8f: {  	_ = 	snop  }
0x90: {  	s2 =	sld [smem:$0x3FD0];
	(tm) =	ssettm $0x1  }
0x91: {  	s18 =	sld [smem:$0x3FFB];
	_ =	sdelay $0x3  }
0x92: {  	_ =	strace s18  }
0x93: {  	s3 =	sld [smem:$0x3FFC];
	_ =	sdelay $0x3  }
0x94: {  	_ =	strace s3  }
0x95: {  	s3 =	sld [smem:$0x3FFD];
	_ =	sdelay $0x3  }
0x96: {  	_ =	strace s3  }
0x97: {  	_ =	strace $0x8FFFFFFF  }
0x98: {  	s19 =	sld [smem:$0x3FDB];
	_ =	sdelay $0x1  }
0x99: {  	s4 =	simm.s32 $_scs_section_size  }
0x9a: {  	s5 =	simm.s32 $_size__tile_overlayer_lowered;
	s6 =	simm.s32 $_tile_overlayer_lowered  }
0x9b: {  	s22 =	simm.s32 $0x1BFF;
	s21 =	sshll.u32 s6, $0x1;
	s3 =	sadd.s32 s4, s19  }
0x9c: {  	s7 =	simm.s32 $0x0;
	s20 =	sshll.u32 s5, $0x1;
	s5 =	sadd.s32 s21, s3  }
0x9d: {  	[timem:s7], [sflag:s22] =	dma.local [hbm:s5], s20  }
0x9e: {  	_ =	swait.ge [sflag:s22], s20  }
0x9f: {  	s4 =	ssub.s32 $0x0, s20;
	[sflag:s22] =	ssyncset.done $0x0  }
0xa0: {  	[sflag:s22] =	ssyncadd.s32 s4;
	_ =	sdelay $0x1  }
0xa1: {  	s23 =	simm.s32 $0x1B8B  }
0xa2: {  	_ =	swait.ge [sflag:s23], $0x1  }
0xa3: {  	[sflag:s23] =	ssyncset.done $0x0  }
0xa4: {  	s25 =	simm.s32 $0x1B8E;
	s24 =	sld [smem:$0x3FFE];
	[sflag:s23] =	ssyncadd.s32 $0xFFFFFFFF  }
0xa5: {  	s26 =	simm.s32 $execute0_lowered;
	[smem:$0x3FD2] =	sst s25  }
0xa6: {  	s5 =	sshll.u32 s26, $0x1;
	_ =	strace $0x8000004C;
	[dreg:$0x1] =	wrdreg $0xFFFFFFFF  }
0xa7: {  	s28 =	simm.s32 $_size_execute0_lowered;
	s3 =	sadd.s32 s3, s5;
	[dreg:$0x0] =	wrdreg $0x0  }
0xa8: {  	s5 =	sshll.u32 s28, $0x1;
	[dreg:$0x2] =	wrdreg s3  }
0xa9: {  	[dreg:$0x3] =	wrdreg s5  }
0xaa: {  	[dreg:$0x4] =	wrdreg $0xC0  }
0xab: {  	_ =	task [dreg:s7], $0x5FFFF  }
0xac: {  	[dreg:$0x1] =	wrdreg $0xFFFFFFFF  }
0xad: {  	[dreg:$0x0] =	wrdreg $0x60  }
0xae: {  	[dreg:$0x2] =	wrdreg s24  }
0xaf: {  	[dreg:$0x3] =	wrdreg s2  }
0xb0: {  	[dreg:$0x4] =	wrdreg $0xC1000  }
0xb1: {  	[dreg:$0x5] =	wrdreg $0x9  }
0xb2: {  	_ =	task.clear_ibuf [dreg:s7], $0x6FFFF;
	_ =	strace $0x9000004C  }
0xb3: {  	s29 =	simm.s32 $0x9;
	_ =	strace $0x8000004E  }
0xb4: {  	_ =	swait.ge [sflag:s29], $0x1  }
0xb5: {  	[sflag:s29] =	ssyncadd.s32 $0xFFFFFFFF  }
0xb6: {  	_ =	strace $0x9000004E  }
0xb7: {  	_ =	sfence  }
0xb8: {  	s30 =	sld [smem:$0x0];
	_ =	sdelay $0x2  }
0xb9: {  	s31 =	sshll.u32 s1, $0xD;
	s1 =	sshrl.u32 s1, $0x2  }
0xba: {  	s3 =	sand.u32 $0x4000, s31;
	s1 =	sadd.s32 s1, s30  }
0xbb: {  	s0 =	sor.u32 s3, s0;
	s1 =	sshll.u32 s1, $0x11  }
0xbc: {  	s0 =	sor.u32 s1, s0  }
0xbd: {  	s0 =	sadd.s32 $0x8F2B, s0  }
0xbe: {  	[sflag:s0] =	ssyncadd.remote.s32 $0x1  }
0xbf: {  	_ =	sfence.sel $0xFFFF  }
0xc0: {  	[dreg:$0x0] =	wrdreg $0xFFFFFFFF;
	(pc) =	sbr.abs _section_cstart, $3  }
0xc1: {  	[dreg:$0x1] =	wrdreg $0xFFFFFFFF  }
0xc2: {  	_ =	task.clear_ibuf [dreg:s7], $0x2FFFF;
	_ =	strace $0x9FFFFFFF  }
0xc3: {  	(tm) =	ssettm $0x7FFFFFFF  }
tec
execute0_lowered:
.L_overlay_start_1:
0x0: {  	(tag) =	ssettag $0x1  }
0x1: {  	s0 =	srdreg.scid;
	s13 =	stileid.u32  }
0x2: {  	s1 =	rddreg [dreg:$0x0];
	s10 =	smul.u32 $0x50000, s13  }
0x3: {  	s2 =	rddreg [dreg:$0x1];
	s11 =	smul.u32 $0x2800, s13  }
0x4: {  	s0 =	sand.u32 $0x1, s0;
	s3 =	sshll.u32 s13, $0x1;
	s17 =	smul.u32 $0x4E20, s13  }
0x5: {  	s24 =	sadd.s32 $0x25800, s2;
	s4 =	sor.u32 s0, s3;
	s21 =	smul.u32 $0x138800, s0  }
0x6: {  	s8 =	ssub.s32 $0x2, s0;
	p0 =	seq.s32 s0, $0x1;
	s0 =	smul.u32 $0x2710, s0  }
0x7: {  	s3 =	rddreg [dreg:$0x2];
	s5 =	smul.u32 $0x2710, s4;
	s4 =	simm.s32 $0x0  }
0x8: {  	s9 =	sshrl.u32 s8, $0x1;
	s23 =	sadd.s32 s2, s11;
	[smem:$0x7FF] =	sst s4  }
0x9: {  	s22 =	sshrl.u32 s10, $0x2;
	_ =	strace $0x8000004D;
	[dreg:$0x6] =	wrdreg s23  }
0xa: {  	s26 =	sadd.s32 $0x138000, s3;
	s9 =	ssub.s32 s8, s9;
	[dreg:$0x7] =	wrdreg s24  }
0xb: {  	s0 =	sadd.s32 s0, s17;
	s17 =	sadd.s32 $0x12E000, s3;
	[dreg:$0x8] =	wrdreg s26  }
0xc: {  	s8 =	sadd.s32 s22, s3;
	s15 =	smax.u32 s9, $0x1;
	[smem:$0x7F4] =	sst s17  }
0xd: {  	s16 =	sadd.s32 $0x1000, s8;
	[dreg:$0xc] =	wrdreg s15  }
0xe: {  	s18 =	sadd.s32 $0x2000, s8;
	[dreg:$0xd] =	wrdreg s16  }
0xf: {  	s19 =	sadd.s32 $0x3000, s8;
	[dreg:$0xe] =	wrdreg s18  }
0x10: {  	s20 =	sadd.s32 $0x4000, s8;
	[dreg:$0xf] =	wrdreg s19  }
0x11: {  	s22 =	sadd.s32 $0x6000, s8;
	[dreg:$0x10] =	wrdreg s20  }
0x12: {  	s23 =	sadd.s32 $0x7000, s8;
	[dreg:$0x12] =	wrdreg s22  }
0x13: {  	s24 =	sadd.s32 $0x8000, s8;
	[dreg:$0x13] =	wrdreg s23  }
0x14: {  	s12 =	smul.u32 $0x14000, s13;
	s0 =	sadd.s32 $0x80, s0;
	[dreg:$0x14] =	wrdreg s24  }
0x15: {  	p1 =	seq.s32 s13, $0xF;
	s26 =	sadd.s32 $0xA000, s8;
	[dreg:$0x15] =	wrdreg s0  }
0x16: {  	s25 =	sadd.s32 s12, s21;
	s9 =	sadd.s32 $0xE000, s8;
	[dreg:$0x17] =	wrdreg s26  }
0x17: {  	s6 =	sshrl.u32 s5, $0x3;
	s11 =	sadd.s32 $0xF000, s8;
	[dreg:$0x1b] =	wrdreg s9  }
0x18: {  	s5 =	sadd.s32 $0x2400, s1;
	s13 =	sadd.s32 $0x11000, s8;
	[dreg:$0x1c] =	wrdreg s11  }
0x19: {  	s7 =	sadd.s32 s6, s1;
	s14 =	sadd.s32 s5, s6;
	[dreg:$0x1e] =	wrdreg s13  }
0x1a: {  	s6 =	sshrl.u32 s21, $0x3;
	s21 =	sadd.s32 $0x5000, s8;
	[dreg:$0x5] =	wrdreg s14  }
0x1b: {  	s15 =	sadd.s32 $0x13000, s8;
	[dreg:$0x11] =	wrdreg s21  }
0x1c: {  	s28 =	simm.s32 $0x6900;
	s16 =	sadd.s32 $0x12D000, s3;
	[smem:$0x7F2] =	sst s15  }
0x1d: {  	s29 =	simm.s32 $0x6;
	s18 =	sadd.s32 $0x12F000, s3;
	[smem:$0x7F3] =	sst s16  }
0x1e: {  	s30 =	simm.s32 $0x2880;
	s19 =	sadd.s32 $0x130000, s3;
	[smem:$0x7F5] =	sst s18  }
0x1f: {  	s31 =	simm.s32 $0x10;
	s20 =	sadd.s32 $0x131000, s3;
	[smem:$0x7F6] =	sst s19  }
0x20: {  	s10 =	sadd.s32 $0x12C000, s3;
	s22 =	sadd.s32 $0x133000, s3;
	[smem:$0x7F7] =	sst s20  }
0x21: {  	s17 =	simm.s32 $0x7;
	s23 =	sadd.s32 $0x134000, s3;
	[smem:$0x7F9] =	sst s22  }
0x22: {  	s1 =	sadd.s32 $0x16000, s1;
	s24 =	sadd.s32 $0x135000, s3;
	[smem:$0x7FA] =	sst s23  }
0x23: {  	s26 =	sadd.s32 $0x137000, s3;
	s9 =	simm.s32 $0x1;
	[smem:$0x7FB] =	sst s24  }
0x24: {  	s11 =	simm.s32 $0x3;
	s7 =	sadd.s32 $0xC200, s7;
	[smem:$0x7FD] =	sst s26  }
0x25: {  	s0 =	simm.s32 $0x0;
	s12 =	sadd.s32 $0x4E0, s14;
	[dreg:$0x4] =	wrdreg s7  }
0x26: {  	s6 =	sadd.s32 s1, s6;
	s21 =	sadd.s32 $0x132000, s3;
	[dreg:$0x9] =	wrdreg s12  }
0x27: {  	s18 =	simm.s32 $0x2780;
	s14 =	sadd.s32 $0x25800, s6;
	[smem:$0x7F8] =	sst s21  }
0x28: {  	s7 =	sshrl.u32 s25, $0x3;
	s25 =	sadd.s32 $0x9000, s8;
	[dreg:$0xb] =	wrdreg s14  }
0x29: {  	s19 =	simm.s32 $0x80;
	s6 =	sadd.s32 $0xC000, s8;
	[dreg:$0x16] =	wrdreg s25  }
0x2a: {  	s20 =	simm.s32 $0x2900;
	s12 =	sadd.s32 $0x10000, s8;
	[dreg:$0x19] =	wrdreg s6  }
0x2b: {  	s22 =	simm.s32 $0x5;
	s1 =	sadd.s32 s1, s7;
	[dreg:$0x1d] =	wrdreg s12  }
.Ltmp0:
0x2c: {  	s7 =	sadd.s32 $0xD000, s8;
	[dreg:$0xa] =	wrdreg s1;
	(pc) =	sbr.rel .LBB2_1-.Ltmp0, $4  }
0x2d: {  	s23 =	simm.s32 $0x4;
	s14 =	sadd.s32 $0x12000, s8;
	[dreg:$0x1a] =	wrdreg s7  }
0x2e: {  	s24 =	simm.s32 $0x2;
	s25 =	sadd.s32 $0x136000, s3;
	[dreg:$0x1f] =	wrdreg s14  }
0x2f: {  	s26 =	simm.s32 $0x2800;
	s1 =	sadd.s32 $0xB000, s8;
	[smem:$0x7FC] =	sst s25  }
0x30: {  	v0 =	vimm.f32 $0.0e+00;
	s21 =	simm.s32 $0xB100;
	s12 =	simm.s32 $0xA900;
	[dreg:$0x18] =	wrdreg s1  }
.LBB2_17:
0x31: {  	_ =	swait.ge [sflag:s23], $0x80  }
0x32: {  	[sflag:s23] =	ssyncset.done $0x0  }
0x33: {  	[sflag:s23] =	ssyncadd.s32 $0xFFFFFF80  }
0x34: {  	_ =	swait.ge [sflag:s24], $0x4000  }
0x35: {  	[sflag:s24] =	ssyncset.done $0x0  }
0x36: {  	[sflag:s24] =	ssyncadd.s32 $0xFFFFC000  }
0x37: {  	[spmem:s3] =	stream.indirect.scatter.add.f32 [tilespmem:s28], [sflag:$0x6], $0x80, s26, s19, $0xb8;
	[tilespmem:$0x1F980] =	vst v63  }
0x38: {  	_ =	swait.ge [sflag:s22], $0x4000  }
0x39: {  	[sflag:s22] =	ssyncset.done $0x0  }
0x3a: {  	[sflag:s22] =	ssyncadd.s32 $0xFFFFC000  }
0x3b: {  	_ =	swait.ge [sflag:s29], $0x4000  }
0x3c: {  	[sflag:s29] =	ssyncset.done $0x0  }
0x3d: {  	s13 =	rddreg [dreg:$0x9];
	[sflag:s29] =	ssyncadd.s32 $0xFFFFC000  }
0x3e: {  	[tilespmem:s30], [sflag:$0x7] =	stream.linear.gather [hbm4b:s13+s4], $0x10, $0x38;
	[tilespmem:$0x1F980] =	vst v63  }
0x3f: {  	_ =	swait.ge [sflag:s17], $0x10  }
0x40: {  	[sflag:s17] =	ssyncset.done $0x0  }
0x41: {  	s16 =	simm.s32 $0x2700;
	[sflag:s17] =	ssyncadd.s32 $0xFFFFFFF0  }
0x42: {  	[tilespmem:s12], [sflag:$0x1] =	stream.indirect.gather [hbm4b:s2+s31], $0x80, s16, s31, $0xb8;
	[tilespmem:$0x1F980] =	vst v63  }
0x43: {  	_ =	swait.ge [sflag:s9], $0x800  }
0x44: {  	[sflag:s9] =	ssyncset.done $0x0  }
0x45: {  	[sflag:s9] =	ssyncadd.s32 $0xFFFFF800  }
0x46: {  	[spmem:s3] =	stream.indirect.scatter.add.f32 [tilespmem:s12], [sflag:$0x7], $0x80, s30, s31, $0xb8;
	[tilespmem:$0x1F980] =	vst v63  }
0x47: {  	_ =	swait.ge [sflag:s17], $0x800  }
0x48: {  	[sflag:s17] =	ssyncset.done $0x0  }
0x49: {  	[sflag:s17] =	ssyncadd.s32 $0xFFFFF800  }
0x4a: {  	[bflag:$0x0] =	sbarrier.arrive $0xFFFF  }
0x4b: {  	s13 =	simm.s32 @p1 $0x1FC7;
	s14 =	rddreg [dreg:$0xb]  }
0x4c: {  	[hbm:s14], [sflag:s13] =	dma.local @p1 [spmem:s7], $0x1900  }
0x4d: {  	s7 =	simm.s32 @p1 $0x7  }
0x4e: {  	_ =	swait.ge @p1 [sflag:s7], $0x1900  }
0x4f: {  	[sflag:s7] =	ssyncset.done @p1 $0x0  }
0x50: {  	[sflag:s7] =	ssyncadd.s32 @p1 $0xFFFFE700;
	s7 =	rddreg [dreg:$0xa]  }
0x51: {  	[hbm:s7], [sflag:s6] =	dma.local @!p1 [spmem:s1], $0x2800  }
0x52: {  	s1 =	simm.s32 @!p1 $0x7  }
0x53: {  	_ =	swait.ge @!p1 [sflag:s1], $0x2800  }
0x54: {  	s0 =	sadd.s32 $0x1, s0;
	s25 =	rddreg [dreg:$0xc]  }
0x55: {  	p2 =	sne.s32 s0, s25  }
.Ltmp1:
0x56: {  	_ = 	snop;
	(pc) =	sbr.rel @!p2 .LBB2_18-.Ltmp1, $3  }
0x57: {  	_ =	sdelay $0x1  }
0x58: {  	[sflag:s1] =	ssyncset.done @!p1 $0x0  }
0x59: {  	[sflag:s1] =	ssyncadd.s32 @!p1 $0xFFFFD800  }
.LBB2_1:
0x5a: {  	s1 =	rddreg [dreg:$0x4]  }
0x5b: {  	[tilespmem:s4], [sflag:$0x7] =	stream.linear.gather [hbm4b:s1+s4], $0x2710, $0x38;
	[tilespmem:$0x1F980] =	vst v63  }
0x5c: {  	_ =	swait.ge [sflag:s17], $0x2710  }
.Ltmp2:
0x5d: {  	s1 =	stileid.u32;
	[sflag:s17] =	ssyncset.done $0x0;
	(pc) =	sbr.rel @!p0 .LBB2_2-.Ltmp2, $4  }
0x5e: {  	s6 =	sshll.u32 @!p1 s1, $0x6;
	s25 =	rddreg [dreg:$0x5];
	[sflag:s17] =	ssyncadd.s32 $0xFFFFD8F0  }
0x5f: {  	[tilespmem:s18], [sflag:$0x3] =	stream.linear.gather [hbm4b:s25+s4], $0x80, $0x38;
	[tilespmem:$0x1F980] =	vst v63  }
0x60: {  	s7 =	sshrl.u32 @p1 s10, $0x3;
	s1 =	sshrl.u32 @!p1 s8, $0x3;
	s6 =	sor.u32 @!p1 $0x1C07, s6  }
0x61: {  	[tilespmem:s20], [sflag:$0x1] =	stream.indirect.gather [hbm4b:s2+s19], $0x80, s4, s19, $0xb8;
	[tilespmem:$0x1F980] =	vst v63  }
0x62: {  	s13 =	sand.u32 $0x3E00, s4  }
0x63: {  	s14 =	sand.u32 $0x70, s4;
	s16 =	sshrl.u32 s13, $0x2  }
0x64: {  	s13 =	simm.s32 $0x40;
	s16 =	sor.u32 s14, s16;
	s14 =	simm.s32 $0x0  }
.LBB2_4:
0x65: {  	p2 =	sne.s32 s13, $0x3FC0  }
0x66: {  	[tilespmem:s16+$0xB100] =	vst v0;
	s14 =	sadd.s32 $0x10, s14;
	s16 =	smov.u32 s13;
	s13 =	sadd.s32 $0x40, s13  }
.Ltmp3:
0x67: {  	(pc) =	sbr.rel @p2 .LBB2_4-.Ltmp3, $4  }
0x68: {  	_ = 	snop  }
0x69: {  	s16 =	sand.u32 $0x3E00, s16  }
0x6a: {  	s25 =	sand.u32 $0x70, s14;
	s16 =	sshrl.u32 s16, $0x2  }
0x6b: {  	s16 =	sor.u32 s25, s16  }
.Ltmp4:
0x6c: {  	(pc) =	sbr.rel @!p1 .LBB2_6-.Ltmp4, $2  }
0x6d: {  	_ =	sdelay $0x2  }
0x6e: {  	[tilespmem:s16+$0xB100] =	vst v0  }
0x6f: {  	[spmem:s10] =	stream.linear.scatter [tilespmem:s21], [sflag:$0x7], $0x1000, $0x38;
	[tilespmem:$0x1F980] =	vst v63  }
0x70: {  	_ =	swait.ge [sflag:s17], $0x1000  }
0x71: {  	s13 =	sld [smem:$0x7F3]  }
0x72: {  	[sflag:s17] =	ssyncset.done $0x0  }
0x73: {  	[sflag:s17] =	ssyncadd.s32 $0xFFFFF000  }
0x74: {  	[spmem:s13] =	stream.linear.scatter [tilespmem:s21], [sflag:$0x7], $0x1000, $0x38;
	[tilespmem:$0x1F980] =	vst v63  }
0x75: {  	_ =	swait.ge [sflag:s17], $0x1000  }
0x76: {  	s15 =	sld [smem:$0x7F4]  }
0x77: {  	[sflag:s17] =	ssyncset.done $0x0  }
0x78: {  	[sflag:s17] =	ssyncadd.s32 $0xFFFFF000  }
0x79: {  	[spmem:s15] =	stream.linear.scatter [tilespmem:s21], [sflag:$0x7], $0x1000, $0x38;
	[tilespmem:$0x1F980] =	vst v63  }
0x7a: {  	_ =	swait.ge [sflag:s17], $0x1000  }
0x7b: {  	s16 =	sld [smem:$0x7F5]  }
0x7c: {  	[sflag:s17] =	ssyncset.done $0x0  }
0x7d: {  	[sflag:s17] =	ssyncadd.s32 $0xFFFFF000  }
0x7e: {  	[spmem:s16] =	stream.linear.scatter [tilespmem:s21], [sflag:$0x7], $0x1000, $0x38;
	[tilespmem:$0x1F980] =	vst v63  }
0x7f: {  	_ =	swait.ge [sflag:s17], $0x1000  }
0x80: {  	s25 =	sld [smem:$0x7F6]  }
0x81: {  	[sflag:s17] =	ssyncset.done $0x0  }
0x82: {  	[sflag:s17] =	ssyncadd.s32 $0xFFFFF000  }
0x83: {  	[spmem:s25] =	stream.linear.scatter [tilespmem:s21], [sflag:$0x7], $0x1000, $0x38;
	[tilespmem:$0x1F980] =	vst v63  }
0x84: {  	_ =	swait.ge [sflag:s17], $0x1000  }
0x85: {  	s14 =	sld [smem:$0x7F7]  }
0x86: {  	[sflag:s17] =	ssyncset.done $0x0  }
0x87: {  	[sflag:s17] =	ssyncadd.s32 $0xFFFFF000  }
0x88: {  	[spmem:s14] =	stream.linear.scatter [tilespmem:s21], [sflag:$0x7], $0x1000, $0x38;
	[tilespmem:$0x1F980] =	vst v63  }
0x89: {  	_ =	swait.ge [sflag:s17], $0x1000  }
0x8a: {  	s15 =	sld [smem:$0x7F8]  }
0x8b: {  	[sflag:s17] =	ssyncset.done $0x0  }
0x8c: {  	[sflag:s17] =	ssyncadd.s32 $0xFFFFF000  }
0x8d: {  	[spmem:s15] =	stream.linear.scatter [tilespmem:s21], [sflag:$0x7], $0x1000, $0x38;
	[tilespmem:$0x1F980] =	vst v63  }
0x8e: {  	_ =	swait.ge [sflag:s17], $0x1000  }
0x8f: {  	s16 =	sld [smem:$0x7F9]  }
0x90: {  	[sflag:s17] =	ssyncset.done $0x0  }
0x91: {  	[sflag:s17] =	ssyncadd.s32 $0xFFFFF000  }
0x92: {  	[spmem:s16] =	stream.linear.scatter [tilespmem:s21], [sflag:$0x7], $0x1000, $0x38;
	[tilespmem:$0x1F980] =	vst v63  }
0x93: {  	_ =	swait.ge [sflag:s17], $0x1000  }
0x94: {  	s25 =	sld [smem:$0x7FA]  }
0x95: {  	[sflag:s17] =	ssyncset.done $0x0  }
0x96: {  	[sflag:s17] =	ssyncadd.s32 $0xFFFFF000  }
0x97: {  	[spmem:s25] =	stream.linear.scatter [tilespmem:s21], [sflag:$0x7], $0x1000, $0x38;
	[tilespmem:$0x1F980] =	vst v63  }
0x98: {  	_ =	swait.ge [sflag:s17], $0x1000  }
0x99: {  	s14 =	sld [smem:$0x7FB]  }
0x9a: {  	[sflag:s17] =	ssyncset.done $0x0  }
0x9b: {  	[sflag:s17] =	ssyncadd.s32 $0xFFFFF000  }
0x9c: {  	[spmem:s14] =	stream.linear.scatter [tilespmem:s21], [sflag:$0x7], $0x1000, $0x38;
	[tilespmem:$0x1F980] =	vst v63  }
0x9d: {  	_ =	swait.ge [sflag:s17], $0x1000  }
0x9e: {  	s15 =	sld [smem:$0x7FC]  }
0x9f: {  	[sflag:s17] =	ssyncset.done $0x0  }
0xa0: {  	[sflag:s17] =	ssyncadd.s32 $0xFFFFF000  }
0xa1: {  	[spmem:s15] =	stream.linear.scatter [tilespmem:s21], [sflag:$0x7], $0x1000, $0x38;
	[tilespmem:$0x1F980] =	vst v63  }
0xa2: {  	_ =	swait.ge [sflag:s17], $0x1000  }
0xa3: {  	s16 =	sld [smem:$0x7FD]  }
0xa4: {  	[sflag:s17] =	ssyncset.done $0x0  }
0xa5: {  	[sflag:s17] =	ssyncadd.s32 $0xFFFFF000  }
0xa6: {  	[spmem:s16] =	stream.linear.scatter [tilespmem:s21], [sflag:$0x7], $0x1000, $0x38;
	[tilespmem:$0x1F980] =	vst v63  }
0xa7: {  	_ =	swait.ge [sflag:s17], $0x1000  }
0xa8: {  	[sflag:s17] =	ssyncset.done $0x0  }
.Ltmp5:
0xa9: {  	s25 =	rddreg [dreg:$0x8];
	[sflag:s17] =	ssyncadd.s32 $0xFFFFF000;
	(pc) =	sbr.rel .LBB2_8-.Ltmp5, $4  }
0xaa: {  	[spmem:s25] =	stream.linear.scatter [tilespmem:s21], [sflag:$0x7], $0x800, $0x38;
	[tilespmem:$0x1F980] =	vst v63  }
0xab: {  	_ =	swait.ge [sflag:s17], $0x800  }
0xac: {  	[sflag:s17] =	ssyncset.done $0x0  }
0xad: {  	[sflag:s17] =	ssyncadd.s32 $0xFFFFF800  }
.LBB2_2:
0xae: {  	s13 =	simm.s32 @p1 $0x1FC7;
	s14 =	rddreg [dreg:$0x7]  }
0xaf: {  	[spmem:s7], [sflag:s13] =	dma.local @p1 [hbm:s14], $0x1900  }
0xb0: {  	s13 =	simm.s32 @p1 $0x7  }
0xb1: {  	_ =	swait.ge @p1 [sflag:s13], $0x1900  }
0xb2: {  	[sflag:s13] =	ssyncset.done @p1 $0x0  }
0xb3: {  	[sflag:s13] =	ssyncadd.s32 @p1 $0xFFFFE700;
	s13 =	rddreg [dreg:$0x6]  }
0xb4: {  	[spmem:s1], [sflag:s6] =	dma.local @!p1 [hbm:s13], $0x2800  }
.Ltmp6:
0xb5: {  	_ = 	snop;
	(pc) =	sbr.rel .LBB2_8-.Ltmp6, $4  }
0xb6: {  	s13 =	simm.s32 @!p1 $0x7  }
0xb7: {  	_ =	swait.ge @!p1 [sflag:s13], $0x2800  }
0xb8: {  	[sflag:s13] =	ssyncset.done @!p1 $0x0  }
0xb9: {  	[sflag:s13] =	ssyncadd.s32 @!p1 $0xFFFFD800  }
.LBB2_6:
0xba: {  	[spmem:s8] =	stream.linear.scatter [tilespmem:s21], [sflag:$0x7], $0x1000, $0x38;
	[tilespmem:$0x1F980] =	vst v63  }
0xbb: {  	_ =	swait.ge [sflag:s17], $0x1000  }
0xbc: {  	[sflag:s17] =	ssyncset.done $0x0  }
0xbd: {  	s13 =	rddreg [dreg:$0xd];
	[sflag:s17] =	ssyncadd.s32 $0xFFFFF000  }
0xbe: {  	[spmem:s13] =	stream.linear.scatter [tilespmem:s21], [sflag:$0x7], $0x1000, $0x38;
	[tilespmem:$0x1F980] =	vst v63  }
0xbf: {  	_ =	swait.ge [sflag:s17], $0x1000  }
0xc0: {  	[sflag:s17] =	ssyncset.done $0x0  }
0xc1: {  	s16 =	rddreg [dreg:$0xe];
	[sflag:s17] =	ssyncadd.s32 $0xFFFFF000  }
0xc2: {  	[spmem:s16] =	stream.linear.scatter [tilespmem:s21], [sflag:$0x7], $0x1000, $0x38;
	[tilespmem:$0x1F980] =	vst v63  }
0xc3: {  	_ =	swait.ge [sflag:s17], $0x1000  }
0xc4: {  	[sflag:s17] =	ssyncset.done $0x0  }
0xc5: {  	s25 =	rddreg [dreg:$0xf];
	[sflag:s17] =	ssyncadd.s32 $0xFFFFF000  }
0xc6: {  	[spmem:s25] =	stream.linear.scatter [tilespmem:s21], [sflag:$0x7], $0x1000, $0x38;
	[tilespmem:$0x1F980] =	vst v63  }
0xc7: {  	_ =	swait.ge [sflag:s17], $0x1000  }
0xc8: {  	[sflag:s17] =	ssyncset.done $0x0  }
0xc9: {  	s14 =	rddreg [dreg:$0x10];
	[sflag:s17] =	ssyncadd.s32 $0xFFFFF000  }
0xca: {  	[spmem:s14] =	stream.linear.scatter [tilespmem:s21], [sflag:$0x7], $0x1000, $0x38;
	[tilespmem:$0x1F980] =	vst v63  }
0xcb: {  	_ =	swait.ge [sflag:s17], $0x1000  }
0xcc: {  	[sflag:s17] =	ssyncset.done $0x0  }
0xcd: {  	s15 =	rddreg [dreg:$0x11];
	[sflag:s17] =	ssyncadd.s32 $0xFFFFF000  }
0xce: {  	[spmem:s15] =	stream.linear.scatter [tilespmem:s21], [sflag:$0x7], $0x1000, $0x38;
	[tilespmem:$0x1F980] =	vst v63  }
0xcf: {  	_ =	swait.ge [sflag:s17], $0x1000  }
0xd0: {  	[sflag:s17] =	ssyncset.done $0x0  }
0xd1: {  	s16 =	rddreg [dreg:$0x12];
	[sflag:s17] =	ssyncadd.s32 $0xFFFFF000  }
0xd2: {  	[spmem:s16] =	stream.linear.scatter [tilespmem:s21], [sflag:$0x7], $0x1000, $0x38;
	[tilespmem:$0x1F980] =	vst v63  }
0xd3: {  	_ =	swait.ge [sflag:s17], $0x1000  }
0xd4: {  	[sflag:s17] =	ssyncset.done $0x0  }
0xd5: {  	s25 =	rddreg [dreg:$0x13];
	[sflag:s17] =	ssyncadd.s32 $0xFFFFF000  }
0xd6: {  	[spmem:s25] =	stream.linear.scatter [tilespmem:s21], [sflag:$0x7], $0x1000, $0x38;
	[tilespmem:$0x1F980] =	vst v63  }
0xd7: {  	_ =	swait.ge [sflag:s17], $0x1000  }
0xd8: {  	[sflag:s17] =	ssyncset.done $0x0  }
0xd9: {  	s14 =	rddreg [dreg:$0x14];
	[sflag:s17] =	ssyncadd.s32 $0xFFFFF000  }
0xda: {  	[spmem:s14] =	stream.linear.scatter [tilespmem:s21], [sflag:$0x7], $0x1000, $0x38;
	[tilespmem:$0x1F980] =	vst v63  }
0xdb: {  	_ =	swait.ge [sflag:s17], $0x1000  }
0xdc: {  	[sflag:s17] =	ssyncset.done $0x0  }
0xdd: {  	s15 =	rddreg [dreg:$0x16];
	[sflag:s17] =	ssyncadd.s32 $0xFFFFF000  }
0xde: {  	[spmem:s15] =	stream.linear.scatter [tilespmem:s21], [sflag:$0x7], $0x1000, $0x38;
	[tilespmem:$0x1F980] =	vst v63  }
0xdf: {  	_ =	swait.ge [sflag:s17], $0x1000  }
0xe0: {  	[sflag:s17] =	ssyncset.done $0x0  }
0xe1: {  	s16 =	rddreg [dreg:$0x17];
	[sflag:s17] =	ssyncadd.s32 $0xFFFFF000  }
0xe2: {  	[spmem:s16] =	stream.linear.scatter [tilespmem:s21], [sflag:$0x7], $0x1000, $0x38;
	[tilespmem:$0x1F980] =	vst v63  }
0xe3: {  	_ =	swait.ge [sflag:s17], $0x1000  }
0xe4: {  	[sflag:s17] =	ssyncset.done $0x0  }
0xe5: {  	s25 =	rddreg [dreg:$0x18];
	[sflag:s17] =	ssyncadd.s32 $0xFFFFF000  }
0xe6: {  	[spmem:s25] =	stream.linear.scatter [tilespmem:s21], [sflag:$0x7], $0x1000, $0x38;
	[tilespmem:$0x1F980] =	vst v63  }
0xe7: {  	_ =	swait.ge [sflag:s17], $0x1000  }
0xe8: {  	[sflag:s17] =	ssyncset.done $0x0  }
0xe9: {  	s14 =	rddreg [dreg:$0x19];
	[sflag:s17] =	ssyncadd.s32 $0xFFFFF000  }
0xea: {  	[spmem:s14] =	stream.linear.scatter [tilespmem:s21], [sflag:$0x7], $0x1000, $0x38;
	[tilespmem:$0x1F980] =	vst v63  }
0xeb: {  	_ =	swait.ge [sflag:s17], $0x1000  }
0xec: {  	[sflag:s17] =	ssyncset.done $0x0  }
0xed: {  	s15 =	rddreg [dreg:$0x1a];
	[sflag:s17] =	ssyncadd.s32 $0xFFFFF000  }
0xee: {  	[spmem:s15] =	stream.linear.scatter [tilespmem:s21], [sflag:$0x7], $0x1000, $0x38;
	[tilespmem:$0x1F980] =	vst v63  }
0xef: {  	_ =	swait.ge [sflag:s17], $0x1000  }
0xf0: {  	[sflag:s17] =	ssyncset.done $0x0  }
0xf1: {  	s16 =	rddreg [dreg:$0x1b];
	[sflag:s17] =	ssyncadd.s32 $0xFFFFF000  }
0xf2: {  	[spmem:s16] =	stream.linear.scatter [tilespmem:s21], [sflag:$0x7], $0x1000, $0x38;
	[tilespmem:$0x1F980] =	vst v63  }
0xf3: {  	_ =	swait.ge [sflag:s17], $0x1000  }
0xf4: {  	[sflag:s17] =	ssyncset.done $0x0  }
0xf5: {  	s25 =	rddreg [dreg:$0x1c];
	[sflag:s17] =	ssyncadd.s32 $0xFFFFF000  }
0xf6: {  	[spmem:s25] =	stream.linear.scatter [tilespmem:s21], [sflag:$0x7], $0x1000, $0x38;
	[tilespmem:$0x1F980] =	vst v63  }
0xf7: {  	_ =	swait.ge [sflag:s17], $0x1000  }
0xf8: {  	[sflag:s17] =	ssyncset.done $0x0  }
0xf9: {  	s14 =	rddreg [dreg:$0x1d];
	[sflag:s17] =	ssyncadd.s32 $0xFFFFF000  }
0xfa: {  	[spmem:s14] =	stream.linear.scatter [tilespmem:s21], [sflag:$0x7], $0x1000, $0x38;
	[tilespmem:$0x1F980] =	vst v63  }
0xfb: {  	_ =	swait.ge [sflag:s17], $0x1000  }
0xfc: {  	[sflag:s17] =	ssyncset.done $0x0  }
0xfd: {  	s15 =	rddreg [dreg:$0x1e];
	[sflag:s17] =	ssyncadd.s32 $0xFFFFF000  }
0xfe: {  	[spmem:s15] =	stream.linear.scatter [tilespmem:s21], [sflag:$0x7], $0x1000, $0x38;
	[tilespmem:$0x1F980] =	vst v63  }
0xff: {  	_ =	swait.ge [sflag:s17], $0x1000  }
0x100: {  	[sflag:s17] =	ssyncset.done $0x0  }
0x101: {  	s16 =	rddreg [dreg:$0x1f];
	[sflag:s17] =	ssyncadd.s32 $0xFFFFF000  }
0x102: {  	[spmem:s16] =	stream.linear.scatter [tilespmem:s21], [sflag:$0x7], $0x1000, $0x38;
	[tilespmem:$0x1F980] =	vst v63  }
0x103: {  	_ =	swait.ge [sflag:s17], $0x1000  }
0x104: {  	s25 =	sld [smem:$0x7F2]  }
0x105: {  	[sflag:s17] =	ssyncset.done $0x0  }
0x106: {  	[sflag:s17] =	ssyncadd.s32 $0xFFFFF000  }
0x107: {  	[spmem:s25] =	stream.linear.scatter [tilespmem:s21], [sflag:$0x7], $0x1000, $0x38;
	[tilespmem:$0x1F980] =	vst v63  }
0x108: {  	_ =	swait.ge [sflag:s17], $0x1000  }
0x109: {  	[sflag:s17] =	ssyncset.done $0x0  }
0x10a: {  	[sflag:s17] =	ssyncadd.s32 $0xFFFFF000  }
.LBB2_8:
.Ltmp7:
0x10b: {  	(pc) =	sbr.rel .LBB2_9-.Ltmp7, $3  }
0x10c: {  	_ =	sdelay $0x1  }
0x10d: {  	[bflag:$0x0] =	sbarrier.arrive $0xFFFF  }
0x10e: {  	s13 =	simm.s32 $0x0;
	s14 =	simm.s32 $0x80;
	s25 =	rddreg [dreg:$0x15]  }
.LBB2_15:
0x10f: {  	_ =	swait.ge [sflag:s22], $0x4000  }
0x110: {  	s15 =	sshrl.u32 s25, $0x3;
	[sflag:s22] =	ssyncset.done $0x0  }
0x111: {  	s15 =	sadd.s32 s5, s15;
	[sflag:s22] =	ssyncadd.s32 $0xFFFFC000  }
0x112: {  	[tilespmem:s18], [sflag:$0x3] =	stream.linear.gather [hbm4b:s15+s4], $0x80, $0x38;
	[tilespmem:$0x1F980] =	vst v63  }
0x113: {  	_ = 	snop  }
0x114: {  	[tilespmem:s20], [sflag:$0x1] =	stream.indirect.gather [hbm4b:s2+s19], $0x80, s14, s19, $0xb8;
	[tilespmem:$0x1F980] =	vst v63  }
0x115: {  	_ =	swait.ge [sflag:s23], $0x80  }
0x116: {  	[sflag:s23] =	ssyncset.done $0x0  }
0x117: {  	[sflag:s23] =	ssyncadd.s32 $0xFFFFFF80  }
0x118: {  	_ =	swait.ge [sflag:s24], $0x4000  }
0x119: {  	[sflag:s24] =	ssyncset.done $0x0  }
0x11a: {  	[sflag:s24] =	ssyncadd.s32 $0xFFFFC000  }
0x11b: {  	[spmem:s3] =	stream.indirect.scatter.add.f32 [tilespmem:s28], [sflag:$0x6], $0x80, s26, s19, $0xb8;
	[tilespmem:$0x1F980] =	vst v63  }
.LBB2_16:
0x11c: {  	s13 =	sadd.s32 $0x1, s13  }
0x11d: {  	p2 =	sne.s32 s13, $0x4D  }
.Ltmp8:
0x11e: {  	_ = 	snop;
	(pc) =	sbr.rel @!p2 .LBB2_17-.Ltmp8, $2  }
0x11f: {  	_ =	sdelay $0x2  }
0x120: {  	s25 =	sadd.s32 $0x80, s25;
	s14 =	sadd.s32 $0x80, s14  }
.LBB2_9:
0x121: {  	s16 =	sand.u32 $0x1, s13  }
0x122: {  	p2 =	seq.s32 s16, $0x1  }
.Ltmp9:
0x123: {  	_ = 	snop;
	(pc) =	sbr.rel @p2 .LBB2_15-.Ltmp9, $1  }
0x124: {  	_ =	sdelay $0x3  }
0x125: {  	p2 =	seq.s32 s13, $0x0  }
.Ltmp10:
0x126: {  	_ = 	snop;
	(pc) =	sbr.rel @p2 .LBB2_13-.Ltmp10, $1  }
0x127: {  	_ =	sdelay $0x3  }
0x128: {  	p2 =	seq.s32 s13, $0x4D  }
.Ltmp11:
0x129: {  	_ = 	snop;
	(pc) =	sbr.rel @p2 .LBB2_14-.Ltmp11, $1  }
0x12a: {  	_ =	sdelay $0x3  }
0x12b: {  	_ =	swait.ge [sflag:s29], $0x4000  }
0x12c: {  	[sflag:s29] =	ssyncset.done $0x0  }
0x12d: {  	[sflag:s29] =	ssyncadd.s32 $0xFFFFC000  }
.LBB2_13:
0x12e: {  	s15 =	sshrl.u32 s25, $0x3  }
0x12f: {  	s15 =	sadd.s32 s5, s15  }
0x130: {  	[tilespmem:s26], [sflag:$0x4] =	stream.linear.gather [hbm4b:s15+s4], $0x80, $0x38;
	[tilespmem:$0x1F980] =	vst v63  }
0x131: {  	_ = 	snop  }
0x132: {  	[tilespmem:s28], [sflag:$0x2] =	stream.indirect.gather [hbm4b:s2+s19], $0x80, s14, s19, $0xb8;
	[tilespmem:$0x1F980] =	vst v63  }
.LBB2_14:
0x133: {  	_ =	swait.ge [sflag:s11], $0x80  }
0x134: {  	p2 =	seq.s32 s16, $0x0;
	[sflag:s11] =	ssyncset.done $0x0  }
.Ltmp12:
0x135: {  	[sflag:s11] =	ssyncadd.s32 $0xFFFFFF80;
	(pc) =	sbr.rel @p2 .LBB2_16-.Ltmp12, $4  }
.Ltmp13:
0x136: {  	_ =	swait.ge [sflag:s9], $0x4000;
	(pc) =	sbr.rel @!p2 .LBB2_15-.Ltmp13, $4  }
0x137: {  	[sflag:s9] =	ssyncset.done $0x0  }
0x138: {  	[sflag:s9] =	ssyncadd.s32 $0xFFFFC000  }
0x139: {  	[spmem:s3] =	stream.indirect.scatter.add.f32 [tilespmem:s20], [sflag:$0x5], $0x80, s18, s19, $0xb8;
	[tilespmem:$0x1F980] =	vst v63  }
0x13a: {  	_ = 	snop  }
.LBB2_18:
0x13b: {  	_ =	sfence.sel $0x180000  }
0x13c: {  	[bflag:$0x0] =	sbarrier.arrive $0xFFFF  }
0x13d: {  	_ =	strace $0x9000004D  }
0x13e: {  	s0 =	stileid.u32;
	[bflag:$0x2] =	sbarrier.arrive $0xFFFF  }
0x13f: {  	p0 =	sne.s32 s0, $0x0;
	s0 =	rddreg [dreg:$0x3]  }
0x140: {  	s0 =	sadd.s32 @!p0 $0x100000, s0  }
0x141: {  	[sflag:s0] =	ssyncadd.tile.s32 @!p0 $0x1;
	_ =	shalt  }
.Lfunc_end2:
_tile_overlayer_lowered:
.L_overlay_start_2:
0x142: {  	(tag) =	ssettag $0x2  }
0x143: {  	s0 =	rddreg [dreg:$0x0];
	s2 =	stileid.u32  }
0x144: {  	s1 =	rddreg [dreg:$0x1];
	p0 =	sne.s32 s2, $0x0  }
0x145: {  	s3 =	rddreg [dreg:$0x2];
	[bflag:$0x3] =	sbarrier.arrive $0xFFFF;
	s2 =	simm.s32 @!p0 $0x1C07  }
0x146: {  	[timem:s3], [sflag:s2] =	dma.local @!p0 [hbm:s0], s1  }
0x147: {  	s0 =	simm.s32 @!p0 $0x7  }
0x148: {  	_ =	swait.ge @!p0 [sflag:s0], s1  }
0x149: {  	s1 =	ssub.s32 @!p0 $0x0, s1;
	[sflag:s0] =	ssyncset.done @!p0 $0x0  }
0x14a: {  	[sflag:s0] =	ssyncadd.s32 @!p0 s1  }
0x14b: {  	[bflag:$0x3] =	sbarrier.arrive $0xFFFF  }
0x14c: {  	_ =	shalt  }

// kernel: kernel.9.cloned.1.call-start
scs
__scs_entry_jumppad:
0x0: {  	(pc) =	sbr.rel $0x88, $3  }
0x1: {  	(tag) =	ssettag $0x0;
	lr =	simm.s32 $0x1  }
0x2: {  	[smem:$0x3F9D] =	sst lr;
	_ =	strace $0xD0000000  }
0x3: {  	_ = 	snop  }
0x4: {  	_ = 	snop  }
0x5: {  	_ = 	snop  }
0x6: {  	_ = 	snop  }
0x7: {  	_ = 	snop  }
__scs_overlays_trampoline_lowered:
0x8: {  	[smem:$0x3FAC] =	sst s0  }
0x9: {  	[smem:$0x3FAD] =	sst s1  }
0xa: {  	[smem:$0x3FAE] =	sst s2  }
0xb: {  	[smem:$0x3FAF] =	sst s3  }
0xc: {  	[smem:$0x3FB0] =	sst s4  }
0xd: {  	[smem:$0x3FB1] =	sst s5  }
0xe: {  	[smem:$0x3FB2] =	sst s6  }
0xf: {  	[smem:$0x3FB3] =	sst s7  }
0x10: {  	[smem:$0x3FB4] =	sst s8  }
0x11: {  	[smem:$0x3FB5] =	sst s9;
	s0 =	simm.s32 @!p0 $0x0  }
0x12: {  	s1 =	sld [smem:$0x3F9B];
	s0 =	simm.s32 @p0 $0x1  }
0x13: {  	[smem:$0x3FB6] =	sst s0;
	s0 =	simm.s32 @!p1 $0x0  }
0x14: {  	s2 =	sld [smem:$0x3F9A];
	s0 =	simm.s32 @p1 $0x1  }
0x15: {  	[smem:$0x3FB7] =	sst s0;
	s0 =	simm.s32 @!p2 $0x0  }
0x16: {  	s3 =	sld [smem:$0x3FDB];
	s0 =	simm.s32 @p2 $0x1  }
0x17: {  	s4 =	simm.s32 $0x1BF5;
	[smem:$0x3FB9] =	sst s0  }
0x18: {  	s0 =	sld [smem:$0x3F9C];
	_ =	swait.ge [sflag:s4], $0x0  }
0x19: {  	s7 =	sld [smem:$0x3F9D]  }
0x1a: {  	s8 =	sadd.s32 $0xFFFFE003, lr  }
0x1b: {  	s9 =	sadd.s32 $0xFFFFFEF7, lr;
	s5 =	simm.s32 $0xFFFFFFFF;
	p2 =	slt.u32 s8, $0xFFFFF086  }
0x1c: {  	p1 =	slt.u32 s9, $0xF7A;
	s5 =	simm.s32 @!p2 $0x0  }
0x1d: {  	s5 =	simm.s32 @p1 $0x1;
	p0 =	seq.s32 s7, s2  }
0x1e: {  	s7 =	smul.u32 @!p0 $0xF7A, s2;
	p2 =	seq.s32 @!p0 s5, $0x0  }
0x1f: {  	s9 =	smul.u32 $0xF7A, s1;
	s8 =	simm.s32 @!p0 $0x1BF5;
	p2 =	por !p2, p0  }
0x20: {  	[sflag:s8] =	ssyncset.s32 @!p0 $0xFFFFF086;
	s6 =	sadd.s32 @!p0 s3, s7;
	s7 =	simm.s32 @!p0 $0x108  }
0x21: {  	s3 =	sadd.s32 s3, s9;
	s6 =	sadd.s32 @!p0 $0x88, s6;
	s7 =	simm.s32 @p2 $0x1082  }
0x22: {  	[simem:s7], [sflag:s8] =	dma.local @!p0 [hbm:s6], $0xF7A  }
0x23: {  	s9 =	sor.u32 $0xD0000000, s2;
	s6 =	simm.s32 $0x108;
	_ =	swait.ge @!p0 [sflag:s8], $0x0  }
0x24: {  	s3 =	sadd.s32 $0x88, s3;
	s6 =	simm.s32 @!p1 $0x1082;
	[sflag:s4] =	ssyncset.s32 $0xFFFFF086  }
0x25: {  	[simem:s6], [sflag:s4] =	dma.local [hbm:s3], $0xF7A  }
0x26: {  	[smem:$0x3F9D] =	sst s1;
	(tag) =	ssettag s2;
	_ =	strace s9  }
0x27: {  	s1 =	sld [smem:$0x3FAD]  }
0x28: {  	s2 =	sld [smem:$0x3FAE]  }
0x29: {  	s4 =	sld [smem:$0x3FB0]  }
0x2a: {  	p0 =	seq.s32 s5, $0x0;
	s5 =	sld [smem:$0x3FB1]  }
0x2b: {  	s6 =	sld [smem:$0x3FB2]  }
0x2c: {  	s7 =	sld [smem:$0x3FB3]  }
0x2d: {  	s3 =	simm.s32 $0x108;
	s8 =	sld [smem:$0x3FB4]  }
0x2e: {  	s3 =	simm.s32 @!p0 $0x1082;
	s9 =	sld [smem:$0x3FB5]  }
0x2f: {  	lr =	sadd.s32 s0, s3;
	s0 =	sld [smem:$0x3FAC]  }
0x30: {  	s3 =	sld [smem:$0x3FAF]  }
0x31: {  	[smem:$0x3FB8] =	sst s10  }
0x32: {  	s10 =	sld [smem:$0x3FB6];
	_ =	sdelay $0x3  }
0x33: {  	p0 =	seq.s32 s10, $0x1;
	s10 =	sld [smem:$0x3FB8];
	_ =	sdelay $0x3  }
0x34: {  	[smem:$0x3FB8] =	sst s10  }
0x35: {  	s10 =	sld [smem:$0x3FB7];
	_ =	sdelay $0x3  }
0x36: {  	p1 =	seq.s32 s10, $0x1;
	s10 =	sld [smem:$0x3FB8];
	_ =	sdelay $0x3  }
0x37: {  	[smem:$0x3FB8] =	sst s10  }
0x38: {  	s10 =	sld [smem:$0x3FB9]  }
0x39: {  	_ = 	snop;
	(pc) =	sbr.ind lr, $3  }
0x3a: {  	_ = 	snop  }
0x3b: {  	_ = 	snop  }
0x3c: {  	p2 =	seq.s32 s10, $0x1;
	s10 =	sld [smem:$0x3FB8]  }
0x3d: {  	_ =	shalt  }
0x3e: {  	_ =	shalt  }
0x3f: {  	_ =	shalt  }
0x40: {  	_ =	shalt  }
0x41: {  	_ =	shalt  }
0x42: {  	_ =	shalt  }
0x43: {  	_ =	shalt  }
0x44: {  	_ =	shalt  }
0x45: {  	_ =	shalt  }
0x46: {  	_ =	shalt  }
0x47: {  	_ =	shalt  }
0x48: {  	_ =	shalt  }
0x49: {  	_ =	shalt  }
0x4a: {  	_ =	shalt  }
0x4b: {  	_ =	shalt  }
0x4c: {  	_ =	shalt  }
0x4d: {  	_ =	shalt  }
0x4e: {  	_ =	shalt  }
0x4f: {  	_ =	shalt  }
0x50: {  	_ =	shalt  }
0x51: {  	_ =	shalt  }
0x52: {  	_ =	shalt  }
0x53: {  	_ =	shalt  }
0x54: {  	_ =	shalt  }
0x55: {  	_ =	shalt  }
0x56: {  	_ =	shalt  }
0x57: {  	_ =	shalt  }
0x58: {  	_ =	shalt  }
0x59: {  	_ =	shalt  }
0x5a: {  	_ =	shalt  }
0x5b: {  	_ =	shalt  }
0x5c: {  	_ =	shalt  }
0x5d: {  	_ =	shalt  }
0x5e: {  	_ =	shalt  }
0x5f: {  	_ =	shalt  }
0x60: {  	_ =	shalt  }
0x61: {  	_ =	shalt  }
0x62: {  	_ =	shalt  }
0x63: {  	_ =	shalt  }
0x64: {  	_ =	shalt  }
0x65: {  	_ =	shalt  }
0x66: {  	_ =	shalt  }
0x67: {  	_ =	shalt  }
0x68: {  	_ =	shalt  }
0x69: {  	_ =	shalt  }
0x6a: {  	_ =	shalt  }
0x6b: {  	_ =	shalt  }
0x6c: {  	_ =	shalt  }
0x6d: {  	_ =	shalt  }
0x6e: {  	_ =	shalt  }
0x6f: {  	_ =	shalt  }
0x70: {  	_ =	shalt  }
0x71: {  	_ =	shalt  }
0x72: {  	_ =	shalt  }
0x73: {  	_ =	shalt  }
0x74: {  	_ =	shalt  }
0x75: {  	_ =	shalt  }
0x76: {  	_ =	shalt  }
0x77: {  	_ =	shalt  }
0x78: {  	_ =	shalt  }
0x79: {  	_ =	shalt  }
0x7a: {  	_ =	shalt  }
0x7b: {  	_ =	shalt  }
0x7c: {  	_ =	shalt  }
0x7d: {  	_ =	shalt  }
0x7e: {  	_ =	shalt  }
0x7f: {  	_ =	shalt  }
0x80: {  	_ =	shalt  }
0x81: {  	_ =	shalt  }
0x82: {  	_ =	shalt  }
0x83: {  	_ =	shalt  }
0x84: {  	_ =	shalt  }
0x85: {  	_ =	shalt  }
0x86: {  	_ =	shalt  }
0x87: {  	_ =	shalt  }
.Lfunc_end0:
.L_simem_size_0:
called_computation_lowered:
.L_overlay_start_0:
0x88: {  	s2 =	sld [smem:$0x3FD9]  }
0x89: {  	s3 =	sld [smem:$0x3FFE];
	_ =	sdelay $0x1  }
0x8a: {  	s1 =	srdreg.scid  }
0x8b: {  	s0 =	sand.u32 $0x1, s1  }
0x8c: {  	s17 =	sshll.u32 s0, $0xA;
	s2 =	sadd.s32 s3, s2  }
0x8d: {  	s2 =	sadd.s32 s2, s17  }
0x8e: {  	[smem:$0x3FC4] =	sst s2  }
0x8f: {  	_ = 	snop  }
0x90: {  	s2 =	sld [smem:$0x3FD0];
	(tm) =	ssettm $0x1  }
0x91: {  	s18 =	sld [smem:$0x3FFB];
	_ =	sdelay $0x3  }
0x92: {  	_ =	strace s18  }
0x93: {  	s3 =	sld [smem:$0x3FFC];
	_ =	sdelay $0x3  }
0x94: {  	_ =	strace s3  }
0x95: {  	s3 =	sld [smem:$0x3FFD];
	_ =	sdelay $0x3  }
0x96: {  	_ =	strace s3  }
0x97: {  	_ =	strace $0x8FFFFFFF  }
0x98: {  	s19 =	sld [smem:$0x3FDB];
	_ =	sdelay $0x1  }
0x99: {  	s4 =	simm.s32 $_scs_section_size  }
0x9a: {  	s5 =	simm.s32 $_size__tile_overlayer_lowered;
	s6 =	simm.s32 $_tile_overlayer_lowered  }
0x9b: {  	s22 =	simm.s32 $0x1BFF;
	s21 =	sshll.u32 s6, $0x1;
	s3 =	sadd.s32 s4, s19  }
0x9c: {  	s7 =	simm.s32 $0x0;
	s20 =	sshll.u32 s5, $0x1;
	s5 =	sadd.s32 s21, s3  }
0x9d: {  	[timem:s7], [sflag:s22] =	dma.local [hbm:s5], s20  }
0x9e: {  	_ =	swait.ge [sflag:s22], s20  }
0x9f: {  	s4 =	ssub.s32 $0x0, s20;
	[sflag:s22] =	ssyncset.done $0x0  }
0xa0: {  	[sflag:s22] =	ssyncadd.s32 s4;
	_ =	sdelay $0x1  }
0xa1: {  	s23 =	simm.s32 $0x1B8B  }
0xa2: {  	_ =	swait.ge [sflag:s23], $0x1  }
0xa3: {  	[sflag:s23] =	ssyncset.done $0x0  }
0xa4: {  	s25 =	simm.s32 $0x1B8E;
	s24 =	sld [smem:$0x3FFE];
	[sflag:s23] =	ssyncadd.s32 $0xFFFFFFFF  }
0xa5: {  	s26 =	simm.s32 $execute0_lowered;
	[smem:$0x3FD2] =	sst s25  }
0xa6: {  	s5 =	sshll.u32 s26, $0x1;
	_ =	strace $0x80000046;
	[dreg:$0x1] =	wrdreg $0xFFFFFFFF  }
0xa7: {  	s28 =	simm.s32 $_size_execute0_lowered;
	s3 =	sadd.s32 s3, s5;
	[dreg:$0x0] =	wrdreg $0x0  }
0xa8: {  	s5 =	sshll.u32 s28, $0x1;
	[dreg:$0x2] =	wrdreg s3  }
0xa9: {  	[dreg:$0x3] =	wrdreg s5  }
0xaa: {  	[dreg:$0x4] =	wrdreg $0xC0  }
0xab: {  	_ =	task [dreg:s7], $0x5FFFF  }
0xac: {  	[dreg:$0x1] =	wrdreg $0xFFFFFFFF  }
0xad: {  	[dreg:$0x0] =	wrdreg $0x60  }
0xae: {  	[dreg:$0x2] =	wrdreg s24  }
0xaf: {  	[dreg:$0x3] =	wrdreg s2  }
0xb0: {  	[dreg:$0x4] =	wrdreg $0x2A800  }
0xb1: {  	[dreg:$0x5] =	wrdreg $0x9  }
0xb2: {  	_ =	task.clear_ibuf [dreg:s7], $0x6FFFF;
	_ =	strace $0x90000046  }
0xb3: {  	s29 =	simm.s32 $0x9;
	_ =	strace $0x80000048  }
0xb4: {  	_ =	swait.ge [sflag:s29], $0x1  }
0xb5: {  	[sflag:s29] =	ssyncadd.s32 $0xFFFFFFFF  }
0xb6: {  	_ =	strace $0x90000048  }
0xb7: {  	_ =	sfence  }
0xb8: {  	s30 =	sld [smem:$0x0];
	_ =	sdelay $0x2  }
0xb9: {  	s31 =	sshll.u32 s1, $0xD;
	s1 =	sshrl.u32 s1, $0x2  }
0xba: {  	s3 =	sand.u32 $0x4000, s31;
	s1 =	sadd.s32 s1, s30  }
0xbb: {  	s0 =	sor.u32 s3, s0;
	s1 =	sshll.u32 s1, $0x11  }
0xbc: {  	s0 =	sor.u32 s1, s0  }
0xbd: {  	s0 =	sadd.s32 $0x8F2B, s0  }
0xbe: {  	[sflag:s0] =	ssyncadd.remote.s32 $0x1  }
0xbf: {  	_ =	sfence.sel $0xFFFF  }
0xc0: {  	[dreg:$0x0] =	wrdreg $0xFFFFFFFF;
	(pc) =	sbr.abs _section_cstart, $3  }
0xc1: {  	[dreg:$0x1] =	wrdreg $0xFFFFFFFF  }
0xc2: {  	_ =	task.clear_ibuf [dreg:s7], $0x2FFFF;
	_ =	strace $0x9FFFFFFF  }
0xc3: {  	(tm) =	ssettm $0x7FFFFFFF  }
tec
execute0_lowered:
.L_overlay_start_1:
0x0: {  	(tag) =	ssettag $0x1  }
0x1: {  	s4 =	rddreg [dreg:$0x0]  }
0x2: {  	s8 =	rddreg [dreg:$0x1];
	s1 =	srdreg.scid  }
0x3: {  	s0 =	stileid.u32;
	s2 =	rddreg [dreg:$0x2]  }
0x4: {  	s3 =	simm.s32 $0x0;
	s13 =	simm.s32 $0x2780;
	s14 =	simm.s32 $0x2  }
0x5: {  	s15 =	simm.s32 $0x0;
	s5 =	sand.u32 $0x1, s1;
	s1 =	rddreg [dreg:$0x3]  }
0x6: {  	s6 =	sshll.u32 s0, $0x1;
	[smem:$0x7FF] =	sst s3;
	s7 =	smul.u32 $0xA00, s0  }
0x7: {  	s9 =	smul.u32 $0x280, s0;
	p0 =	seq.s32 s0, $0xF;
	s6 =	sor.u32 s5, s6  }
0x8: {  	_ =	strace $0x80000047;
	s30 =	ssub.s32 $0x2, s5;
	s11 =	smul.u32 $0x2710, s5  }
0x9: {  	s6 =	smul.u32 $0x4E2, s6;
	s10 =	sshrl.u32 s30, $0x1;
	s7 =	sshrl.u32 s7, $0x2  }
0xa: {  	s10 =	ssub.s32 s30, s10;
	s5 =	sadd.s32 s7, s2;
	s12 =	sadd.s32 s9, s11  }
0xb: {  	s11 =	sshrl.u32 s11, $0x3;
	s7 =	sadd.s32 s9, s2;
	s4 =	sadd.s32 s6, s4  }
0xc: {  	s6 =	sadd.s32 $0x2580, s2;
	s31 =	sshrl.u32 s12, $0x3;
	s11 =	sadd.s32 s8, s11  }
0xd: {  	s10 =	smax.u32 s10, $0x1;
	s12 =	simm.s32 $0x50;
	s4 =	sadd.s32 $0x2400, s4  }
0xe: {  	v0 =	vimm.f32 $1.000000000e+00;
	v1 =	vimm.f32 $0.0e+00;
	s8 =	sadd.s32 s8, s31;
	s9 =	sadd.s32 $0x4B0, s11;
	s11 =	simm.s32 $0x1  }
.LBB2_1:
0xf: {  	[tilespmem:s3], [sflag:$0x1] =	stream.linear.gather [hbm4b:s4+s3], $0x2710, $0x38;
	[tilespmem:$0x2CF8] =	vst v63  }
0x10: {  	[tilespmem:$0x2780] =	vst v0  }
0x11: {  	[tilespmem:$0x2790] =	vst v0  }
0x12: {  	[tilespmem:$0x27A0] =	vst v0  }
0x13: {  	[tilespmem:$0x27B0] =	vst v0  }
0x14: {  	[tilespmem:$0x27C0] =	vst v0  }
0x15: {  	[tilespmem:$0x2800] =	vst v1  }
0x16: {  	[tilespmem:$0x2810] =	vst v1  }
0x17: {  	[tilespmem:$0x2820] =	vst v1  }
0x18: {  	[tilespmem:$0x2830] =	vst v1  }
0x19: {  	[tilespmem:$0x2840] =	vst v1  }
0x1a: {  	[tilespmem:$0x2850] =	vst v1  }
0x1b: {  	[tilespmem:$0x2860] =	vst v1  }
0x1c: {  	[tilespmem:$0x2870] =	vst v1  }
0x1d: {  	[tilespmem:$0x2880] =	vst v1  }
0x1e: {  	[tilespmem:$0x2890] =	vst v1  }
0x1f: {  	[tilespmem:$0x28A0] =	vst v1  }
0x20: {  	[tilespmem:$0x28B0] =	vst v1  }
0x21: {  	[tilespmem:$0x28C0] =	vst v1  }
0x22: {  	[tilespmem:$0x28D0] =	vst v1  }
0x23: {  	[tilespmem:$0x28E0] =	vst v1  }
0x24: {  	[tilespmem:$0x28F0] =	vst v1  }
0x25: {  	[tilespmem:$0x2900] =	vst v1  }
0x26: {  	[tilespmem:$0x2910] =	vst v1  }
0x27: {  	[tilespmem:$0x2920] =	vst v1  }
0x28: {  	[tilespmem:$0x2930] =	vst v1  }
0x29: {  	[tilespmem:$0x2940] =	vst v1  }
0x2a: {  	[tilespmem:$0x2950] =	vst v1  }
0x2b: {  	[tilespmem:$0x2960] =	vst v1  }
0x2c: {  	[tilespmem:$0x2970] =	vst v1  }
0x2d: {  	[tilespmem:$0x2980] =	vst v1  }
0x2e: {  	[tilespmem:$0x2990] =	vst v1  }
0x2f: {  	[tilespmem:$0x29A0] =	vst v1  }
0x30: {  	[tilespmem:$0x29B0] =	vst v1  }
0x31: {  	[tilespmem:$0x29C0] =	vst v1  }
0x32: {  	[tilespmem:$0x29D0] =	vst v1  }
0x33: {  	[tilespmem:$0x29E0] =	vst v1  }
0x34: {  	[tilespmem:$0x29F0] =	vst v1  }
0x35: {  	[tilespmem:$0x2A00] =	vst v1  }
0x36: {  	[tilespmem:$0x2A10] =	vst v1  }
0x37: {  	[tilespmem:$0x2A20] =	vst v1  }
0x38: {  	[tilespmem:$0x2A30] =	vst v1  }
0x39: {  	[tilespmem:$0x2A40] =	vst v1  }
0x3a: {  	[tilespmem:$0x2A50] =	vst v1  }
0x3b: {  	[tilespmem:$0x2A60] =	vst v1  }
0x3c: {  	s16 =	simm.s32 @p0 $0x2800;
	[tilespmem:$0x2A70] =	vst v1  }
0x3d: {  	[spmem:s6] =	stream.linear.scatter @p0 [tilespmem:s16], [sflag:$0x3], $0x190, $0x38;
	[tilespmem:$0x2CF8] =	vst v63  }
0x3e: {  	s16 =	simm.s32 @p0 $0x3  }
0x3f: {  	_ =	swait.ge @p0 [sflag:s16], $0x190  }
0x40: {  	[sflag:s16] =	ssyncset.done @p0 $0x0  }
0x41: {  	[sflag:s16] =	ssyncadd.s32 @p0 $0xFFFFFE70;
	s16 =	simm.s32 @!p0 $0x2800  }
0x42: {  	[spmem:s5] =	stream.linear.scatter @!p0 [tilespmem:s16], [sflag:$0x3], $0x280, $0x38;
	[tilespmem:$0x2CF8] =	vst v63  }
0x43: {  	s16 =	simm.s32 @!p0 $0x3  }
0x44: {  	_ =	swait.ge @!p0 [sflag:s16], $0x280  }
0x45: {  	[sflag:s16] =	ssyncset.done @!p0 $0x0  }
0x46: {  	[sflag:s16] =	ssyncadd.s32 @!p0 $0xFFFFFD80  }
0x47: {  	[bflag:$0x0] =	sbarrier.arrive $0xFFFF  }
0x48: {  	_ =	swait.ge [sflag:s11], $0x2710  }
0x49: {  	[sflag:s11] =	ssyncset.done $0x0  }
0x4a: {  	s16 =	simm.s32 $0x0;
	[sflag:s11] =	ssyncadd.s32 $0xFFFFD8F0  }
.LBB2_2:
0x4b: {  	p1 =	sne.s32 s16, $0x9B00  }
.Ltmp0:
0x4c: {  	_ = 	snop;
	(pc) =	sbr.rel @p1 .LBB2_2-.Ltmp0, $3  }
0x4d: {  	_ =	sdelay $0x1  }
0x4e: {  	s17 =	sshra.s32 s16, $0x2;
	s16 =	sadd.s32 $0x140, s16  }
0x4f: {  	[spmem:s2] =	stream.indirect.scatter.add.f32 [tilespmem:s13], [sflag:$0x2], $0x1, s17, s12, $0xb8;
	[tilespmem:$0x2CF8] =	vst v63  }
0x50: {  	_ =	swait.ge [sflag:s14], $0x50  }
0x51: {  	s16 =	simm.s32 $0x7C;
	[sflag:s14] =	ssyncset.done $0x0  }
.LBB2_4:
0x52: {  	p1 =	sne.s32 s16, $0x1;
	s16 =	sadd.s32 $0xFFFFFFFF, s16;
	[sflag:s14] =	ssyncadd.s32 $0xFFFFFFB0  }
.Ltmp1:
0x53: {  	(pc) =	sbr.rel @p1 .LBB2_4-.Ltmp1, $3  }
0x54: {  	_ =	sdelay $0x1  }
0x55: {  	_ =	swait.ge [sflag:s14], $0x50  }
0x56: {  	[sflag:s14] =	ssyncset.done $0x0  }
0x57: {  	[sflag:s14] =	ssyncadd.s32 $0xFFFFFFB0  }
0x58: {  	s16 =	simm.s32 @p0 $0x2800;
	s17 =	simm.s32 @p0 $0x3;
	[bflag:$0x0] =	sbarrier.arrive $0xFFFF  }
0x59: {  	[tilespmem:s16], [sflag:$0x3] =	stream.linear.gather @p0 [spmem:s6], $0x190, $0x38;
	[tilespmem:$0x2CF8] =	vst v63  }
0x5a: {  	_ =	swait.ge @p0 [sflag:s17], $0x190  }
0x5b: {  	[sflag:s17] =	ssyncset.done @p0 $0x0  }
0x5c: {  	s18 =	simm.s32 @p0 $0x0;
	[sflag:s17] =	ssyncadd.s32 @p0 $0xFFFFFE70  }
0x5d: {  	[hbm4b:s9+s18] =	stream.linear.scatter @p0 [tilespmem:s16], [sflag:$0x3], $0x190, $0x38;
	[tilespmem:$0x2CF8] =	vst v63  }
0x5e: {  	_ =	swait.ge @p0 [sflag:s17], $0x190  }
0x5f: {  	[sflag:s17] =	ssyncset.done @p0 $0x0  }
0x60: {  	s16 =	simm.s32 @!p0 $0x2800;
	[sflag:s17] =	ssyncadd.s32 @p0 $0xFFFFFE70;
	s17 =	simm.s32 @!p0 $0x3  }
0x61: {  	[tilespmem:s16], [sflag:$0x3] =	stream.linear.gather @!p0 [spmem:s7], $0x280, $0x38;
	[tilespmem:$0x2CF8] =	vst v63  }
0x62: {  	s15 =	sadd.s32 $0x1, s15;
	_ =	swait.ge @!p0 [sflag:s17], $0x280  }
0x63: {  	p1 =	sne.s32 s15, s10;
	[sflag:s17] =	ssyncset.done @!p0 $0x0  }
.Ltmp2:
0x64: {  	s18 =	simm.s32 @!p0 $0x0;
	[sflag:s17] =	ssyncadd.s32 @!p0 $0xFFFFFD80;
	(pc) =	sbr.rel @p1 .LBB2_1-.Ltmp2, $4  }
0x65: {  	[hbm4b:s8+s18] =	stream.linear.scatter @!p0 [tilespmem:s16], [sflag:$0x3], $0x280, $0x38;
	[tilespmem:$0x2CF8] =	vst v63  }
0x66: {  	_ =	swait.ge @!p0 [sflag:s17], $0x280  }
0x67: {  	[sflag:s17] =	ssyncset.done @!p0 $0x0  }
0x68: {  	[sflag:s17] =	ssyncadd.s32 @!p0 $0xFFFFFD80  }
0x69: {  	_ =	sfence.sel $0x180000  }
0x6a: {  	[bflag:$0x0] =	sbarrier.arrive $0xFFFF  }
0x6b: {  	p0 =	sne.s32 s0, $0x0;
	_ =	strace $0x90000047  }
0x6c: {  	s0 =	sadd.s32 @!p0 $0x100000, s1;
	[bflag:$0x2] =	sbarrier.arrive $0xFFFF  }
0x6d: {  	[sflag:s0] =	ssyncadd.tile.s32 @!p0 $0x1;
	_ =	shalt  }
.Lfunc_end2:
_tile_overlayer_lowered:
.L_overlay_start_2:
0x6e: {  	(tag) =	ssettag $0x2  }
0x6f: {  	s0 =	rddreg [dreg:$0x0];
	s2 =	stileid.u32  }
0x70: {  	s1 =	rddreg [dreg:$0x1];
	p0 =	sne.s32 s2, $0x0  }
0x71: {  	s3 =	rddreg [dreg:$0x2];
	[bflag:$0x3] =	sbarrier.arrive $0xFFFF;
	s2 =	simm.s32 @!p0 $0x1C03  }
0x72: {  	[timem:s3], [sflag:s2] =	dma.local @!p0 [hbm:s0], s1  }
0x73: {  	s0 =	simm.s32 @!p0 $0x3  }
0x74: {  	_ =	swait.ge @!p0 [sflag:s0], s1  }
0x75: {  	s1 =	ssub.s32 @!p0 $0x0, s1;
	[sflag:s0] =	ssyncset.done @!p0 $0x0  }
0x76: {  	[sflag:s0] =	ssyncadd.s32 @!p0 s1  }
0x77: {  	[bflag:$0x3] =	sbarrier.arrive $0xFFFF  }
0x78: {  	_ =	shalt  }

</sc_bundles>
